<compile_context>
chip_gen: v7x
topology: tpu7x:2x2x1
jax: 0.10.2.dev20260603
libtpu: 0.0.44.dev20260713+nightly
codegen_flags: <defaults>
</compile_context>

<pallas_src>
import jax
import jax.numpy as jnp
from jax import lax
from jax.experimental import pallas as pl
from jax.experimental.pallas import tpu as pltpu
from jax.experimental.pallas import tpu_sc as plsc

N = 10000
E = 160000
D = 128
R = 4
OUT = 128

NC = 2
NS = 16
NW = NC * NS

NP = 10240
OFF_B = R * NP
OFF_H = 2 * R * NP
TBL_ROWS = OFF_H + NP

DEG_BASE = NP
DEG_ROWS = NP // D
ACC_ROWS = 10368
ROWS_PER_SUB = ACC_ROWS // NS
WB = 24
NB = ROWS_PER_SUB // WB

C = 64
EW = 5120
EP = NW * EW
NCHUNK = EW // C
CW = 3 * C


def _proj_body(h_ref, rw_ref, o_ref):
    q = pl.program_id(1)

    @pl.when(q == 2 * R)
    def _():
        o_ref[...] = h_ref[...]

    @pl.when(q != 2 * R)
    def _():
        o_ref[...] = jnp.dot(h_ref[...], rw_ref[0],
                             preferred_element_type=jnp.float32)


def _project(h_pad, rw):
    bm = NP // 4
    return pl.pallas_call(
        _proj_body,
        grid=(4, 2 * R + 1),
        in_specs=[
            pl.BlockSpec((bm, D), lambda i, q: (i, 0)),
            pl.BlockSpec((1, D, OUT), lambda i, q: (q, 0, 0)),
        ],
        out_specs=pl.BlockSpec((bm, OUT), lambda i, q: (q * 4 + i, 0)),
        out_shape=jax.ShapeDtypeStruct((TBL_ROWS, OUT), jnp.float32),
    )(h_pad, rw)


def _edge_body(tbl_hbm, eidx_hbm, out_hbm,
               eidx0, eidx1, ahx0, ahx1, bx0, bx1, idm0, idm1, idd0, idd1,
               ah0, ah1, oh_v, wb, acc, sem_a, sem_b, sem_m, sem_o):
    c = lax.axis_index("c")
    s = lax.axis_index("s")
    wid = s * NC + c

    sets = ((eidx0, ahx0, bx0, idm0, idd0, ah0),
            (eidx1, ahx1, bx1, idm1, idd1, ah1))

    zeros16 = jnp.zeros((16,), jnp.float32)
    iota16 = lax.iota(jnp.int32, 16)

    def _zero_wb(i, _):
        for k in range(D // 16):
            wb[i, pl.ds(k * 16, 16)] = zeros16
        return 0

    lax.fori_loop(0, WB, _zero_wb, 0)

    def _zero_oh(j, _):
        for k in range(D // 16):
            oh_v[j, pl.ds(k * 16, 16)] = zeros16
        return 0

    lax.fori_loop(0, C, _zero_oh, 0)

    base_row = s * ROWS_PER_SUB

    def _zero_acc(t, _):
        pltpu.sync_copy(wb, acc.at[pl.ds(base_row + t * WB, WB)])
        return 0

    lax.fori_loop(0, NB, _zero_acc, 0)
    plsc.subcore_barrier()

    wchunk = wid * NCHUNK

    def _prep(chunk, st, wait_m):
        eidx, ahx, bx, idm, idd, ah = st

        @pl.when(wait_m)
        def _():
            pltpu.make_async_copy(
                ah.at[pl.ds(C, C)], acc.at[idm], sem_m).wait()

        pltpu.sync_copy(eidx_hbm.at[pl.ds(chunk * CW, CW)], eidx)

        def _mkidx(k, _):
            sl = pl.ds(k * 16, 16)
            sv = eidx[pl.ds(k * 16, 16)]
            dv = eidx[pl.ds(C + k * 16, 16)]
            tv = eidx[pl.ds(2 * C + k * 16, 16)]
            ahx[sl] = tv * NP + dv
            ahx[pl.ds(C + k * 16, 16)] = OFF_H + sv
            bx[sl] = OFF_B + tv * NP + sv
            idm[sl] = dv
            idd[sl] = DEG_BASE + lax.shift_right_logical(dv, 7)
            return 0

        lax.fori_loop(0, C // 16, _mkidx, 0)
        pltpu.async_copy(tbl_hbm.at[ahx], ah, sem_a)

    _prep(wchunk, sets[0], jnp.bool_(False))

    def _pair(g2, _):
        for b in (0, 1):
            g = g2 * 2 + b
            eidx, ahx, bx, idm, idd, ah = sets[b]
            peidx = sets[1 - b][0]

            pltpu.make_async_copy(tbl_hbm.at[ahx], ah, sem_a).wait()
            pltpu.async_copy(tbl_hbm.at[bx], ah.at[pl.ds(0, C)], sem_b,
                             add=True)

            @pl.when(g > 0)
            def _():
                pltpu.make_async_copy(
                    oh_v, acc.at[sets[1 - b][4]], sem_o).wait()

                def _oh_clr(k, _):
                    dv = jnp.bitwise_and(peidx[pl.ds(C + k * 16, 16)], D - 1)
                    for i in range(16):
                        off = lax.shift_right_logical(dv[i], 4) * 16
                        oh_v[k * 16 + i, pl.ds(off, 16)] = zeros16
                    return 0

                lax.fori_loop(0, C // 16, _oh_clr, 0)

            @pl.when(g + 1 < NCHUNK)
            def _():
                _prep(wchunk + g + 1, sets[1 - b], g + 1 >= 2)

            def _oh_set(k, _):
                dv = jnp.bitwise_and(eidx[pl.ds(C + k * 16, 16)], D - 1)
                for i in range(16):
                    dl = dv[i]
                    off = lax.shift_right_logical(dl, 4) * 16
                    lane = jnp.bitwise_and(dl, 15)
                    oh_v[k * 16 + i, pl.ds(off, 16)] = jnp.where(
                        iota16 == lane, jnp.float32(1.0), jnp.float32(0.0))
                return 0

            lax.fori_loop(0, C // 16, _oh_set, 0)

            pltpu.make_async_copy(
                tbl_hbm.at[bx], ah.at[pl.ds(0, C)], sem_b).wait()

            def _gate_row(j, _):
                for k in range(D // 16):
                    sl = pl.ds(k * 16, 16)
                    x = ah[j, sl]
                    g_ = 1.0 / (1.0 + jnp.exp(-x))
                    ah[C + j, sl] = ah[C + j, sl] * g_
                return 0

            lax.fori_loop(0, C, _gate_row, 0)

            pltpu.async_copy(ah.at[pl.ds(C, C)], acc.at[idm], sem_m,
                             add=True)
            pltpu.async_copy(oh_v, acc.at[idd], sem_o, add=True)
        return 0

    lax.fori_loop(0, NCHUNK // 2, _pair, 0)

    pltpu.make_async_copy(
        sets[0][5].at[pl.ds(C, C)], acc.at[sets[0][3]], sem_m).wait()
    pltpu.make_async_copy(
        sets[1][5].at[pl.ds(C, C)], acc.at[sets[1][3]], sem_m).wait()
    pltpu.make_async_copy(oh_v, acc.at[sets[1][4]], sem_o).wait()
    plsc.subcore_barrier()

    def _wb(t, _):
        r0 = base_row + t * WB
        pltpu.sync_copy(acc.at[pl.ds(r0, WB)], wb)
        pltpu.sync_copy(wb, out_hbm.at[c, pl.ds(r0, WB)])
        return 0

    lax.fori_loop(0, NB, _wb, 0)


def _edge_stage(tbl, eidx):
    mesh = plsc.VectorSubcoreMesh(core_axis_name="c", subcore_axis_name="s")
    fn = pl.kernel(
        _edge_body,
        out_type=jax.ShapeDtypeStruct((NC, ACC_ROWS, D), jnp.float32),
        mesh=mesh,
        scratch_types=[
            pltpu.VMEM((CW,), jnp.int32),
            pltpu.VMEM((CW,), jnp.int32),
            pltpu.VMEM((2 * C,), jnp.int32),
            pltpu.VMEM((2 * C,), jnp.int32),
            pltpu.VMEM((C,), jnp.int32),
            pltpu.VMEM((C,), jnp.int32),
            pltpu.VMEM((C,), jnp.int32),
            pltpu.VMEM((C,), jnp.int32),
            pltpu.VMEM((C,), jnp.int32),
            pltpu.VMEM((C,), jnp.int32),
            pltpu.VMEM((2 * C, D), jnp.float32),
            pltpu.VMEM((2 * C, D), jnp.float32),
            pltpu.VMEM((C, D), jnp.float32),
            pltpu.VMEM((WB, D), jnp.float32),
            pltpu.VMEM_SHARED((ACC_ROWS, D), jnp.float32),
            pltpu.SemaphoreType.DMA,
            pltpu.SemaphoreType.DMA,
            pltpu.SemaphoreType.DMA,
            pltpu.SemaphoreType.DMA,
        ],
    )
    return fn(tbl, eidx)


def _final_body(h_ref, m_ref, d_ref, w_ref, b_ref, o_ref):
    sums = m_ref[0] + m_ref[1]
    deg = d_ref[0] + d_ref[1]
    h_n = sums / jnp.maximum(deg, 1.0)
    x = (jnp.dot(h_ref[...], w_ref[:D, :], preferred_element_type=jnp.float32)
         + jnp.dot(h_n, w_ref[D:, :], preferred_element_type=jnp.float32)
         + b_ref[...])
    o_ref[...] = jnp.where(x >= 0, x, x * jnp.float32(0.01))


def _final(h_pad, parts, deg_parts, w, b2d):
    bm = NP // 4
    return pl.pallas_call(
        _final_body,
        grid=(4,),
        in_specs=[
            pl.BlockSpec((bm, D), lambda i: (i, 0)),
            pl.BlockSpec((NC, bm, D), lambda i: (0, i, 0)),
            pl.BlockSpec((NC, bm, 1), lambda i: (0, i, 0)),
            pl.BlockSpec((2 * D, OUT), lambda i: (0, 0)),
            pl.BlockSpec((1, OUT), lambda i: (0, 0)),
        ],
        out_specs=pl.BlockSpec((bm, OUT), lambda i: (i, 0)),
        out_shape=jax.ShapeDtypeStruct((NP, OUT), jnp.float32),
    )(h_pad, parts, deg_parts, w, b2d)


def kernel(h, edge_index, edge_type, r, W, b):
    rw = jnp.concatenate(
        [r[:, :D, :], r[:, D:, :], jnp.eye(D, OUT, dtype=jnp.float32)[None]],
        axis=0)
    h_pad = jnp.concatenate([h, jnp.zeros((NP - N, D), jnp.float32)], axis=0)

    tbl = _project(h_pad, rw)

    npad = EP - E
    srcp = jnp.concatenate([edge_index[0], jnp.zeros((npad,), jnp.int32)])
    dstp = jnp.concatenate([edge_index[1], jnp.full((npad,), N, jnp.int32)])
    etp = jnp.concatenate([edge_type, jnp.zeros((npad,), jnp.int32)])
    eidx = (jnp.stack([srcp, dstp, etp], axis=0)
            .reshape(3, EP // C, C)
            .transpose(1, 0, 2)
            .reshape(3 * EP))

    parts = _edge_stage(tbl, eidx)
    deg_parts = parts[:, DEG_BASE:DEG_BASE + DEG_ROWS, :].reshape(NC, NP, 1)

    out = _final(h_pad, parts, deg_parts, W, b.reshape(1, OUT))
    return out[:N]

# --- scband reference (transcript-rebuilt; emitter-appended) ---
"""Pipeline reference for scband-simple-rec-conv-32341103739244 (READ-ONLY COPY).

The authoritative reference and input builder live on the scoring server;
editing this copy changes nothing except your own understanding.
"""

import jax, jax.numpy as jnp
import numpy as np

N = 10000
E = 160000
D = 128
R = 4
OUT = 128


def setup_inputs(seed: int = 0) -> dict:
    key = jax.random.key(seed)
    ks = jax.random.split(key, 6)
    h = jax.random.normal(ks[0], (N, D), dtype=jnp.float32)
    edge_index = jax.random.randint(ks[1], (2, E), 0, N, dtype=jnp.int32)
    edge_type = jax.random.randint(ks[2], (E,), 0, R, dtype=jnp.int32)
    r = jax.random.normal(ks[3], (R, 2 * D, D), dtype=jnp.float32) * 0.05
    W = jax.random.normal(ks[4], (2 * D, OUT), dtype=jnp.float32) * 0.05
    b = jax.random.normal(ks[5], (OUT,), dtype=jnp.float32) * 0.05
    return {"h": h, "edge_index": edge_index, "edge_type": edge_type, "r": r, "W": W, "b": b}


def reference(h, edge_index, edge_type, r, W, b):
    # SimpleRecConv defaults: gate_type='concat', aggregator='graphsage',
    # relations=True, softmax=False, attention=None, activation=True, normalize=False
    src = edge_index[0]
    dst = edge_index[1]
    src_h = jnp.take(h, src, axis=0)   # object_emb  (edges.src['h'])
    dst_h = jnp.take(h, dst, axis=0)   # subject_emb (edges.dst['h'])
    # gates: einsum('bd,bdc->bc', cat(subject, object), r[type]) then sigmoid.
    # Math-equivalent form: compute against all R relations, then select per edge type.
    cat_so = jnp.concatenate([dst_h, src_h], axis=-1)                 # [E, 2D]
    all_g = jnp.einsum('ed,rdc->erc', cat_so, r)                      # [E, R, D]
    gates = jnp.take_along_axis(all_g, edge_type[:, None, None].astype(jnp.int32), axis=1)[:, 0, :]
    gates = jax.nn.sigmoid(gates)                                     # [E, D]
    # message = u_mul_e('h','scale'), reduce = mean over incoming edges
    m = src_h * gates                                                 # [E, D]
    sums = jax.ops.segment_sum(m, dst, num_segments=N)                # [N, D]
    deg = jax.ops.segment_sum(jnp.ones((E,), dtype=h.dtype), dst, num_segments=N)
    h_N = sums / jnp.maximum(deg, 1.0)[:, None]
    # graphsage aggregator: linear(cat(h, h_N)) then LeakyReLU
    c = jnp.concatenate([h, h_N], axis=-1)                            # [N, 2D]
    out = c @ W + b
    out = jax.nn.leaky_relu(out, negative_slope=0.01)
    return out

if __name__ == "__main__":
    import jax
    _d = setup_inputs()
    print(jax.jit(kernel)(*tuple(_d.values())))

</pallas_src>

<mosaic_0001>
#map = affine_map<(d0, d1) -> (0, 0)>
#map1 = affine_map<(d0, d1) -> (0)>
#map2 = affine_map<(d0, d1) -> (0, 0, 0)>
module attributes {stable_mosaic.version = 14 : i64} {
  func.func @_edge_body(%arg0: i32, %arg1: i32, %arg2: memref<92160x128xf32, #tpu.memory_space<hbm>>, %arg3: memref<491520xi32, #tpu.memory_space<hbm>>, %arg4: memref<2x10368x128xf32, #tpu.memory_space<hbm>>, %arg5: memref<192xi32, #tpu.memory_space<vmem>>, %arg6: memref<192xi32, #tpu.memory_space<vmem>>, %arg7: memref<128xi32, #tpu.memory_space<vmem>>, %arg8: memref<128xi32, #tpu.memory_space<vmem>>, %arg9: memref<64xi32, #tpu.memory_space<vmem>>, %arg10: memref<64xi32, #tpu.memory_space<vmem>>, %arg11: memref<64xi32, #tpu.memory_space<vmem>>, %arg12: memref<64xi32, #tpu.memory_space<vmem>>, %arg13: memref<64xi32, #tpu.memory_space<vmem>>, %arg14: memref<64xi32, #tpu.memory_space<vmem>>, %arg15: memref<128x128xf32, #tpu.memory_space<vmem>>, %arg16: memref<128x128xf32, #tpu.memory_space<vmem>>, %arg17: memref<64x128xf32, #tpu.memory_space<vmem>>, %arg18: memref<24x128xf32, #tpu.memory_space<vmem>>, %arg19: memref<10368x128xf32, #tpu.memory_space<vmem_shared>>, %arg20: memref<!tpu.dma_semaphore, #tpu.memory_space<semaphore_mem>>, %arg21: memref<!tpu.dma_semaphore, #tpu.memory_space<semaphore_mem>>, %arg22: memref<!tpu.dma_semaphore, #tpu.memory_space<semaphore_mem>>, %arg23: memref<!tpu.dma_semaphore, #tpu.memory_space<semaphore_mem>>) attributes {dimension_semantics = [#tpu.dimension_semantics<core_parallel>, #tpu.dimension_semantics<subcore_parallel>], iteration_bounds = array<i64: 2, 16>, scalar_prefetch = 0 : i64, scratch_operands = 19 : i64, tpu.core_type = #tpu.core_type<sc_vector_subcore>, window_params = [{transform_indices = #map}, {transform_indices = #map1}, {transform_indices = #map2}]} {
    %mul3A = arith.constant 2 : i32
    %mul3A_0 = arith.muli %arg1, %mul3A : i32
    %add3A = arith.addi %mul3A_0, %arg0 : i32
    %broadcast_in_dim3A = arith.constant 0.000000e+00 : f32
    %broadcast_in_dim3A_1 = vector.broadcast %broadcast_in_dim3A : f32 to vector<16xf32>
    %iota3A = tpu.iota {dimensions = array<i32: 0>} : vector<16xi32>
    %scan3A = arith.constant 0 : i32
    %scan3A_2 = arith.constant 0 : i32
    %scan3A_3 = arith.constant 24 : i32
    %scan3A_4 = arith.addi %scan3A_2, %scan3A_3 : i32
    %scan3A_5 = arith.constant 1 : i32
    %scan3A_6 = scf.for %scan3A_66 = %scan3A_2 to %scan3A_4 step %scan3A_5 iter_args(%scan3A_67 = %scan3A) -> (i32)  : i32 {
      %swap3A = arith.index_cast %scan3A_66 : i32 to index
      %swap3A_68 = arith.constant 0 : index
      %swap3A_69 = tpu.vector_load %arg18[%swap3A, %swap3A_68] {strides = array<i32>} : memref<24x128xf32, #tpu.memory_space<vmem>>, vector<1x16xf32>,
      %swap3A_70 = vector.shape_cast %swap3A_69 : vector<1x16xf32> to vector<16xf32>
      %swap3A_71 = vector.shape_cast %broadcast_in_dim3A_1 : vector<16xf32> to vector<1x16xf32>
      tpu.vector_store %arg18[%swap3A, %swap3A_68], %swap3A_71 {strides = array<i32>} : memref<24x128xf32, #tpu.memory_space<vmem>>, vector<1x16xf32>,
      %swap3A_72 = arith.index_cast %scan3A_66 : i32 to index
      %swap3A_73 = arith.constant 16 : index
      %swap3A_74 = tpu.vector_load %arg18[%swap3A_72, %swap3A_73] {strides = array<i32>} : memref<24x128xf32, #tpu.memory_space<vmem>>, vector<1x16xf32>,
      %swap3A_75 = vector.shape_cast %swap3A_74 : vector<1x16xf32> to vector<16xf32>
      %swap3A_76 = vector.shape_cast %broadcast_in_dim3A_1 : vector<16xf32> to vector<1x16xf32>
      tpu.vector_store %arg18[%swap3A_72, %swap3A_73], %swap3A_76 {strides = array<i32>} : memref<24x128xf32, #tpu.memory_space<vmem>>, vector<1x16xf32>,
      %swap3A_77 = arith.index_cast %scan3A_66 : i32 to index
      %swap3A_78 = arith.constant 32 : index
      %swap3A_79 = tpu.vector_load %arg18[%swap3A_77, %swap3A_78] {strides = array<i32>} : memref<24x128xf32, #tpu.memory_space<vmem>>, vector<1x16xf32>,
      %swap3A_80 = vector.shape_cast %swap3A_79 : vector<1x16xf32> to vector<16xf32>
      %swap3A_81 = vector.shape_cast %broadcast_in_dim3A_1 : vector<16xf32> to vector<1x16xf32>
      tpu.vector_store %arg18[%swap3A_77, %swap3A_78], %swap3A_81 {strides = array<i32>} : memref<24x128xf32, #tpu.memory_space<vmem>>, vector<1x16xf32>,
      %swap3A_82 = arith.index_cast %scan3A_66 : i32 to index
      %swap3A_83 = arith.constant 48 : index
      %swap3A_84 = tpu.vector_load %arg18[%swap3A_82, %swap3A_83] {strides = array<i32>} : memref<24x128xf32, #tpu.memory_space<vmem>>, vector<1x16xf32>,
      %swap3A_85 = vector.shape_cast %swap3A_84 : vector<1x16xf32> to vector<16xf32>
      %swap3A_86 = vector.shape_cast %broadcast_in_dim3A_1 : vector<16xf32> to vector<1x16xf32>
      tpu.vector_store %arg18[%swap3A_82, %swap3A_83], %swap3A_86 {strides = array<i32>} : memref<24x128xf32, #tpu.memory_space<vmem>>, vector<1x16xf32>,
      %swap3A_87 = arith.index_cast %scan3A_66 : i32 to index
      %swap3A_88 = arith.constant 64 : index
      %swap3A_89 = tpu.vector_load %arg18[%swap3A_87, %swap3A_88] {strides = array<i32>} : memref<24x128xf32, #tpu.memory_space<vmem>>, vector<1x16xf32>,
      %swap3A_90 = vector.shape_cast %swap3A_89 : vector<1x16xf32> to vector<16xf32>
      %swap3A_91 = vector.shape_cast %broadcast_in_dim3A_1 : vector<16xf32> to vector<1x16xf32>
      tpu.vector_store %arg18[%swap3A_87, %swap3A_88], %swap3A_91 {strides = array<i32>} : memref<24x128xf32, #tpu.memory_space<vmem>>, vector<1x16xf32>,
      %swap3A_92 = arith.index_cast %scan3A_66 : i32 to index
      %swap3A_93 = arith.constant 80 : index
      %swap3A_94 = tpu.vector_load %arg18[%swap3A_92, %swap3A_93] {strides = array<i32>} : memref<24x128xf32, #tpu.memory_space<vmem>>, vector<1x16xf32>,
      %swap3A_95 = vector.shape_cast %swap3A_94 : vector<1x16xf32> to vector<16xf32>
      %swap3A_96 = vector.shape_cast %broadcast_in_dim3A_1 : vector<16xf32> to vector<1x16xf32>
      tpu.vector_store %arg18[%swap3A_92, %swap3A_93], %swap3A_96 {strides = array<i32>} : memref<24x128xf32, #tpu.memory_space<vmem>>, vector<1x16xf32>,
      %swap3A_97 = arith.index_cast %scan3A_66 : i32 to index
      %swap3A_98 = arith.constant 96 : index
      %swap3A_99 = tpu.vector_load %arg18[%swap3A_97, %swap3A_98] {strides = array<i32>} : memref<24x128xf32, #tpu.memory_space<vmem>>, vector<1x16xf32>,
      %swap3A_100 = vector.shape_cast %swap3A_99 : vector<1x16xf32> to vector<16xf32>
      %swap3A_101 = vector.shape_cast %broadcast_in_dim3A_1 : vector<16xf32> to vector<1x16xf32>
      tpu.vector_store %arg18[%swap3A_97, %swap3A_98], %swap3A_101 {strides = array<i32>} : memref<24x128xf32, #tpu.memory_space<vmem>>, vector<1x16xf32>,
      %swap3A_102 = arith.index_cast %scan3A_66 : i32 to index
      %swap3A_103 = arith.constant 112 : index
      %swap3A_104 = tpu.vector_load %arg18[%swap3A_102, %swap3A_103] {strides = array<i32>} : memref<24x128xf32, #tpu.memory_space<vmem>>, vector<1x16xf32>,
      %swap3A_105 = vector.shape_cast %swap3A_104 : vector<1x16xf32> to vector<16xf32>
      %swap3A_106 = vector.shape_cast %broadcast_in_dim3A_1 : vector<16xf32> to vector<1x16xf32>
      tpu.vector_store %arg18[%swap3A_102, %swap3A_103], %swap3A_106 {strides = array<i32>} : memref<24x128xf32, #tpu.memory_space<vmem>>, vector<1x16xf32>,
      %scan3A_107 = arith.constant 0 : i32
      scf.yield %scan3A_107 : i32
    }
    %scan3A_7 = arith.constant 24 : i32
    %scan3A_8 = arith.constant 0 : i32
    %scan3A_9 = arith.constant 0 : i32
    %scan3A_10 = arith.constant 64 : i32
    %scan3A_11 = arith.addi %scan3A_9, %scan3A_10 : i32
    %scan3A_12 = arith.constant 1 : i32
    %scan3A_13 = scf.for %scan3A_66 = %scan3A_9 to %scan3A_11 step %scan3A_12 iter_args(%scan3A_67 = %scan3A_8) -> (i32)  : i32 {
      %swap3A = arith.index_cast %scan3A_66 : i32 to index
      %swap3A_68 = arith.constant 0 : index
      %swap3A_69 = tpu.vector_load %arg17[%swap3A, %swap3A_68] {strides = array<i32>} : memref<64x128xf32, #tpu.memory_space<vmem>>, vector<1x16xf32>,
      %swap3A_70 = vector.shape_cast %swap3A_69 : vector<1x16xf32> to vector<16xf32>
      %swap3A_71 = vector.shape_cast %broadcast_in_dim3A_1 : vector<16xf32> to vector<1x16xf32>
      tpu.vector_store %arg17[%swap3A, %swap3A_68], %swap3A_71 {strides = array<i32>} : memref<64x128xf32, #tpu.memory_space<vmem>>, vector<1x16xf32>,
      %swap3A_72 = arith.index_cast %scan3A_66 : i32 to index
      %swap3A_73 = arith.constant 16 : index
      %swap3A_74 = tpu.vector_load %arg17[%swap3A_72, %swap3A_73] {strides = array<i32>} : memref<64x128xf32, #tpu.memory_space<vmem>>, vector<1x16xf32>,
      %swap3A_75 = vector.shape_cast %swap3A_74 : vector<1x16xf32> to vector<16xf32>
      %swap3A_76 = vector.shape_cast %broadcast_in_dim3A_1 : vector<16xf32> to vector<1x16xf32>
      tpu.vector_store %arg17[%swap3A_72, %swap3A_73], %swap3A_76 {strides = array<i32>} : memref<64x128xf32, #tpu.memory_space<vmem>>, vector<1x16xf32>,
      %swap3A_77 = arith.index_cast %scan3A_66 : i32 to index
      %swap3A_78 = arith.constant 32 : index
      %swap3A_79 = tpu.vector_load %arg17[%swap3A_77, %swap3A_78] {strides = array<i32>} : memref<64x128xf32, #tpu.memory_space<vmem>>, vector<1x16xf32>,
      %swap3A_80 = vector.shape_cast %swap3A_79 : vector<1x16xf32> to vector<16xf32>
      %swap3A_81 = vector.shape_cast %broadcast_in_dim3A_1 : vector<16xf32> to vector<1x16xf32>
      tpu.vector_store %arg17[%swap3A_77, %swap3A_78], %swap3A_81 {strides = array<i32>} : memref<64x128xf32, #tpu.memory_space<vmem>>, vector<1x16xf32>,
      %swap3A_82 = arith.index_cast %scan3A_66 : i32 to index
      %swap3A_83 = arith.constant 48 : index
      %swap3A_84 = tpu.vector_load %arg17[%swap3A_82, %swap3A_83] {strides = array<i32>} : memref<64x128xf32, #tpu.memory_space<vmem>>, vector<1x16xf32>,
      %swap3A_85 = vector.shape_cast %swap3A_84 : vector<1x16xf32> to vector<16xf32>
      %swap3A_86 = vector.shape_cast %broadcast_in_dim3A_1 : vector<16xf32> to vector<1x16xf32>
      tpu.vector_store %arg17[%swap3A_82, %swap3A_83], %swap3A_86 {strides = array<i32>} : memref<64x128xf32, #tpu.memory_space<vmem>>, vector<1x16xf32>,
      %swap3A_87 = arith.index_cast %scan3A_66 : i32 to index
      %swap3A_88 = arith.constant 64 : index
      %swap3A_89 = tpu.vector_load %arg17[%swap3A_87, %swap3A_88] {strides = array<i32>} : memref<64x128xf32, #tpu.memory_space<vmem>>, vector<1x16xf32>,
      %swap3A_90 = vector.shape_cast %swap3A_89 : vector<1x16xf32> to vector<16xf32>
      %swap3A_91 = vector.shape_cast %broadcast_in_dim3A_1 : vector<16xf32> to vector<1x16xf32>
      tpu.vector_store %arg17[%swap3A_87, %swap3A_88], %swap3A_91 {strides = array<i32>} : memref<64x128xf32, #tpu.memory_space<vmem>>, vector<1x16xf32>,
      %swap3A_92 = arith.index_cast %scan3A_66 : i32 to index
      %swap3A_93 = arith.constant 80 : index
      %swap3A_94 = tpu.vector_load %arg17[%swap3A_92, %swap3A_93] {strides = array<i32>} : memref<64x128xf32, #tpu.memory_space<vmem>>, vector<1x16xf32>,
      %swap3A_95 = vector.shape_cast %swap3A_94 : vector<1x16xf32> to vector<16xf32>
      %swap3A_96 = vector.shape_cast %broadcast_in_dim3A_1 : vector<16xf32> to vector<1x16xf32>
      tpu.vector_store %arg17[%swap3A_92, %swap3A_93], %swap3A_96 {strides = array<i32>} : memref<64x128xf32, #tpu.memory_space<vmem>>, vector<1x16xf32>,
      %swap3A_97 = arith.index_cast %scan3A_66 : i32 to index
      %swap3A_98 = arith.constant 96 : index
      %swap3A_99 = tpu.vector_load %arg17[%swap3A_97, %swap3A_98] {strides = array<i32>} : memref<64x128xf32, #tpu.memory_space<vmem>>, vector<1x16xf32>,
      %swap3A_100 = vector.shape_cast %swap3A_99 : vector<1x16xf32> to vector<16xf32>
      %swap3A_101 = vector.shape_cast %broadcast_in_dim3A_1 : vector<16xf32> to vector<1x16xf32>
      tpu.vector_store %arg17[%swap3A_97, %swap3A_98], %swap3A_101 {strides = array<i32>} : memref<64x128xf32, #tpu.memory_space<vmem>>, vector<1x16xf32>,
      %swap3A_102 = arith.index_cast %scan3A_66 : i32 to index
      %swap3A_103 = arith.constant 112 : index
      %swap3A_104 = tpu.vector_load %arg17[%swap3A_102, %swap3A_103] {strides = array<i32>} : memref<64x128xf32, #tpu.memory_space<vmem>>, vector<1x16xf32>,
      %swap3A_105 = vector.shape_cast %swap3A_104 : vector<1x16xf32> to vector<16xf32>
      %swap3A_106 = vector.shape_cast %broadcast_in_dim3A_1 : vector<16xf32> to vector<1x16xf32>
      tpu.vector_store %arg17[%swap3A_102, %swap3A_103], %swap3A_106 {strides = array<i32>} : memref<64x128xf32, #tpu.memory_space<vmem>>, vector<1x16xf32>,
      %scan3A_107 = arith.constant 0 : i32
      scf.yield %scan3A_107 : i32
    }
    %scan3A_14 = arith.constant 64 : i32
    %mul3A_15 = arith.constant 648 : i32
    %mul3A_16 = arith.muli %arg1, %mul3A_15 : i32
    %scan3A_17 = arith.constant 0 : i32
    %scan3A_18 = arith.constant 0 : i32
    %scan3A_19 = arith.constant 27 : i32
    %scan3A_20 = arith.addi %scan3A_18, %scan3A_19 : i32
    %scan3A_21 = arith.constant 1 : i32
    %scan3A_22 = scf.for %scan3A_66 = %scan3A_18 to %scan3A_20 step %scan3A_21 iter_args(%scan3A_67 = %scan3A_17) -> (i32)  : i32 {
      %mul3A_68 = arith.constant 24 : i32
      %mul3A_69 = arith.muli %scan3A_66, %mul3A_68 : i32
      %add3A_70 = arith.addi %mul3A_16, %mul3A_69 : i32
      "tpu.region"() ({
        %run_scoped3A = tpu.sem_alloc : memref<!tpu.dma_semaphore, #tpu.memory_space<semaphore_mem>>
        %dma_start3A_72 = arith.constant 0 : i32
        %dma_start3A_73 = tpu.memref_slice %arg19[%add3A_70, %dma_start3A_72] : memref<10368x128xf32, #tpu.memory_space<vmem_shared>> -> memref<24x128xf32, #tpu.memory_space<vmem_shared>>
        %dma_start3A_74 = arith.constant 0 : i32
        %dma_start3A_75 = tpu.memref_slice %arg19[%add3A_70, %dma_start3A_74] : memref<10368x128xf32, #tpu.memory_space<vmem_shared>> -> memref<24x128xf32, #tpu.memory_space<vmem_shared>>
        tpu.enqueue_dma source(%arg18 : memref<24x128xf32, #tpu.memory_space<vmem>>) target(%dma_start3A_75 : memref<24x128xf32, #tpu.memory_space<vmem_shared>>) target_semaphore(%run_scoped3A : memref<!tpu.dma_semaphore, #tpu.memory_space<semaphore_mem>>)
        %dma_wait3A_76 = arith.constant 0 : i32
        %dma_wait3A_77 = tpu.memref_slice %arg19[%add3A_70, %dma_wait3A_76] : memref<10368x128xf32, #tpu.memory_space<vmem_shared>> -> memref<24x128xf32, #tpu.memory_space<vmem_shared>>
        %dma_wait3A_78 = arith.constant 0 : i32
        %dma_wait3A_79 = tpu.memref_slice %arg19[%add3A_70, %dma_wait3A_78] : memref<10368x128xf32, #tpu.memory_space<vmem_shared>> -> memref<24x128xf32, #tpu.memory_space<vmem_shared>>
        tpu.wait_dma2 semaphore(%run_scoped3A : memref<!tpu.dma_semaphore, #tpu.memory_space<semaphore_mem>>) src(%arg18 : memref<24x128xf32, #tpu.memory_space<vmem>>) dst(%dma_wait3A_79 : memref<24x128xf32, #tpu.memory_space<vmem_shared>>)
        tpu.yield
      }) : () -> ()
      %scan3A_71 = arith.constant 0 : i32
      scf.yield %scan3A_71 : i32
    }
    %scan3A_23 = arith.constant 27 : i32
    %barrier3A = arith.constant 0 : index
    tpu.barrier barrier_id(%barrier3A)
    %mul3A_24 = arith.constant 80 : i32
    %mul3A_25 = arith.muli %add3A, %mul3A_24 : i32
    %cond3A = arith.constant 0 : i32
    %mul3A_26 = arith.constant 192 : i32
    %mul3A_27 = arith.muli %mul3A_25, %mul3A_26 : i32
    "tpu.region"() ({
      %run_scoped3A = tpu.sem_alloc : memref<!tpu.dma_semaphore, #tpu.memory_space<semaphore_mem>>
      %dma_start3A_66 = tpu.memref_slice %arg3[%mul3A_27] : memref<491520xi32, #tpu.memory_space<hbm>> -> memref<192xi32, #tpu.memory_space<hbm>>
      %dma_start3A_67 = tpu.memref_slice %arg3[%mul3A_27] : memref<491520xi32, #tpu.memory_space<hbm>> -> memref<192xi32, #tpu.memory_space<hbm>>
      tpu.enqueue_dma source(%dma_start3A_67 : memref<192xi32, #tpu.memory_space<hbm>>) target(%arg5 : memref<192xi32, #tpu.memory_space<vmem>>) target_semaphore(%run_scoped3A : memref<!tpu.dma_semaphore, #tpu.memory_space<semaphore_mem>>)
      %dma_wait3A_68 = tpu.memref_slice %arg3[%mul3A_27] : memref<491520xi32, #tpu.memory_space<hbm>> -> memref<192xi32, #tpu.memory_space<hbm>>
      %dma_wait3A_69 = tpu.memref_slice %arg3[%mul3A_27] : memref<491520xi32, #tpu.memory_space<hbm>> -> memref<192xi32, #tpu.memory_space<hbm>>
      tpu.wait_dma2 semaphore(%run_scoped3A : memref<!tpu.dma_semaphore, #tpu.memory_space<semaphore_mem>>) src(%dma_wait3A_69 : memref<192xi32, #tpu.memory_space<hbm>>) dst(%arg5 : memref<192xi32, #tpu.memory_space<vmem>>)
      tpu.yield
    }) : () -> ()
    %scan3A_28 = arith.constant 0 : i32
    %scan3A_29 = arith.constant 0 : i32
    %scan3A_30 = arith.constant 4 : i32
    %scan3A_31 = arith.addi %scan3A_29, %scan3A_30 : i32
    %scan3A_32 = arith.constant 1 : i32
    %scan3A_33 = scf.for %scan3A_66 = %scan3A_29 to %scan3A_31 step %scan3A_32 iter_args(%scan3A_67 = %scan3A_28) -> (i32)  : i32 {
      %mul3A_68 = arith.constant 16 : i32
      %mul3A_69 = arith.muli %scan3A_66, %mul3A_68 : i32
      %mul3A_70 = arith.constant 16 : i32
      %mul3A_71 = arith.muli %scan3A_66, %mul3A_70 : i32
      %get3A = arith.index_cast %mul3A_71 : i32 to index
      %get3A_72 = tpu.vector_load %arg5[%get3A] {strides = array<i32>} : memref<192xi32, #tpu.memory_space<vmem>>, vector<16xi32>,
      %get3A_73 = vector.shape_cast %get3A_72 : vector<16xi32> to vector<16xi32>
      %mul3A_74 = arith.constant 16 : i32
      %mul3A_75 = arith.muli %scan3A_66, %mul3A_74 : i32
      %add3A_76 = arith.constant 64 : i32
      %add3A_77 = arith.addi %add3A_76, %mul3A_75 : i32
      %get3A_78 = arith.index_cast %add3A_77 : i32 to index
      %get3A_79 = tpu.vector_load %arg5[%get3A_78] {strides = array<i32>} : memref<192xi32, #tpu.memory_space<vmem>>, vector<16xi32>,
      %get3A_80 = vector.shape_cast %get3A_79 : vector<16xi32> to vector<16xi32>
      %mul3A_81 = arith.constant 16 : i32
      %mul3A_82 = arith.muli %scan3A_66, %mul3A_81 : i32
      %add3A_83 = arith.constant 128 : i32
      %add3A_84 = arith.addi %add3A_83, %mul3A_82 : i32
      %get3A_85 = arith.index_cast %add3A_84 : i32 to index
      %get3A_86 = tpu.vector_load %arg5[%get3A_85] {strides = array<i32>} : memref<192xi32, #tpu.memory_space<vmem>>, vector<16xi32>,
      %get3A_87 = vector.shape_cast %get3A_86 : vector<16xi32> to vector<16xi32>
      %mul3A_88 = arith.constant 10240 : i32
      %mul3A_89 = vector.broadcast %mul3A_88 : i32 to vector<16xi32>
      %mul3A_90 = arith.muli %get3A_87, %mul3A_89 : vector<16xi32>
      %add3A_91 = arith.addi %mul3A_90, %get3A_80 : vector<16xi32>
      %swap3A = arith.index_cast %mul3A_69 : i32 to index
      %swap3A_92 = tpu.vector_load %arg7[%swap3A] {strides = array<i32>} : memref<128xi32, #tpu.memory_space<vmem>>, vector<16xi32>,
      %swap3A_93 = vector.shape_cast %swap3A_92 : vector<16xi32> to vector<16xi32>
      %swap3A_94 = vector.shape_cast %add3A_91 : vector<16xi32> to vector<16xi32>
      tpu.vector_store %arg7[%swap3A], %swap3A_94 {strides = array<i32>} : memref<128xi32, #tpu.memory_space<vmem>>, vector<16xi32>,
      %add3A_95 = arith.constant 81920 : i32
      %add3A_96 = vector.broadcast %add3A_95 : i32 to vector<16xi32>
      %add3A_97 = arith.addi %add3A_96, %get3A_73 : vector<16xi32>
      %mul3A_98 = arith.constant 16 : i32
      %mul3A_99 = arith.muli %scan3A_66, %mul3A_98 : i32
      %add3A_100 = arith.constant 64 : i32
      %add3A_101 = arith.addi %add3A_100, %mul3A_99 : i32
      %swap3A_102 = arith.index_cast %add3A_101 : i32 to index
      %swap3A_103 = tpu.vector_load %arg7[%swap3A_102] {strides = array<i32>} : memref<128xi32, #tpu.memory_space<vmem>>, vector<16xi32>,
      %swap3A_104 = vector.shape_cast %swap3A_103 : vector<16xi32> to vector<16xi32>
      %swap3A_105 = vector.shape_cast %add3A_97 : vector<16xi32> to vector<16xi32>
      tpu.vector_store %arg7[%swap3A_102], %swap3A_105 {strides = array<i32>} : memref<128xi32, #tpu.memory_space<vmem>>, vector<16xi32>,
      %mul3A_106 = arith.constant 10240 : i32
      %mul3A_107 = vector.broadcast %mul3A_106 : i32 to vector<16xi32>
      %mul3A_108 = arith.muli %get3A_87, %mul3A_107 : vector<16xi32>
      %add3A_109 = arith.constant 40960 : i32
      %add3A_110 = vector.broadcast %add3A_109 : i32 to vector<16xi32>
      %add3A_111 = arith.addi %add3A_110, %mul3A_108 : vector<16xi32>
      %add3A_112 = arith.addi %add3A_111, %get3A_73 : vector<16xi32>
      %swap3A_113 = arith.index_cast %mul3A_69 : i32 to index
      %swap3A_114 = tpu.vector_load %arg9[%swap3A_113] {strides = array<i32>} : memref<64xi32, #tpu.memory_space<vmem>>, vector<16xi32>,
      %swap3A_115 = vector.shape_cast %swap3A_114 : vector<16xi32> to vector<16xi32>
      %swap3A_116 = vector.shape_cast %add3A_112 : vector<16xi32> to vector<16xi32>
      tpu.vector_store %arg9[%swap3A_113], %swap3A_116 {strides = array<i32>} : memref<64xi32, #tpu.memory_space<vmem>>, vector<16xi32>,
      %swap3A_117 = arith.index_cast %mul3A_69 : i32 to index
      %swap3A_118 = tpu.vector_load %arg11[%swap3A_117] {strides = array<i32>} : memref<64xi32, #tpu.memory_space<vmem>>, vector<16xi32>,
      %swap3A_119 = vector.shape_cast %swap3A_118 : vector<16xi32> to vector<16xi32>
      %swap3A_120 = vector.shape_cast %get3A_80 : vector<16xi32> to vector<16xi32>
      tpu.vector_store %arg11[%swap3A_117], %swap3A_120 {strides = array<i32>} : memref<64xi32, #tpu.memory_space<vmem>>, vector<16xi32>,
      %shift_right_logical3A = arith.constant 7 : i32
      %shift_right_logical3A_121 = vector.broadcast %shift_right_logical3A : i32 to vector<16xi32>
      %shift_right_logical3A_122 = arith.shrui %get3A_80, %shift_right_logical3A_121 : vector<16xi32>
      %add3A_123 = arith.constant 10240 : i32
      %add3A_124 = vector.broadcast %add3A_123 : i32 to vector<16xi32>
      %add3A_125 = arith.addi %add3A_124, %shift_right_logical3A_122 : vector<16xi32>
      %swap3A_126 = arith.index_cast %mul3A_69 : i32 to index
      %swap3A_127 = tpu.vector_load %arg13[%swap3A_126] {strides = array<i32>} : memref<64xi32, #tpu.memory_space<vmem>>, vector<16xi32>,
      %swap3A_128 = vector.shape_cast %swap3A_127 : vector<16xi32> to vector<16xi32>
      %swap3A_129 = vector.shape_cast %add3A_125 : vector<16xi32> to vector<16xi32>
      tpu.vector_store %arg13[%swap3A_126], %swap3A_129 {strides = array<i32>} : memref<64xi32, #tpu.memory_space<vmem>>, vector<16xi32>,
      %scan3A_130 = arith.constant 0 : i32
      scf.yield %scan3A_130 : i32
    }
    %scan3A_34 = arith.constant 4 : i32
    %dma_start3A = arith.constant 0 : i32
    %dma_start3A_35 = arith.constant 0 : i32
    %dma_start3A_36 = tpu.memref_slice %arg2[%dma_start3A, %dma_start3A_35] : memref<92160x128xf32, #tpu.memory_space<hbm>> -> memref<92160x128xf32, #tpu.memory_space<hbm>>
    tpu.enqueue_indirect_dma source(%dma_start3A_36 : memref<92160x128xf32, #tpu.memory_space<hbm>>) target(%arg15 : memref<128x128xf32, #tpu.memory_space<vmem>>) offsets(%arg7 : memref<128xi32, #tpu.memory_space<vmem>>) semaphore(%arg20 : memref<!tpu.dma_semaphore, #tpu.memory_space<semaphore_mem>>)
    %scan3A_37 = arith.constant 0 : i32
    %scan3A_38 = arith.constant 0 : i32
    %scan3A_39 = arith.constant 40 : i32
    %scan3A_40 = arith.addi %scan3A_38, %scan3A_39 : i32
    %scan3A_41 = arith.constant 1 : i32
    %scan3A_42 = scf.for %scan3A_66 = %scan3A_38 to %scan3A_40 step %scan3A_41 iter_args(%scan3A_67 = %scan3A_37) -> (i32)  : i32 {
      %mul3A_68 = arith.constant 2 : i32
      %mul3A_69 = arith.muli %scan3A_66, %mul3A_68 : i32
      %add3A_70 = arith.constant 0 : i32
      %add3A_71 = arith.addi %mul3A_69, %add3A_70 : i32
      %dma_wait3A_72 = arith.constant 0 : i32
      %dma_wait3A_73 = arith.constant 0 : i32
      %dma_wait3A_74 = tpu.memref_slice %arg2[%dma_wait3A_72, %dma_wait3A_73] : memref<92160x128xf32, #tpu.memory_space<hbm>> -> memref<92160x128xf32, #tpu.memory_space<hbm>>
      tpu.wait_indirect_dma semaphore(%arg20 : memref<!tpu.dma_semaphore, #tpu.memory_space<semaphore_mem>>) src(%dma_wait3A_74 : memref<92160x128xf32, #tpu.memory_space<hbm>>) dst(%arg15 : memref<128x128xf32, #tpu.memory_space<vmem>>)
      %dma_start3A_75 = arith.constant 0 : i32
      %dma_start3A_76 = arith.constant 0 : i32
      %dma_start3A_77 = tpu.memref_slice %arg15[%dma_start3A_75, %dma_start3A_76] : memref<128x128xf32, #tpu.memory_space<vmem>> -> memref<64x128xf32, #tpu.memory_space<vmem>>
      %dma_start3A_78 = arith.constant 0 : i32
      %dma_start3A_79 = arith.constant 0 : i32
      %dma_start3A_80 = tpu.memref_slice %arg2[%dma_start3A_78, %dma_start3A_79] : memref<92160x128xf32, #tpu.memory_space<hbm>> -> memref<92160x128xf32, #tpu.memory_space<hbm>>
      tpu.enqueue_indirect_dma source(%dma_start3A_80 : memref<92160x128xf32, #tpu.memory_space<hbm>>) target(%dma_start3A_77 : memref<64x128xf32, #tpu.memory_space<vmem>>) offsets(%arg9 : memref<64xi32, #tpu.memory_space<vmem>>) semaphore(%arg21 : memref<!tpu.dma_semaphore, #tpu.memory_space<semaphore_mem>>) {add = true}
      %gt3A = arith.constant 0 : i32
      %gt3A_81 = arith.cmpi sgt, %add3A_71, %gt3A : i32
      %convert_element_type3A = arith.extui %gt3A_81 : i1 to i32
      %cond3A_82 = arith.constant 0 : i32
      %cond3A_83 = arith.cmpi ne, %convert_element_type3A, %cond3A_82 : i32
      scf.if %cond3A_83 {
        %dma_wait3A_174 = arith.constant 0 : i32
        %dma_wait3A_175 = arith.constant 0 : i32
        %dma_wait3A_176 = tpu.memref_slice %arg19[%dma_wait3A_174, %dma_wait3A_175] : memref<10368x128xf32, #tpu.memory_space<vmem_shared>> -> memref<10368x128xf32, #tpu.memory_space<vmem_shared>>
        tpu.wait_indirect_dma semaphore(%arg23 : memref<!tpu.dma_semaphore, #tpu.memory_space<semaphore_mem>>) src(%arg17 : memref<64x128xf32, #tpu.memory_space<vmem>>) dst(%dma_wait3A_176 : memref<10368x128xf32, #tpu.memory_space<vmem_shared>>)
        %scan3A_177 = arith.constant 0 : i32
        %scan3A_178 = arith.constant 0 : i32
        %scan3A_179 = arith.constant 4 : i32
        %scan3A_180 = arith.addi %scan3A_178, %scan3A_179 : i32
        %scan3A_181 = arith.constant 1 : i32
        %scan3A_182 = scf.for %scan3A_184 = %scan3A_178 to %scan3A_180 step %scan3A_181 iter_args(%scan3A_185 = %scan3A_177) -> (i32)  : i32 {
          %mul3A_186 = arith.constant 16 : i32
          %mul3A_187 = arith.muli %scan3A_184, %mul3A_186 : i32
          %add3A_188 = arith.constant 64 : i32
          %add3A_189 = arith.addi %add3A_188, %mul3A_187 : i32
          %get3A = arith.index_cast %add3A_189 : i32 to index
          %get3A_190 = tpu.vector_load %arg6[%get3A] {strides = array<i32>} : memref<192xi32, #tpu.memory_space<vmem>>, vector<16xi32>,
          %get3A_191 = vector.shape_cast %get3A_190 : vector<16xi32> to vector<16xi32>
          %and3A = arith.constant 127 : i32
          %and3A_192 = vector.broadcast %and3A : i32 to vector<16xi32>
          %and3A_193 = arith.andi %get3A_191, %and3A_192 : vector<16xi32>
          %slice3A = vector.extract_strided_slice %and3A_193 {offsets = [0], sizes = [1], strides = [1]} : vector<16xi32> to vector<1xi32>
          %squeeze3A = vector.extract %slice3A[0] : i32 from vector<1xi32>
          %shift_right_logical3A = arith.constant 4 : i32
          %shift_right_logical3A_194 = arith.shrui %squeeze3A, %shift_right_logical3A : i32
          %mul3A_195 = arith.constant 16 : i32
          %mul3A_196 = arith.muli %shift_right_logical3A_194, %mul3A_195 : i32
          %mul3A_197 = arith.constant 16 : i32
          %mul3A_198 = arith.muli %scan3A_184, %mul3A_197 : i32
          %add3A_199 = arith.constant 0 : i32
          %add3A_200 = arith.addi %mul3A_198, %add3A_199 : i32
          %swap3A = arith.index_cast %add3A_200 : i32 to index
          %swap3A_201 = arith.index_cast %mul3A_196 : i32 to index
          %swap3A_202 = tpu.vector_load %arg17[%swap3A, %swap3A_201] {strides = array<i32>} : memref<64x128xf32, #tpu.memory_space<vmem>>, vector<1x16xf32>,
          %swap3A_203 = vector.shape_cast %swap3A_202 : vector<1x16xf32> to vector<16xf32>
          %swap3A_204 = vector.shape_cast %broadcast_in_dim3A_1 : vector<16xf32> to vector<1x16xf32>
          tpu.vector_store %arg17[%swap3A, %swap3A_201], %swap3A_204 {strides = array<i32>} : memref<64x128xf32, #tpu.memory_space<vmem>>, vector<1x16xf32>,
          %slice3A_205 = vector.extract_strided_slice %and3A_193 {offsets = [1], sizes = [1], strides = [1]} : vector<16xi32> to vector<1xi32>
          %squeeze3A_206 = vector.extract %slice3A_205[0] : i32 from vector<1xi32>
          %shift_right_logical3A_207 = arith.constant 4 : i32
          %shift_right_logical3A_208 = arith.shrui %squeeze3A_206, %shift_right_logical3A_207 : i32
          %mul3A_209 = arith.constant 16 : i32
          %mul3A_210 = arith.muli %shift_right_logical3A_208, %mul3A_209 : i32
          %mul3A_211 = arith.constant 16 : i32
          %mul3A_212 = arith.muli %scan3A_184, %mul3A_211 : i32
          %add3A_213 = arith.constant 1 : i32
          %add3A_214 = arith.addi %mul3A_212, %add3A_213 : i32
          %swap3A_215 = arith.index_cast %add3A_214 : i32 to index
          %swap3A_216 = arith.index_cast %mul3A_210 : i32 to index
          %swap3A_217 = tpu.vector_load %arg17[%swap3A_215, %swap3A_216] {strides = array<i32>} : memref<64x128xf32, #tpu.memory_space<vmem>>, vector<1x16xf32>,
          %swap3A_218 = vector.shape_cast %swap3A_217 : vector<1x16xf32> to vector<16xf32>
          %swap3A_219 = vector.shape_cast %broadcast_in_dim3A_1 : vector<16xf32> to vector<1x16xf32>
          tpu.vector_store %arg17[%swap3A_215, %swap3A_216], %swap3A_219 {strides = array<i32>} : memref<64x128xf32, #tpu.memory_space<vmem>>, vector<1x16xf32>,
          %slice3A_220 = vector.extract_strided_slice %and3A_193 {offsets = [2], sizes = [1], strides = [1]} : vector<16xi32> to vector<1xi32>
          %squeeze3A_221 = vector.extract %slice3A_220[0] : i32 from vector<1xi32>
          %shift_right_logical3A_222 = arith.constant 4 : i32
          %shift_right_logical3A_223 = arith.shrui %squeeze3A_221, %shift_right_logical3A_222 : i32
          %mul3A_224 = arith.constant 16 : i32
          %mul3A_225 = arith.muli %shift_right_logical3A_223, %mul3A_224 : i32
          %mul3A_226 = arith.constant 16 : i32
          %mul3A_227 = arith.muli %scan3A_184, %mul3A_226 : i32
          %add3A_228 = arith.constant 2 : i32
          %add3A_229 = arith.addi %mul3A_227, %add3A_228 : i32
          %swap3A_230 = arith.index_cast %add3A_229 : i32 to index
          %swap3A_231 = arith.index_cast %mul3A_225 : i32 to index
          %swap3A_232 = tpu.vector_load %arg17[%swap3A_230, %swap3A_231] {strides = array<i32>} : memref<64x128xf32, #tpu.memory_space<vmem>>, vector<1x16xf32>,
          %swap3A_233 = vector.shape_cast %swap3A_232 : vector<1x16xf32> to vector<16xf32>
          %swap3A_234 = vector.shape_cast %broadcast_in_dim3A_1 : vector<16xf32> to vector<1x16xf32>
          tpu.vector_store %arg17[%swap3A_230, %swap3A_231], %swap3A_234 {strides = array<i32>} : memref<64x128xf32, #tpu.memory_space<vmem>>, vector<1x16xf32>,
          %slice3A_235 = vector.extract_strided_slice %and3A_193 {offsets = [3], sizes = [1], strides = [1]} : vector<16xi32> to vector<1xi32>
          %squeeze3A_236 = vector.extract %slice3A_235[0] : i32 from vector<1xi32>
          %shift_right_logical3A_237 = arith.constant 4 : i32
          %shift_right_logical3A_238 = arith.shrui %squeeze3A_236, %shift_right_logical3A_237 : i32
          %mul3A_239 = arith.constant 16 : i32
          %mul3A_240 = arith.muli %shift_right_logical3A_238, %mul3A_239 : i32
          %mul3A_241 = arith.constant 16 : i32
          %mul3A_242 = arith.muli %scan3A_184, %mul3A_241 : i32
          %add3A_243 = arith.constant 3 : i32
          %add3A_244 = arith.addi %mul3A_242, %add3A_243 : i32
          %swap3A_245 = arith.index_cast %add3A_244 : i32 to index
          %swap3A_246 = arith.index_cast %mul3A_240 : i32 to index
          %swap3A_247 = tpu.vector_load %arg17[%swap3A_245, %swap3A_246] {strides = array<i32>} : memref<64x128xf32, #tpu.memory_space<vmem>>, vector<1x16xf32>,
          %swap3A_248 = vector.shape_cast %swap3A_247 : vector<1x16xf32> to vector<16xf32>
          %swap3A_249 = vector.shape_cast %broadcast_in_dim3A_1 : vector<16xf32> to vector<1x16xf32>
          tpu.vector_store %arg17[%swap3A_245, %swap3A_246], %swap3A_249 {strides = array<i32>} : memref<64x128xf32, #tpu.memory_space<vmem>>, vector<1x16xf32>,
          %slice3A_250 = vector.extract_strided_slice %and3A_193 {offsets = [4], sizes = [1], strides = [1]} : vector<16xi32> to vector<1xi32>
          %squeeze3A_251 = vector.extract %slice3A_250[0] : i32 from vector<1xi32>
          %shift_right_logical3A_252 = arith.constant 4 : i32
          %shift_right_logical3A_253 = arith.shrui %squeeze3A_251, %shift_right_logical3A_252 : i32
          %mul3A_254 = arith.constant 16 : i32
          %mul3A_255 = arith.muli %shift_right_logical3A_253, %mul3A_254 : i32
          %mul3A_256 = arith.constant 16 : i32
          %mul3A_257 = arith.muli %scan3A_184, %mul3A_256 : i32
          %add3A_258 = arith.constant 4 : i32
          %add3A_259 = arith.addi %mul3A_257, %add3A_258 : i32
          %swap3A_260 = arith.index_cast %add3A_259 : i32 to index
          %swap3A_261 = arith.index_cast %mul3A_255 : i32 to index
          %swap3A_262 = tpu.vector_load %arg17[%swap3A_260, %swap3A_261] {strides = array<i32>} : memref<64x128xf32, #tpu.memory_space<vmem>>, vector<1x16xf32>,
          %swap3A_263 = vector.shape_cast %swap3A_262 : vector<1x16xf32> to vector<16xf32>
          %swap3A_264 = vector.shape_cast %broadcast_in_dim3A_1 : vector<16xf32> to vector<1x16xf32>
          tpu.vector_store %arg17[%swap3A_260, %swap3A_261], %swap3A_264 {strides = array<i32>} : memref<64x128xf32, #tpu.memory_space<vmem>>, vector<1x16xf32>,
          %slice3A_265 = vector.extract_strided_slice %and3A_193 {offsets = [5], sizes = [1], strides = [1]} : vector<16xi32> to vector<1xi32>
          %squeeze3A_266 = vector.extract %slice3A_265[0] : i32 from vector<1xi32>
          %shift_right_logical3A_267 = arith.constant 4 : i32
          %shift_right_logical3A_268 = arith.shrui %squeeze3A_266, %shift_right_logical3A_267 : i32
          %mul3A_269 = arith.constant 16 : i32
          %mul3A_270 = arith.muli %shift_right_logical3A_268, %mul3A_269 : i32
          %mul3A_271 = arith.constant 16 : i32
          %mul3A_272 = arith.muli %scan3A_184, %mul3A_271 : i32
          %add3A_273 = arith.constant 5 : i32
          %add3A_274 = arith.addi %mul3A_272, %add3A_273 : i32
          %swap3A_275 = arith.index_cast %add3A_274 : i32 to index
          %swap3A_276 = arith.index_cast %mul3A_270 : i32 to index
          %swap3A_277 = tpu.vector_load %arg17[%swap3A_275, %swap3A_276] {strides = array<i32>} : memref<64x128xf32, #tpu.memory_space<vmem>>, vector<1x16xf32>,
          %swap3A_278 = vector.shape_cast %swap3A_277 : vector<1x16xf32> to vector<16xf32>
          %swap3A_279 = vector.shape_cast %broadcast_in_dim3A_1 : vector<16xf32> to vector<1x16xf32>
          tpu.vector_store %arg17[%swap3A_275, %swap3A_276], %swap3A_279 {strides = array<i32>} : memref<64x128xf32, #tpu.memory_space<vmem>>, vector<1x16xf32>,
          %slice3A_280 = vector.extract_strided_slice %and3A_193 {offsets = [6], sizes = [1], strides = [1]} : vector<16xi32> to vector<1xi32>
          %squeeze3A_281 = vector.extract %slice3A_280[0] : i32 from vector<1xi32>
          %shift_right_logical3A_282 = arith.constant 4 : i32
          %shift_right_logical3A_283 = arith.shrui %squeeze3A_281, %shift_right_logical3A_282 : i32
          %mul3A_284 = arith.constant 16 : i32
          %mul3A_285 = arith.muli %shift_right_logical3A_283, %mul3A_284 : i32
          %mul3A_286 = arith.constant 16 : i32
          %mul3A_287 = arith.muli %scan3A_184, %mul3A_286 : i32
          %add3A_288 = arith.constant 6 : i32
          %add3A_289 = arith.addi %mul3A_287, %add3A_288 : i32
          %swap3A_290 = arith.index_cast %add3A_289 : i32 to index
          %swap3A_291 = arith.index_cast %mul3A_285 : i32 to index
          %swap3A_292 = tpu.vector_load %arg17[%swap3A_290, %swap3A_291] {strides = array<i32>} : memref<64x128xf32, #tpu.memory_space<vmem>>, vector<1x16xf32>,
          %swap3A_293 = vector.shape_cast %swap3A_292 : vector<1x16xf32> to vector<16xf32>
          %swap3A_294 = vector.shape_cast %broadcast_in_dim3A_1 : vector<16xf32> to vector<1x16xf32>
          tpu.vector_store %arg17[%swap3A_290, %swap3A_291], %swap3A_294 {strides = array<i32>} : memref<64x128xf32, #tpu.memory_space<vmem>>, vector<1x16xf32>,
          %slice3A_295 = vector.extract_strided_slice %and3A_193 {offsets = [7], sizes = [1], strides = [1]} : vector<16xi32> to vector<1xi32>
          %squeeze3A_296 = vector.extract %slice3A_295[0] : i32 from vector<1xi32>
          %shift_right_logical3A_297 = arith.constant 4 : i32
          %shift_right_logical3A_298 = arith.shrui %squeeze3A_296, %shift_right_logical3A_297 : i32
          %mul3A_299 = arith.constant 16 : i32
          %mul3A_300 = arith.muli %shift_right_logical3A_298, %mul3A_299 : i32
          %mul3A_301 = arith.constant 16 : i32
          %mul3A_302 = arith.muli %scan3A_184, %mul3A_301 : i32
          %add3A_303 = arith.constant 7 : i32
          %add3A_304 = arith.addi %mul3A_302, %add3A_303 : i32
          %swap3A_305 = arith.index_cast %add3A_304 : i32 to index
          %swap3A_306 = arith.index_cast %mul3A_300 : i32 to index
          %swap3A_307 = tpu.vector_load %arg17[%swap3A_305, %swap3A_306] {strides = array<i32>} : memref<64x128xf32, #tpu.memory_space<vmem>>, vector<1x16xf32>,
          %swap3A_308 = vector.shape_cast %swap3A_307 : vector<1x16xf32> to vector<16xf32>
          %swap3A_309 = vector.shape_cast %broadcast_in_dim3A_1 : vector<16xf32> to vector<1x16xf32>
          tpu.vector_store %arg17[%swap3A_305, %swap3A_306], %swap3A_309 {strides = array<i32>} : memref<64x128xf32, #tpu.memory_space<vmem>>, vector<1x16xf32>,
          %slice3A_310 = vector.extract_strided_slice %and3A_193 {offsets = [8], sizes = [1], strides = [1]} : vector<16xi32> to vector<1xi32>
          %squeeze3A_311 = vector.extract %slice3A_310[0] : i32 from vector<1xi32>
          %shift_right_logical3A_312 = arith.constant 4 : i32
          %shift_right_logical3A_313 = arith.shrui %squeeze3A_311, %shift_right_logical3A_312 : i32
          %mul3A_314 = arith.constant 16 : i32
          %mul3A_315 = arith.muli %shift_right_logical3A_313, %mul3A_314 : i32
          %mul3A_316 = arith.constant 16 : i32
          %mul3A_317 = arith.muli %scan3A_184, %mul3A_316 : i32
          %add3A_318 = arith.constant 8 : i32
          %add3A_319 = arith.addi %mul3A_317, %add3A_318 : i32
          %swap3A_320 = arith.index_cast %add3A_319 : i32 to index
          %swap3A_321 = arith.index_cast %mul3A_315 : i32 to index
          %swap3A_322 = tpu.vector_load %arg17[%swap3A_320, %swap3A_321] {strides = array<i32>} : memref<64x128xf32, #tpu.memory_space<vmem>>, vector<1x16xf32>,
          %swap3A_323 = vector.shape_cast %swap3A_322 : vector<1x16xf32> to vector<16xf32>
          %swap3A_324 = vector.shape_cast %broadcast_in_dim3A_1 : vector<16xf32> to vector<1x16xf32>
          tpu.vector_store %arg17[%swap3A_320, %swap3A_321], %swap3A_324 {strides = array<i32>} : memref<64x128xf32, #tpu.memory_space<vmem>>, vector<1x16xf32>,
          %slice3A_325 = vector.extract_strided_slice %and3A_193 {offsets = [9], sizes = [1], strides = [1]} : vector<16xi32> to vector<1xi32>
          %squeeze3A_326 = vector.extract %slice3A_325[0] : i32 from vector<1xi32>
          %shift_right_logical3A_327 = arith.constant 4 : i32
          %shift_right_logical3A_328 = arith.shrui %squeeze3A_326, %shift_right_logical3A_327 : i32
          %mul3A_329 = arith.constant 16 : i32
          %mul3A_330 = arith.muli %shift_right_logical3A_328, %mul3A_329 : i32
          %mul3A_331 = arith.constant 16 : i32
          %mul3A_332 = arith.muli %scan3A_184, %mul3A_331 : i32
          %add3A_333 = arith.constant 9 : i32
          %add3A_334 = arith.addi %mul3A_332, %add3A_333 : i32
          %swap3A_335 = arith.index_cast %add3A_334 : i32 to index
          %swap3A_336 = arith.index_cast %mul3A_330 : i32 to index
          %swap3A_337 = tpu.vector_load %arg17[%swap3A_335, %swap3A_336] {strides = array<i32>} : memref<64x128xf32, #tpu.memory_space<vmem>>, vector<1x16xf32>,
          %swap3A_338 = vector.shape_cast %swap3A_337 : vector<1x16xf32> to vector<16xf32>
          %swap3A_339 = vector.shape_cast %broadcast_in_dim3A_1 : vector<16xf32> to vector<1x16xf32>
          tpu.vector_store %arg17[%swap3A_335, %swap3A_336], %swap3A_339 {strides = array<i32>} : memref<64x128xf32, #tpu.memory_space<vmem>>, vector<1x16xf32>,
          %slice3A_340 = vector.extract_strided_slice %and3A_193 {offsets = [10], sizes = [1], strides = [1]} : vector<16xi32> to vector<1xi32>
          %squeeze3A_341 = vector.extract %slice3A_340[0] : i32 from vector<1xi32>
          %shift_right_logical3A_342 = arith.constant 4 : i32
          %shift_right_logical3A_343 = arith.shrui %squeeze3A_341, %shift_right_logical3A_342 : i32
          %mul3A_344 = arith.constant 16 : i32
          %mul3A_345 = arith.muli %shift_right_logical3A_343, %mul3A_344 : i32
          %mul3A_346 = arith.constant 16 : i32
          %mul3A_347 = arith.muli %scan3A_184, %mul3A_346 : i32
          %add3A_348 = arith.constant 10 : i32
          %add3A_349 = arith.addi %mul3A_347, %add3A_348 : i32
          %swap3A_350 = arith.index_cast %add3A_349 : i32 to index
          %swap3A_351 = arith.index_cast %mul3A_345 : i32 to index
          %swap3A_352 = tpu.vector_load %arg17[%swap3A_350, %swap3A_351] {strides = array<i32>} : memref<64x128xf32, #tpu.memory_space<vmem>>, vector<1x16xf32>,
          %swap3A_353 = vector.shape_cast %swap3A_352 : vector<1x16xf32> to vector<16xf32>
          %swap3A_354 = vector.shape_cast %broadcast_in_dim3A_1 : vector<16xf32> to vector<1x16xf32>
          tpu.vector_store %arg17[%swap3A_350, %swap3A_351], %swap3A_354 {strides = array<i32>} : memref<64x128xf32, #tpu.memory_space<vmem>>, vector<1x16xf32>,
          %slice3A_355 = vector.extract_strided_slice %and3A_193 {offsets = [11], sizes = [1], strides = [1]} : vector<16xi32> to vector<1xi32>
          %squeeze3A_356 = vector.extract %slice3A_355[0] : i32 from vector<1xi32>
          %shift_right_logical3A_357 = arith.constant 4 : i32
          %shift_right_logical3A_358 = arith.shrui %squeeze3A_356, %shift_right_logical3A_357 : i32
          %mul3A_359 = arith.constant 16 : i32
          %mul3A_360 = arith.muli %shift_right_logical3A_358, %mul3A_359 : i32
          %mul3A_361 = arith.constant 16 : i32
          %mul3A_362 = arith.muli %scan3A_184, %mul3A_361 : i32
          %add3A_363 = arith.constant 11 : i32
          %add3A_364 = arith.addi %mul3A_362, %add3A_363 : i32
          %swap3A_365 = arith.index_cast %add3A_364 : i32 to index
          %swap3A_366 = arith.index_cast %mul3A_360 : i32 to index
          %swap3A_367 = tpu.vector_load %arg17[%swap3A_365, %swap3A_366] {strides = array<i32>} : memref<64x128xf32, #tpu.memory_space<vmem>>, vector<1x16xf32>,
          %swap3A_368 = vector.shape_cast %swap3A_367 : vector<1x16xf32> to vector<16xf32>
          %swap3A_369 = vector.shape_cast %broadcast_in_dim3A_1 : vector<16xf32> to vector<1x16xf32>
          tpu.vector_store %arg17[%swap3A_365, %swap3A_366], %swap3A_369 {strides = array<i32>} : memref<64x128xf32, #tpu.memory_space<vmem>>, vector<1x16xf32>,
          %slice3A_370 = vector.extract_strided_slice %and3A_193 {offsets = [12], sizes = [1], strides = [1]} : vector<16xi32> to vector<1xi32>
          %squeeze3A_371 = vector.extract %slice3A_370[0] : i32 from vector<1xi32>
          %shift_right_logical3A_372 = arith.constant 4 : i32
          %shift_right_logical3A_373 = arith.shrui %squeeze3A_371, %shift_right_logical3A_372 : i32
          %mul3A_374 = arith.constant 16 : i32
          %mul3A_375 = arith.muli %shift_right_logical3A_373, %mul3A_374 : i32
          %mul3A_376 = arith.constant 16 : i32
          %mul3A_377 = arith.muli %scan3A_184, %mul3A_376 : i32
          %add3A_378 = arith.constant 12 : i32
          %add3A_379 = arith.addi %mul3A_377, %add3A_378 : i32
          %swap3A_380 = arith.index_cast %add3A_379 : i32 to index
          %swap3A_381 = arith.index_cast %mul3A_375 : i32 to index
          %swap3A_382 = tpu.vector_load %arg17[%swap3A_380, %swap3A_381] {strides = array<i32>} : memref<64x128xf32, #tpu.memory_space<vmem>>, vector<1x16xf32>,
          %swap3A_383 = vector.shape_cast %swap3A_382 : vector<1x16xf32> to vector<16xf32>
          %swap3A_384 = vector.shape_cast %broadcast_in_dim3A_1 : vector<16xf32> to vector<1x16xf32>
          tpu.vector_store %arg17[%swap3A_380, %swap3A_381], %swap3A_384 {strides = array<i32>} : memref<64x128xf32, #tpu.memory_space<vmem>>, vector<1x16xf32>,
          %slice3A_385 = vector.extract_strided_slice %and3A_193 {offsets = [13], sizes = [1], strides = [1]} : vector<16xi32> to vector<1xi32>
          %squeeze3A_386 = vector.extract %slice3A_385[0] : i32 from vector<1xi32>
          %shift_right_logical3A_387 = arith.constant 4 : i32
          %shift_right_logical3A_388 = arith.shrui %squeeze3A_386, %shift_right_logical3A_387 : i32
          %mul3A_389 = arith.constant 16 : i32
          %mul3A_390 = arith.muli %shift_right_logical3A_388, %mul3A_389 : i32
          %mul3A_391 = arith.constant 16 : i32
          %mul3A_392 = arith.muli %scan3A_184, %mul3A_391 : i32
          %add3A_393 = arith.constant 13 : i32
          %add3A_394 = arith.addi %mul3A_392, %add3A_393 : i32
          %swap3A_395 = arith.index_cast %add3A_394 : i32 to index
          %swap3A_396 = arith.index_cast %mul3A_390 : i32 to index
          %swap3A_397 = tpu.vector_load %arg17[%swap3A_395, %swap3A_396] {strides = array<i32>} : memref<64x128xf32, #tpu.memory_space<vmem>>, vector<1x16xf32>,
          %swap3A_398 = vector.shape_cast %swap3A_397 : vector<1x16xf32> to vector<16xf32>
          %swap3A_399 = vector.shape_cast %broadcast_in_dim3A_1 : vector<16xf32> to vector<1x16xf32>
          tpu.vector_store %arg17[%swap3A_395, %swap3A_396], %swap3A_399 {strides = array<i32>} : memref<64x128xf32, #tpu.memory_space<vmem>>, vector<1x16xf32>,
          %slice3A_400 = vector.extract_strided_slice %and3A_193 {offsets = [14], sizes = [1], strides = [1]} : vector<16xi32> to vector<1xi32>
          %squeeze3A_401 = vector.extract %slice3A_400[0] : i32 from vector<1xi32>
          %shift_right_logical3A_402 = arith.constant 4 : i32
          %shift_right_logical3A_403 = arith.shrui %squeeze3A_401, %shift_right_logical3A_402 : i32
          %mul3A_404 = arith.constant 16 : i32
          %mul3A_405 = arith.muli %shift_right_logical3A_403, %mul3A_404 : i32
          %mul3A_406 = arith.constant 16 : i32
          %mul3A_407 = arith.muli %scan3A_184, %mul3A_406 : i32
          %add3A_408 = arith.constant 14 : i32
          %add3A_409 = arith.addi %mul3A_407, %add3A_408 : i32
          %swap3A_410 = arith.index_cast %add3A_409 : i32 to index
          %swap3A_411 = arith.index_cast %mul3A_405 : i32 to index
          %swap3A_412 = tpu.vector_load %arg17[%swap3A_410, %swap3A_411] {strides = array<i32>} : memref<64x128xf32, #tpu.memory_space<vmem>>, vector<1x16xf32>,
          %swap3A_413 = vector.shape_cast %swap3A_412 : vector<1x16xf32> to vector<16xf32>
          %swap3A_414 = vector.shape_cast %broadcast_in_dim3A_1 : vector<16xf32> to vector<1x16xf32>
          tpu.vector_store %arg17[%swap3A_410, %swap3A_411], %swap3A_414 {strides = array<i32>} : memref<64x128xf32, #tpu.memory_space<vmem>>, vector<1x16xf32>,
          %slice3A_415 = vector.extract_strided_slice %and3A_193 {offsets = [15], sizes = [1], strides = [1]} : vector<16xi32> to vector<1xi32>
          %squeeze3A_416 = vector.extract %slice3A_415[0] : i32 from vector<1xi32>
          %shift_right_logical3A_417 = arith.constant 4 : i32
          %shift_right_logical3A_418 = arith.shrui %squeeze3A_416, %shift_right_logical3A_417 : i32
          %mul3A_419 = arith.constant 16 : i32
          %mul3A_420 = arith.muli %shift_right_logical3A_418, %mul3A_419 : i32
          %mul3A_421 = arith.constant 16 : i32
          %mul3A_422 = arith.muli %scan3A_184, %mul3A_421 : i32
          %add3A_423 = arith.constant 15 : i32
          %add3A_424 = arith.addi %mul3A_422, %add3A_423 : i32
          %swap3A_425 = arith.index_cast %add3A_424 : i32 to index
          %swap3A_426 = arith.index_cast %mul3A_420 : i32 to index
          %swap3A_427 = tpu.vector_load %arg17[%swap3A_425, %swap3A_426] {strides = array<i32>} : memref<64x128xf32, #tpu.memory_space<vmem>>, vector<1x16xf32>,
          %swap3A_428 = vector.shape_cast %swap3A_427 : vector<1x16xf32> to vector<16xf32>
          %swap3A_429 = vector.shape_cast %broadcast_in_dim3A_1 : vector<16xf32> to vector<1x16xf32>
          tpu.vector_store %arg17[%swap3A_425, %swap3A_426], %swap3A_429 {strides = array<i32>} : memref<64x128xf32, #tpu.memory_space<vmem>>, vector<1x16xf32>,
          %scan3A_430 = arith.constant 0 : i32
          scf.yield %scan3A_430 : i32
        }
        %scan3A_183 = arith.constant 4 : i32
      } else {
      }
      %add3A_84 = arith.constant 1 : i32
      %add3A_85 = arith.addi %add3A_71, %add3A_84 : i32
      %lt3A = arith.constant 80 : i32
      %lt3A_86 = arith.cmpi slt, %add3A_85, %lt3A : i32
      %convert_element_type3A_87 = arith.extui %lt3A_86 : i1 to i32
      %cond3A_88 = arith.constant 0 : i32
      %cond3A_89 = arith.cmpi ne, %convert_element_type3A_87, %cond3A_88 : i32
      scf.if %cond3A_89 {
        %add3A_174 = arith.addi %mul3A_25, %add3A_71 : i32
        %add3A_175 = arith.constant 1 : i32
        %add3A_176 = arith.addi %add3A_174, %add3A_175 : i32
        %add3A_177 = arith.constant 1 : i32
        %add3A_178 = arith.addi %add3A_71, %add3A_177 : i32
        %ge3A = arith.constant 2 : i32
        %ge3A_179 = arith.cmpi sge, %add3A_178, %ge3A : i32
        %convert_element_type3A_180 = arith.extui %ge3A_179 : i1 to i32
        %cond3A_181 = arith.constant 0 : i32
        %cond3A_182 = arith.cmpi ne, %convert_element_type3A_180, %cond3A_181 : i32
        scf.if %cond3A_182 {
          %dma_wait3A_195 = arith.constant 64 : i32
          %dma_wait3A_196 = arith.constant 0 : i32
          %dma_wait3A_197 = tpu.memref_slice %arg16[%dma_wait3A_195, %dma_wait3A_196] : memref<128x128xf32, #tpu.memory_space<vmem>> -> memref<64x128xf32, #tpu.memory_space<vmem>>
          %dma_wait3A_198 = arith.constant 0 : i32
          %dma_wait3A_199 = arith.constant 0 : i32
          %dma_wait3A_200 = tpu.memref_slice %arg19[%dma_wait3A_198, %dma_wait3A_199] : memref<10368x128xf32, #tpu.memory_space<vmem_shared>> -> memref<10368x128xf32, #tpu.memory_space<vmem_shared>>
          tpu.wait_indirect_dma semaphore(%arg22 : memref<!tpu.dma_semaphore, #tpu.memory_space<semaphore_mem>>) src(%dma_wait3A_197 : memref<64x128xf32, #tpu.memory_space<vmem>>) dst(%dma_wait3A_200 : memref<10368x128xf32, #tpu.memory_space<vmem_shared>>)
        } else {
        }
        %mul3A_183 = arith.constant 192 : i32
        %mul3A_184 = arith.muli %add3A_176, %mul3A_183 : i32
        "tpu.region"() ({
          %run_scoped3A = tpu.sem_alloc : memref<!tpu.dma_semaphore, #tpu.memory_space<semaphore_mem>>
          %dma_start3A_195 = tpu.memref_slice %arg3[%mul3A_184] : memref<491520xi32, #tpu.memory_space<hbm>> -> memref<192xi32, #tpu.memory_space<hbm>>
          %dma_start3A_196 = tpu.memref_slice %arg3[%mul3A_184] : memref<491520xi32, #tpu.memory_space<hbm>> -> memref<192xi32, #tpu.memory_space<hbm>>
          tpu.enqueue_dma source(%dma_start3A_196 : memref<192xi32, #tpu.memory_space<hbm>>) target(%arg6 : memref<192xi32, #tpu.memory_space<vmem>>) target_semaphore(%run_scoped3A : memref<!tpu.dma_semaphore, #tpu.memory_space<semaphore_mem>>)
          %dma_wait3A_197 = tpu.memref_slice %arg3[%mul3A_184] : memref<491520xi32, #tpu.memory_space<hbm>> -> memref<192xi32, #tpu.memory_space<hbm>>
          %dma_wait3A_198 = tpu.memref_slice %arg3[%mul3A_184] : memref<491520xi32, #tpu.memory_space<hbm>> -> memref<192xi32, #tpu.memory_space<hbm>>
          tpu.wait_dma2 semaphore(%run_scoped3A : memref<!tpu.dma_semaphore, #tpu.memory_space<semaphore_mem>>) src(%dma_wait3A_198 : memref<192xi32, #tpu.memory_space<hbm>>) dst(%arg6 : memref<192xi32, #tpu.memory_space<vmem>>)
          tpu.yield
        }) : () -> ()
        %scan3A_185 = arith.constant 0 : i32
        %scan3A_186 = arith.constant 0 : i32
        %scan3A_187 = arith.constant 4 : i32
        %scan3A_188 = arith.addi %scan3A_186, %scan3A_187 : i32
        %scan3A_189 = arith.constant 1 : i32
        %scan3A_190 = scf.for %scan3A_195 = %scan3A_186 to %scan3A_188 step %scan3A_189 iter_args(%scan3A_196 = %scan3A_185) -> (i32)  : i32 {
          %mul3A_197 = arith.constant 16 : i32
          %mul3A_198 = arith.muli %scan3A_195, %mul3A_197 : i32
          %mul3A_199 = arith.constant 16 : i32
          %mul3A_200 = arith.muli %scan3A_195, %mul3A_199 : i32
          %get3A = arith.index_cast %mul3A_200 : i32 to index
          %get3A_201 = tpu.vector_load %arg6[%get3A] {strides = array<i32>} : memref<192xi32, #tpu.memory_space<vmem>>, vector<16xi32>,
          %get3A_202 = vector.shape_cast %get3A_201 : vector<16xi32> to vector<16xi32>
          %mul3A_203 = arith.constant 16 : i32
          %mul3A_204 = arith.muli %scan3A_195, %mul3A_203 : i32
          %add3A_205 = arith.constant 64 : i32
          %add3A_206 = arith.addi %add3A_205, %mul3A_204 : i32
          %get3A_207 = arith.index_cast %add3A_206 : i32 to index
          %get3A_208 = tpu.vector_load %arg6[%get3A_207] {strides = array<i32>} : memref<192xi32, #tpu.memory_space<vmem>>, vector<16xi32>,
          %get3A_209 = vector.shape_cast %get3A_208 : vector<16xi32> to vector<16xi32>
          %mul3A_210 = arith.constant 16 : i32
          %mul3A_211 = arith.muli %scan3A_195, %mul3A_210 : i32
          %add3A_212 = arith.constant 128 : i32
          %add3A_213 = arith.addi %add3A_212, %mul3A_211 : i32
          %get3A_214 = arith.index_cast %add3A_213 : i32 to index
          %get3A_215 = tpu.vector_load %arg6[%get3A_214] {strides = array<i32>} : memref<192xi32, #tpu.memory_space<vmem>>, vector<16xi32>,
          %get3A_216 = vector.shape_cast %get3A_215 : vector<16xi32> to vector<16xi32>
          %mul3A_217 = arith.constant 10240 : i32
          %mul3A_218 = vector.broadcast %mul3A_217 : i32 to vector<16xi32>
          %mul3A_219 = arith.muli %get3A_216, %mul3A_218 : vector<16xi32>
          %add3A_220 = arith.addi %mul3A_219, %get3A_209 : vector<16xi32>
          %swap3A = arith.index_cast %mul3A_198 : i32 to index
          %swap3A_221 = tpu.vector_load %arg8[%swap3A] {strides = array<i32>} : memref<128xi32, #tpu.memory_space<vmem>>, vector<16xi32>,
          %swap3A_222 = vector.shape_cast %swap3A_221 : vector<16xi32> to vector<16xi32>
          %swap3A_223 = vector.shape_cast %add3A_220 : vector<16xi32> to vector<16xi32>
          tpu.vector_store %arg8[%swap3A], %swap3A_223 {strides = array<i32>} : memref<128xi32, #tpu.memory_space<vmem>>, vector<16xi32>,
          %add3A_224 = arith.constant 81920 : i32
          %add3A_225 = vector.broadcast %add3A_224 : i32 to vector<16xi32>
          %add3A_226 = arith.addi %add3A_225, %get3A_202 : vector<16xi32>
          %mul3A_227 = arith.constant 16 : i32
          %mul3A_228 = arith.muli %scan3A_195, %mul3A_227 : i32
          %add3A_229 = arith.constant 64 : i32
          %add3A_230 = arith.addi %add3A_229, %mul3A_228 : i32
          %swap3A_231 = arith.index_cast %add3A_230 : i32 to index
          %swap3A_232 = tpu.vector_load %arg8[%swap3A_231] {strides = array<i32>} : memref<128xi32, #tpu.memory_space<vmem>>, vector<16xi32>,
          %swap3A_233 = vector.shape_cast %swap3A_232 : vector<16xi32> to vector<16xi32>
          %swap3A_234 = vector.shape_cast %add3A_226 : vector<16xi32> to vector<16xi32>
          tpu.vector_store %arg8[%swap3A_231], %swap3A_234 {strides = array<i32>} : memref<128xi32, #tpu.memory_space<vmem>>, vector<16xi32>,
          %mul3A_235 = arith.constant 10240 : i32
          %mul3A_236 = vector.broadcast %mul3A_235 : i32 to vector<16xi32>
          %mul3A_237 = arith.muli %get3A_216, %mul3A_236 : vector<16xi32>
          %add3A_238 = arith.constant 40960 : i32
          %add3A_239 = vector.broadcast %add3A_238 : i32 to vector<16xi32>
          %add3A_240 = arith.addi %add3A_239, %mul3A_237 : vector<16xi32>
          %add3A_241 = arith.addi %add3A_240, %get3A_202 : vector<16xi32>
          %swap3A_242 = arith.index_cast %mul3A_198 : i32 to index
          %swap3A_243 = tpu.vector_load %arg10[%swap3A_242] {strides = array<i32>} : memref<64xi32, #tpu.memory_space<vmem>>, vector<16xi32>,
          %swap3A_244 = vector.shape_cast %swap3A_243 : vector<16xi32> to vector<16xi32>
          %swap3A_245 = vector.shape_cast %add3A_241 : vector<16xi32> to vector<16xi32>
          tpu.vector_store %arg10[%swap3A_242], %swap3A_245 {strides = array<i32>} : memref<64xi32, #tpu.memory_space<vmem>>, vector<16xi32>,
          %swap3A_246 = arith.index_cast %mul3A_198 : i32 to index
          %swap3A_247 = tpu.vector_load %arg12[%swap3A_246] {strides = array<i32>} : memref<64xi32, #tpu.memory_space<vmem>>, vector<16xi32>,
          %swap3A_248 = vector.shape_cast %swap3A_247 : vector<16xi32> to vector<16xi32>
          %swap3A_249 = vector.shape_cast %get3A_209 : vector<16xi32> to vector<16xi32>
          tpu.vector_store %arg12[%swap3A_246], %swap3A_249 {strides = array<i32>} : memref<64xi32, #tpu.memory_space<vmem>>, vector<16xi32>,
          %shift_right_logical3A = arith.constant 7 : i32
          %shift_right_logical3A_250 = vector.broadcast %shift_right_logical3A : i32 to vector<16xi32>
          %shift_right_logical3A_251 = arith.shrui %get3A_209, %shift_right_logical3A_250 : vector<16xi32>
          %add3A_252 = arith.constant 10240 : i32
          %add3A_253 = vector.broadcast %add3A_252 : i32 to vector<16xi32>
          %add3A_254 = arith.addi %add3A_253, %shift_right_logical3A_251 : vector<16xi32>
          %swap3A_255 = arith.index_cast %mul3A_198 : i32 to index
          %swap3A_256 = tpu.vector_load %arg14[%swap3A_255] {strides = array<i32>} : memref<64xi32, #tpu.memory_space<vmem>>, vector<16xi32>,
          %swap3A_257 = vector.shape_cast %swap3A_256 : vector<16xi32> to vector<16xi32>
          %swap3A_258 = vector.shape_cast %add3A_254 : vector<16xi32> to vector<16xi32>
          tpu.vector_store %arg14[%swap3A_255], %swap3A_258 {strides = array<i32>} : memref<64xi32, #tpu.memory_space<vmem>>, vector<16xi32>,
          %scan3A_259 = arith.constant 0 : i32
          scf.yield %scan3A_259 : i32
        }
        %scan3A_191 = arith.constant 4 : i32
        %dma_start3A_192 = arith.constant 0 : i32
        %dma_start3A_193 = arith.constant 0 : i32
        %dma_start3A_194 = tpu.memref_slice %arg2[%dma_start3A_192, %dma_start3A_193] : memref<92160x128xf32, #tpu.memory_space<hbm>> -> memref<92160x128xf32, #tpu.memory_space<hbm>>
        tpu.enqueue_indirect_dma source(%dma_start3A_194 : memref<92160x128xf32, #tpu.memory_space<hbm>>) target(%arg16 : memref<128x128xf32, #tpu.memory_space<vmem>>) offsets(%arg8 : memref<128xi32, #tpu.memory_space<vmem>>) semaphore(%arg20 : memref<!tpu.dma_semaphore, #tpu.memory_space<semaphore_mem>>)
      } else {
      }
      %scan3A_90 = arith.constant 0 : i32
      %scan3A_91 = arith.constant 0 : i32
      %scan3A_92 = arith.constant 4 : i32
      %scan3A_93 = arith.addi %scan3A_91, %scan3A_92 : i32
      %scan3A_94 = arith.constant 1 : i32
      %scan3A_95 = scf.for %scan3A_174 = %scan3A_91 to %scan3A_93 step %scan3A_94 iter_args(%scan3A_175 = %scan3A_90) -> (i32)  : i32 {
        %mul3A_176 = arith.constant 16 : i32
        %mul3A_177 = arith.muli %scan3A_174, %mul3A_176 : i32
        %add3A_178 = arith.constant 64 : i32
        %add3A_179 = arith.addi %add3A_178, %mul3A_177 : i32
        %get3A = arith.index_cast %add3A_179 : i32 to index
        %get3A_180 = tpu.vector_load %arg5[%get3A] {strides = array<i32>} : memref<192xi32, #tpu.memory_space<vmem>>, vector<16xi32>,
        %get3A_181 = vector.shape_cast %get3A_180 : vector<16xi32> to vector<16xi32>
        %and3A = arith.constant 127 : i32
        %and3A_182 = vector.broadcast %and3A : i32 to vector<16xi32>
        %and3A_183 = arith.andi %get3A_181, %and3A_182 : vector<16xi32>
        %slice3A = vector.extract_strided_slice %and3A_183 {offsets = [0], sizes = [1], strides = [1]} : vector<16xi32> to vector<1xi32>
        %squeeze3A = vector.extract %slice3A[0] : i32 from vector<1xi32>
        %shift_right_logical3A = arith.constant 4 : i32
        %shift_right_logical3A_184 = arith.shrui %squeeze3A, %shift_right_logical3A : i32
        %mul3A_185 = arith.constant 16 : i32
        %mul3A_186 = arith.muli %shift_right_logical3A_184, %mul3A_185 : i32
        %and3A_187 = arith.constant 15 : i32
        %and3A_188 = arith.andi %squeeze3A, %and3A_187 : i32
        %eq3A = vector.broadcast %and3A_188 : i32 to vector<16xi32>
        %eq3A_189 = arith.cmpi eq, %iota3A, %eq3A : vector<16xi32>
        %jit3A = arith.constant 1.000000e+00 : f32
        %jit3A_190 = arith.constant 0.000000e+00 : f32
        %broadcast_in_dim3A_191 = vector.broadcast %jit3A : f32 to vector<16xf32>
        %broadcast_in_dim3A_192 = vector.broadcast %jit3A_190 : f32 to vector<16xf32>
        %select_n3A = arith.select %eq3A_189, %broadcast_in_dim3A_191, %broadcast_in_dim3A_192 : vector<16xi1>, vector<16xf32>
        %mul3A_193 = arith.constant 16 : i32
        %mul3A_194 = arith.muli %scan3A_174, %mul3A_193 : i32
        %add3A_195 = arith.constant 0 : i32
        %add3A_196 = arith.addi %mul3A_194, %add3A_195 : i32
        %swap3A = arith.index_cast %add3A_196 : i32 to index
        %swap3A_197 = arith.index_cast %mul3A_186 : i32 to index
        %swap3A_198 = tpu.vector_load %arg17[%swap3A, %swap3A_197] {strides = array<i32>} : memref<64x128xf32, #tpu.memory_space<vmem>>, vector<1x16xf32>,
        %swap3A_199 = vector.shape_cast %swap3A_198 : vector<1x16xf32> to vector<16xf32>
        %swap3A_200 = vector.shape_cast %select_n3A : vector<16xf32> to vector<1x16xf32>
        tpu.vector_store %arg17[%swap3A, %swap3A_197], %swap3A_200 {strides = array<i32>} : memref<64x128xf32, #tpu.memory_space<vmem>>, vector<1x16xf32>,
        %slice3A_201 = vector.extract_strided_slice %and3A_183 {offsets = [1], sizes = [1], strides = [1]} : vector<16xi32> to vector<1xi32>
        %squeeze3A_202 = vector.extract %slice3A_201[0] : i32 from vector<1xi32>
        %shift_right_logical3A_203 = arith.constant 4 : i32
        %shift_right_logical3A_204 = arith.shrui %squeeze3A_202, %shift_right_logical3A_203 : i32
        %mul3A_205 = arith.constant 16 : i32
        %mul3A_206 = arith.muli %shift_right_logical3A_204, %mul3A_205 : i32
        %and3A_207 = arith.constant 15 : i32
        %and3A_208 = arith.andi %squeeze3A_202, %and3A_207 : i32
        %eq3A_209 = vector.broadcast %and3A_208 : i32 to vector<16xi32>
        %eq3A_210 = arith.cmpi eq, %iota3A, %eq3A_209 : vector<16xi32>
        %jit3A_211 = arith.constant 1.000000e+00 : f32
        %jit3A_212 = arith.constant 0.000000e+00 : f32
        %broadcast_in_dim3A_213 = vector.broadcast %jit3A_211 : f32 to vector<16xf32>
        %broadcast_in_dim3A_214 = vector.broadcast %jit3A_212 : f32 to vector<16xf32>
        %select_n3A_215 = arith.select %eq3A_210, %broadcast_in_dim3A_213, %broadcast_in_dim3A_214 : vector<16xi1>, vector<16xf32>
        %mul3A_216 = arith.constant 16 : i32
        %mul3A_217 = arith.muli %scan3A_174, %mul3A_216 : i32
        %add3A_218 = arith.constant 1 : i32
        %add3A_219 = arith.addi %mul3A_217, %add3A_218 : i32
        %swap3A_220 = arith.index_cast %add3A_219 : i32 to index
        %swap3A_221 = arith.index_cast %mul3A_206 : i32 to index
        %swap3A_222 = tpu.vector_load %arg17[%swap3A_220, %swap3A_221] {strides = array<i32>} : memref<64x128xf32, #tpu.memory_space<vmem>>, vector<1x16xf32>,
        %swap3A_223 = vector.shape_cast %swap3A_222 : vector<1x16xf32> to vector<16xf32>
        %swap3A_224 = vector.shape_cast %select_n3A_215 : vector<16xf32> to vector<1x16xf32>
        tpu.vector_store %arg17[%swap3A_220, %swap3A_221], %swap3A_224 {strides = array<i32>} : memref<64x128xf32, #tpu.memory_space<vmem>>, vector<1x16xf32>,
        %slice3A_225 = vector.extract_strided_slice %and3A_183 {offsets = [2], sizes = [1], strides = [1]} : vector<16xi32> to vector<1xi32>
        %squeeze3A_226 = vector.extract %slice3A_225[0] : i32 from vector<1xi32>
        %shift_right_logical3A_227 = arith.constant 4 : i32
        %shift_right_logical3A_228 = arith.shrui %squeeze3A_226, %shift_right_logical3A_227 : i32
        %mul3A_229 = arith.constant 16 : i32
        %mul3A_230 = arith.muli %shift_right_logical3A_228, %mul3A_229 : i32
        %and3A_231 = arith.constant 15 : i32
        %and3A_232 = arith.andi %squeeze3A_226, %and3A_231 : i32
        %eq3A_233 = vector.broadcast %and3A_232 : i32 to vector<16xi32>
        %eq3A_234 = arith.cmpi eq, %iota3A, %eq3A_233 : vector<16xi32>
        %jit3A_235 = arith.constant 1.000000e+00 : f32
        %jit3A_236 = arith.constant 0.000000e+00 : f32
        %broadcast_in_dim3A_237 = vector.broadcast %jit3A_235 : f32 to vector<16xf32>
        %broadcast_in_dim3A_238 = vector.broadcast %jit3A_236 : f32 to vector<16xf32>
        %select_n3A_239 = arith.select %eq3A_234, %broadcast_in_dim3A_237, %broadcast_in_dim3A_238 : vector<16xi1>, vector<16xf32>
        %mul3A_240 = arith.constant 16 : i32
        %mul3A_241 = arith.muli %scan3A_174, %mul3A_240 : i32
        %add3A_242 = arith.constant 2 : i32
        %add3A_243 = arith.addi %mul3A_241, %add3A_242 : i32
        %swap3A_244 = arith.index_cast %add3A_243 : i32 to index
        %swap3A_245 = arith.index_cast %mul3A_230 : i32 to index
        %swap3A_246 = tpu.vector_load %arg17[%swap3A_244, %swap3A_245] {strides = array<i32>} : memref<64x128xf32, #tpu.memory_space<vmem>>, vector<1x16xf32>,
        %swap3A_247 = vector.shape_cast %swap3A_246 : vector<1x16xf32> to vector<16xf32>
        %swap3A_248 = vector.shape_cast %select_n3A_239 : vector<16xf32> to vector<1x16xf32>
        tpu.vector_store %arg17[%swap3A_244, %swap3A_245], %swap3A_248 {strides = array<i32>} : memref<64x128xf32, #tpu.memory_space<vmem>>, vector<1x16xf32>,
        %slice3A_249 = vector.extract_strided_slice %and3A_183 {offsets = [3], sizes = [1], strides = [1]} : vector<16xi32> to vector<1xi32>
        %squeeze3A_250 = vector.extract %slice3A_249[0] : i32 from vector<1xi32>
        %shift_right_logical3A_251 = arith.constant 4 : i32
        %shift_right_logical3A_252 = arith.shrui %squeeze3A_250, %shift_right_logical3A_251 : i32
        %mul3A_253 = arith.constant 16 : i32
        %mul3A_254 = arith.muli %shift_right_logical3A_252, %mul3A_253 : i32
        %and3A_255 = arith.constant 15 : i32
        %and3A_256 = arith.andi %squeeze3A_250, %and3A_255 : i32
        %eq3A_257 = vector.broadcast %and3A_256 : i32 to vector<16xi32>
        %eq3A_258 = arith.cmpi eq, %iota3A, %eq3A_257 : vector<16xi32>
        %jit3A_259 = arith.constant 1.000000e+00 : f32
        %jit3A_260 = arith.constant 0.000000e+00 : f32
        %broadcast_in_dim3A_261 = vector.broadcast %jit3A_259 : f32 to vector<16xf32>
        %broadcast_in_dim3A_262 = vector.broadcast %jit3A_260 : f32 to vector<16xf32>
        %select_n3A_263 = arith.select %eq3A_258, %broadcast_in_dim3A_261, %broadcast_in_dim3A_262 : vector<16xi1>, vector<16xf32>
        %mul3A_264 = arith.constant 16 : i32
        %mul3A_265 = arith.muli %scan3A_174, %mul3A_264 : i32
        %add3A_266 = arith.constant 3 : i32
        %add3A_267 = arith.addi %mul3A_265, %add3A_266 : i32
        %swap3A_268 = arith.index_cast %add3A_267 : i32 to index
        %swap3A_269 = arith.index_cast %mul3A_254 : i32 to index
        %swap3A_270 = tpu.vector_load %arg17[%swap3A_268, %swap3A_269] {strides = array<i32>} : memref<64x128xf32, #tpu.memory_space<vmem>>, vector<1x16xf32>,
        %swap3A_271 = vector.shape_cast %swap3A_270 : vector<1x16xf32> to vector<16xf32>
        %swap3A_272 = vector.shape_cast %select_n3A_263 : vector<16xf32> to vector<1x16xf32>
        tpu.vector_store %arg17[%swap3A_268, %swap3A_269], %swap3A_272 {strides = array<i32>} : memref<64x128xf32, #tpu.memory_space<vmem>>, vector<1x16xf32>,
        %slice3A_273 = vector.extract_strided_slice %and3A_183 {offsets = [4], sizes = [1], strides = [1]} : vector<16xi32> to vector<1xi32>
        %squeeze3A_274 = vector.extract %slice3A_273[0] : i32 from vector<1xi32>
        %shift_right_logical3A_275 = arith.constant 4 : i32
        %shift_right_logical3A_276 = arith.shrui %squeeze3A_274, %shift_right_logical3A_275 : i32
        %mul3A_277 = arith.constant 16 : i32
        %mul3A_278 = arith.muli %shift_right_logical3A_276, %mul3A_277 : i32
        %and3A_279 = arith.constant 15 : i32
        %and3A_280 = arith.andi %squeeze3A_274, %and3A_279 : i32
        %eq3A_281 = vector.broadcast %and3A_280 : i32 to vector<16xi32>
        %eq3A_282 = arith.cmpi eq, %iota3A, %eq3A_281 : vector<16xi32>
        %jit3A_283 = arith.constant 1.000000e+00 : f32
        %jit3A_284 = arith.constant 0.000000e+00 : f32
        %broadcast_in_dim3A_285 = vector.broadcast %jit3A_283 : f32 to vector<16xf32>
        %broadcast_in_dim3A_286 = vector.broadcast %jit3A_284 : f32 to vector<16xf32>
        %select_n3A_287 = arith.select %eq3A_282, %broadcast_in_dim3A_285, %broadcast_in_dim3A_286 : vector<16xi1>, vector<16xf32>
        %mul3A_288 = arith.constant 16 : i32
        %mul3A_289 = arith.muli %scan3A_174, %mul3A_288 : i32
        %add3A_290 = arith.constant 4 : i32
        %add3A_291 = arith.addi %mul3A_289, %add3A_290 : i32
        %swap3A_292 = arith.index_cast %add3A_291 : i32 to index
        %swap3A_293 = arith.index_cast %mul3A_278 : i32 to index
        %swap3A_294 = tpu.vector_load %arg17[%swap3A_292, %swap3A_293] {strides = array<i32>} : memref<64x128xf32, #tpu.memory_space<vmem>>, vector<1x16xf32>,
        %swap3A_295 = vector.shape_cast %swap3A_294 : vector<1x16xf32> to vector<16xf32>
        %swap3A_296 = vector.shape_cast %select_n3A_287 : vector<16xf32> to vector<1x16xf32>
        tpu.vector_store %arg17[%swap3A_292, %swap3A_293], %swap3A_296 {strides = array<i32>} : memref<64x128xf32, #tpu.memory_space<vmem>>, vector<1x16xf32>,
        %slice3A_297 = vector.extract_strided_slice %and3A_183 {offsets = [5], sizes = [1], strides = [1]} : vector<16xi32> to vector<1xi32>
        %squeeze3A_298 = vector.extract %slice3A_297[0] : i32 from vector<1xi32>
        %shift_right_logical3A_299 = arith.constant 4 : i32
        %shift_right_logical3A_300 = arith.shrui %squeeze3A_298, %shift_right_logical3A_299 : i32
        %mul3A_301 = arith.constant 16 : i32
        %mul3A_302 = arith.muli %shift_right_logical3A_300, %mul3A_301 : i32
        %and3A_303 = arith.constant 15 : i32
        %and3A_304 = arith.andi %squeeze3A_298, %and3A_303 : i32
        %eq3A_305 = vector.broadcast %and3A_304 : i32 to vector<16xi32>
        %eq3A_306 = arith.cmpi eq, %iota3A, %eq3A_305 : vector<16xi32>
        %jit3A_307 = arith.constant 1.000000e+00 : f32
        %jit3A_308 = arith.constant 0.000000e+00 : f32
        %broadcast_in_dim3A_309 = vector.broadcast %jit3A_307 : f32 to vector<16xf32>
        %broadcast_in_dim3A_310 = vector.broadcast %jit3A_308 : f32 to vector<16xf32>
        %select_n3A_311 = arith.select %eq3A_306, %broadcast_in_dim3A_309, %broadcast_in_dim3A_310 : vector<16xi1>, vector<16xf32>
        %mul3A_312 = arith.constant 16 : i32
        %mul3A_313 = arith.muli %scan3A_174, %mul3A_312 : i32
        %add3A_314 = arith.constant 5 : i32
        %add3A_315 = arith.addi %mul3A_313, %add3A_314 : i32
        %swap3A_316 = arith.index_cast %add3A_315 : i32 to index
        %swap3A_317 = arith.index_cast %mul3A_302 : i32 to index
        %swap3A_318 = tpu.vector_load %arg17[%swap3A_316, %swap3A_317] {strides = array<i32>} : memref<64x128xf32, #tpu.memory_space<vmem>>, vector<1x16xf32>,
        %swap3A_319 = vector.shape_cast %swap3A_318 : vector<1x16xf32> to vector<16xf32>
        %swap3A_320 = vector.shape_cast %select_n3A_311 : vector<16xf32> to vector<1x16xf32>
        tpu.vector_store %arg17[%swap3A_316, %swap3A_317], %swap3A_320 {strides = array<i32>} : memref<64x128xf32, #tpu.memory_space<vmem>>, vector<1x16xf32>,
        %slice3A_321 = vector.extract_strided_slice %and3A_183 {offsets = [6], sizes = [1], strides = [1]} : vector<16xi32> to vector<1xi32>
        %squeeze3A_322 = vector.extract %slice3A_321[0] : i32 from vector<1xi32>
        %shift_right_logical3A_323 = arith.constant 4 : i32
        %shift_right_logical3A_324 = arith.shrui %squeeze3A_322, %shift_right_logical3A_323 : i32
        %mul3A_325 = arith.constant 16 : i32
        %mul3A_326 = arith.muli %shift_right_logical3A_324, %mul3A_325 : i32
        %and3A_327 = arith.constant 15 : i32
        %and3A_328 = arith.andi %squeeze3A_322, %and3A_327 : i32
        %eq3A_329 = vector.broadcast %and3A_328 : i32 to vector<16xi32>
        %eq3A_330 = arith.cmpi eq, %iota3A, %eq3A_329 : vector<16xi32>
        %jit3A_331 = arith.constant 1.000000e+00 : f32
        %jit3A_332 = arith.constant 0.000000e+00 : f32
        %broadcast_in_dim3A_333 = vector.broadcast %jit3A_331 : f32 to vector<16xf32>
        %broadcast_in_dim3A_334 = vector.broadcast %jit3A_332 : f32 to vector<16xf32>
        %select_n3A_335 = arith.select %eq3A_330, %broadcast_in_dim3A_333, %broadcast_in_dim3A_334 : vector<16xi1>, vector<16xf32>
        %mul3A_336 = arith.constant 16 : i32
        %mul3A_337 = arith.muli %scan3A_174, %mul3A_336 : i32
        %add3A_338 = arith.constant 6 : i32
        %add3A_339 = arith.addi %mul3A_337, %add3A_338 : i32
        %swap3A_340 = arith.index_cast %add3A_339 : i32 to index
        %swap3A_341 = arith.index_cast %mul3A_326 : i32 to index
        %swap3A_342 = tpu.vector_load %arg17[%swap3A_340, %swap3A_341] {strides = array<i32>} : memref<64x128xf32, #tpu.memory_space<vmem>>, vector<1x16xf32>,
        %swap3A_343 = vector.shape_cast %swap3A_342 : vector<1x16xf32> to vector<16xf32>
        %swap3A_344 = vector.shape_cast %select_n3A_335 : vector<16xf32> to vector<1x16xf32>
        tpu.vector_store %arg17[%swap3A_340, %swap3A_341], %swap3A_344 {strides = array<i32>} : memref<64x128xf32, #tpu.memory_space<vmem>>, vector<1x16xf32>,
        %slice3A_345 = vector.extract_strided_slice %and3A_183 {offsets = [7], sizes = [1], strides = [1]} : vector<16xi32> to vector<1xi32>
        %squeeze3A_346 = vector.extract %slice3A_345[0] : i32 from vector<1xi32>
        %shift_right_logical3A_347 = arith.constant 4 : i32
        %shift_right_logical3A_348 = arith.shrui %squeeze3A_346, %shift_right_logical3A_347 : i32
        %mul3A_349 = arith.constant 16 : i32
        %mul3A_350 = arith.muli %shift_right_logical3A_348, %mul3A_349 : i32
        %and3A_351 = arith.constant 15 : i32
        %and3A_352 = arith.andi %squeeze3A_346, %and3A_351 : i32
        %eq3A_353 = vector.broadcast %and3A_352 : i32 to vector<16xi32>
        %eq3A_354 = arith.cmpi eq, %iota3A, %eq3A_353 : vector<16xi32>
        %jit3A_355 = arith.constant 1.000000e+00 : f32
        %jit3A_356 = arith.constant 0.000000e+00 : f32
        %broadcast_in_dim3A_357 = vector.broadcast %jit3A_355 : f32 to vector<16xf32>
        %broadcast_in_dim3A_358 = vector.broadcast %jit3A_356 : f32 to vector<16xf32>
        %select_n3A_359 = arith.select %eq3A_354, %broadcast_in_dim3A_357, %broadcast_in_dim3A_358 : vector<16xi1>, vector<16xf32>
        %mul3A_360 = arith.constant 16 : i32
        %mul3A_361 = arith.muli %scan3A_174, %mul3A_360 : i32
        %add3A_362 = arith.constant 7 : i32
        %add3A_363 = arith.addi %mul3A_361, %add3A_362 : i32
        %swap3A_364 = arith.index_cast %add3A_363 : i32 to index
        %swap3A_365 = arith.index_cast %mul3A_350 : i32 to index
        %swap3A_366 = tpu.vector_load %arg17[%swap3A_364, %swap3A_365] {strides = array<i32>} : memref<64x128xf32, #tpu.memory_space<vmem>>, vector<1x16xf32>,
        %swap3A_367 = vector.shape_cast %swap3A_366 : vector<1x16xf32> to vector<16xf32>
        %swap3A_368 = vector.shape_cast %select_n3A_359 : vector<16xf32> to vector<1x16xf32>
        tpu.vector_store %arg17[%swap3A_364, %swap3A_365], %swap3A_368 {strides = array<i32>} : memref<64x128xf32, #tpu.memory_space<vmem>>, vector<1x16xf32>,
        %slice3A_369 = vector.extract_strided_slice %and3A_183 {offsets = [8], sizes = [1], strides = [1]} : vector<16xi32> to vector<1xi32>
        %squeeze3A_370 = vector.extract %slice3A_369[0] : i32 from vector<1xi32>
        %shift_right_logical3A_371 = arith.constant 4 : i32
        %shift_right_logical3A_372 = arith.shrui %squeeze3A_370, %shift_right_logical3A_371 : i32
        %mul3A_373 = arith.constant 16 : i32
        %mul3A_374 = arith.muli %shift_right_logical3A_372, %mul3A_373 : i32
        %and3A_375 = arith.constant 15 : i32
        %and3A_376 = arith.andi %squeeze3A_370, %and3A_375 : i32
        %eq3A_377 = vector.broadcast %and3A_376 : i32 to vector<16xi32>
        %eq3A_378 = arith.cmpi eq, %iota3A, %eq3A_377 : vector<16xi32>
        %jit3A_379 = arith.constant 1.000000e+00 : f32
        %jit3A_380 = arith.constant 0.000000e+00 : f32
        %broadcast_in_dim3A_381 = vector.broadcast %jit3A_379 : f32 to vector<16xf32>
        %broadcast_in_dim3A_382 = vector.broadcast %jit3A_380 : f32 to vector<16xf32>
        %select_n3A_383 = arith.select %eq3A_378, %broadcast_in_dim3A_381, %broadcast_in_dim3A_382 : vector<16xi1>, vector<16xf32>
        %mul3A_384 = arith.constant 16 : i32
        %mul3A_385 = arith.muli %scan3A_174, %mul3A_384 : i32
        %add3A_386 = arith.constant 8 : i32
        %add3A_387 = arith.addi %mul3A_385, %add3A_386 : i32
        %swap3A_388 = arith.index_cast %add3A_387 : i32 to index
        %swap3A_389 = arith.index_cast %mul3A_374 : i32 to index
        %swap3A_390 = tpu.vector_load %arg17[%swap3A_388, %swap3A_389] {strides = array<i32>} : memref<64x128xf32, #tpu.memory_space<vmem>>, vector<1x16xf32>,
        %swap3A_391 = vector.shape_cast %swap3A_390 : vector<1x16xf32> to vector<16xf32>
        %swap3A_392 = vector.shape_cast %select_n3A_383 : vector<16xf32> to vector<1x16xf32>
        tpu.vector_store %arg17[%swap3A_388, %swap3A_389], %swap3A_392 {strides = array<i32>} : memref<64x128xf32, #tpu.memory_space<vmem>>, vector<1x16xf32>,
        %slice3A_393 = vector.extract_strided_slice %and3A_183 {offsets = [9], sizes = [1], strides = [1]} : vector<16xi32> to vector<1xi32>
        %squeeze3A_394 = vector.extract %slice3A_393[0] : i32 from vector<1xi32>
        %shift_right_logical3A_395 = arith.constant 4 : i32
        %shift_right_logical3A_396 = arith.shrui %squeeze3A_394, %shift_right_logical3A_395 : i32
        %mul3A_397 = arith.constant 16 : i32
        %mul3A_398 = arith.muli %shift_right_logical3A_396, %mul3A_397 : i32
        %and3A_399 = arith.constant 15 : i32
        %and3A_400 = arith.andi %squeeze3A_394, %and3A_399 : i32
        %eq3A_401 = vector.broadcast %and3A_400 : i32 to vector<16xi32>
        %eq3A_402 = arith.cmpi eq, %iota3A, %eq3A_401 : vector<16xi32>
        %jit3A_403 = arith.constant 1.000000e+00 : f32
        %jit3A_404 = arith.constant 0.000000e+00 : f32
        %broadcast_in_dim3A_405 = vector.broadcast %jit3A_403 : f32 to vector<16xf32>
        %broadcast_in_dim3A_406 = vector.broadcast %jit3A_404 : f32 to vector<16xf32>
        %select_n3A_407 = arith.select %eq3A_402, %broadcast_in_dim3A_405, %broadcast_in_dim3A_406 : vector<16xi1>, vector<16xf32>
        %mul3A_408 = arith.constant 16 : i32
        %mul3A_409 = arith.muli %scan3A_174, %mul3A_408 : i32
        %add3A_410 = arith.constant 9 : i32
        %add3A_411 = arith.addi %mul3A_409, %add3A_410 : i32
        %swap3A_412 = arith.index_cast %add3A_411 : i32 to index
        %swap3A_413 = arith.index_cast %mul3A_398 : i32 to index
        %swap3A_414 = tpu.vector_load %arg17[%swap3A_412, %swap3A_413] {strides = array<i32>} : memref<64x128xf32, #tpu.memory_space<vmem>>, vector<1x16xf32>,
        %swap3A_415 = vector.shape_cast %swap3A_414 : vector<1x16xf32> to vector<16xf32>
        %swap3A_416 = vector.shape_cast %select_n3A_407 : vector<16xf32> to vector<1x16xf32>
        tpu.vector_store %arg17[%swap3A_412, %swap3A_413], %swap3A_416 {strides = array<i32>} : memref<64x128xf32, #tpu.memory_space<vmem>>, vector<1x16xf32>,
        %slice3A_417 = vector.extract_strided_slice %and3A_183 {offsets = [10], sizes = [1], strides = [1]} : vector<16xi32> to vector<1xi32>
        %squeeze3A_418 = vector.extract %slice3A_417[0] : i32 from vector<1xi32>
        %shift_right_logical3A_419 = arith.constant 4 : i32
        %shift_right_logical3A_420 = arith.shrui %squeeze3A_418, %shift_right_logical3A_419 : i32
        %mul3A_421 = arith.constant 16 : i32
        %mul3A_422 = arith.muli %shift_right_logical3A_420, %mul3A_421 : i32
        %and3A_423 = arith.constant 15 : i32
        %and3A_424 = arith.andi %squeeze3A_418, %and3A_423 : i32
        %eq3A_425 = vector.broadcast %and3A_424 : i32 to vector<16xi32>
        %eq3A_426 = arith.cmpi eq, %iota3A, %eq3A_425 : vector<16xi32>
        %jit3A_427 = arith.constant 1.000000e+00 : f32
        %jit3A_428 = arith.constant 0.000000e+00 : f32
        %broadcast_in_dim3A_429 = vector.broadcast %jit3A_427 : f32 to vector<16xf32>
        %broadcast_in_dim3A_430 = vector.broadcast %jit3A_428 : f32 to vector<16xf32>
        %select_n3A_431 = arith.select %eq3A_426, %broadcast_in_dim3A_429, %broadcast_in_dim3A_430 : vector<16xi1>, vector<16xf32>
        %mul3A_432 = arith.constant 16 : i32
        %mul3A_433 = arith.muli %scan3A_174, %mul3A_432 : i32
        %add3A_434 = arith.constant 10 : i32
        %add3A_435 = arith.addi %mul3A_433, %add3A_434 : i32
        %swap3A_436 = arith.index_cast %add3A_435 : i32 to index
        %swap3A_437 = arith.index_cast %mul3A_422 : i32 to index
        %swap3A_438 = tpu.vector_load %arg17[%swap3A_436, %swap3A_437] {strides = array<i32>} : memref<64x128xf32, #tpu.memory_space<vmem>>, vector<1x16xf32>,
        %swap3A_439 = vector.shape_cast %swap3A_438 : vector<1x16xf32> to vector<16xf32>
        %swap3A_440 = vector.shape_cast %select_n3A_431 : vector<16xf32> to vector<1x16xf32>
        tpu.vector_store %arg17[%swap3A_436, %swap3A_437], %swap3A_440 {strides = array<i32>} : memref<64x128xf32, #tpu.memory_space<vmem>>, vector<1x16xf32>,
        %slice3A_441 = vector.extract_strided_slice %and3A_183 {offsets = [11], sizes = [1], strides = [1]} : vector<16xi32> to vector<1xi32>
        %squeeze3A_442 = vector.extract %slice3A_441[0] : i32 from vector<1xi32>
        %shift_right_logical3A_443 = arith.constant 4 : i32
        %shift_right_logical3A_444 = arith.shrui %squeeze3A_442, %shift_right_logical3A_443 : i32
        %mul3A_445 = arith.constant 16 : i32
        %mul3A_446 = arith.muli %shift_right_logical3A_444, %mul3A_445 : i32
        %and3A_447 = arith.constant 15 : i32
        %and3A_448 = arith.andi %squeeze3A_442, %and3A_447 : i32
        %eq3A_449 = vector.broadcast %and3A_448 : i32 to vector<16xi32>
        %eq3A_450 = arith.cmpi eq, %iota3A, %eq3A_449 : vector<16xi32>
        %jit3A_451 = arith.constant 1.000000e+00 : f32
        %jit3A_452 = arith.constant 0.000000e+00 : f32
        %broadcast_in_dim3A_453 = vector.broadcast %jit3A_451 : f32 to vector<16xf32>
        %broadcast_in_dim3A_454 = vector.broadcast %jit3A_452 : f32 to vector<16xf32>
        %select_n3A_455 = arith.select %eq3A_450, %broadcast_in_dim3A_453, %broadcast_in_dim3A_454 : vector<16xi1>, vector<16xf32>
        %mul3A_456 = arith.constant 16 : i32
        %mul3A_457 = arith.muli %scan3A_174, %mul3A_456 : i32
        %add3A_458 = arith.constant 11 : i32
        %add3A_459 = arith.addi %mul3A_457, %add3A_458 : i32
        %swap3A_460 = arith.index_cast %add3A_459 : i32 to index
        %swap3A_461 = arith.index_cast %mul3A_446 : i32 to index
        %swap3A_462 = tpu.vector_load %arg17[%swap3A_460, %swap3A_461] {strides = array<i32>} : memref<64x128xf32, #tpu.memory_space<vmem>>, vector<1x16xf32>,
        %swap3A_463 = vector.shape_cast %swap3A_462 : vector<1x16xf32> to vector<16xf32>
        %swap3A_464 = vector.shape_cast %select_n3A_455 : vector<16xf32> to vector<1x16xf32>
        tpu.vector_store %arg17[%swap3A_460, %swap3A_461], %swap3A_464 {strides = array<i32>} : memref<64x128xf32, #tpu.memory_space<vmem>>, vector<1x16xf32>,
        %slice3A_465 = vector.extract_strided_slice %and3A_183 {offsets = [12], sizes = [1], strides = [1]} : vector<16xi32> to vector<1xi32>
        %squeeze3A_466 = vector.extract %slice3A_465[0] : i32 from vector<1xi32>
        %shift_right_logical3A_467 = arith.constant 4 : i32
        %shift_right_logical3A_468 = arith.shrui %squeeze3A_466, %shift_right_logical3A_467 : i32
        %mul3A_469 = arith.constant 16 : i32
        %mul3A_470 = arith.muli %shift_right_logical3A_468, %mul3A_469 : i32
        %and3A_471 = arith.constant 15 : i32
        %and3A_472 = arith.andi %squeeze3A_466, %and3A_471 : i32
        %eq3A_473 = vector.broadcast %and3A_472 : i32 to vector<16xi32>
        %eq3A_474 = arith.cmpi eq, %iota3A, %eq3A_473 : vector<16xi32>
        %jit3A_475 = arith.constant 1.000000e+00 : f32
        %jit3A_476 = arith.constant 0.000000e+00 : f32
        %broadcast_in_dim3A_477 = vector.broadcast %jit3A_475 : f32 to vector<16xf32>
        %broadcast_in_dim3A_478 = vector.broadcast %jit3A_476 : f32 to vector<16xf32>
        %select_n3A_479 = arith.select %eq3A_474, %broadcast_in_dim3A_477, %broadcast_in_dim3A_478 : vector<16xi1>, vector<16xf32>
        %mul3A_480 = arith.constant 16 : i32
        %mul3A_481 = arith.muli %scan3A_174, %mul3A_480 : i32
        %add3A_482 = arith.constant 12 : i32
        %add3A_483 = arith.addi %mul3A_481, %add3A_482 : i32
        %swap3A_484 = arith.index_cast %add3A_483 : i32 to index
        %swap3A_485 = arith.index_cast %mul3A_470 : i32 to index
        %swap3A_486 = tpu.vector_load %arg17[%swap3A_484, %swap3A_485] {strides = array<i32>} : memref<64x128xf32, #tpu.memory_space<vmem>>, vector<1x16xf32>,
        %swap3A_487 = vector.shape_cast %swap3A_486 : vector<1x16xf32> to vector<16xf32>
        %swap3A_488 = vector.shape_cast %select_n3A_479 : vector<16xf32> to vector<1x16xf32>
        tpu.vector_store %arg17[%swap3A_484, %swap3A_485], %swap3A_488 {strides = array<i32>} : memref<64x128xf32, #tpu.memory_space<vmem>>, vector<1x16xf32>,
        %slice3A_489 = vector.extract_strided_slice %and3A_183 {offsets = [13], sizes = [1], strides = [1]} : vector<16xi32> to vector<1xi32>
        %squeeze3A_490 = vector.extract %slice3A_489[0] : i32 from vector<1xi32>
        %shift_right_logical3A_491 = arith.constant 4 : i32
        %shift_right_logical3A_492 = arith.shrui %squeeze3A_490, %shift_right_logical3A_491 : i32
        %mul3A_493 = arith.constant 16 : i32
        %mul3A_494 = arith.muli %shift_right_logical3A_492, %mul3A_493 : i32
        %and3A_495 = arith.constant 15 : i32
        %and3A_496 = arith.andi %squeeze3A_490, %and3A_495 : i32
        %eq3A_497 = vector.broadcast %and3A_496 : i32 to vector<16xi32>
        %eq3A_498 = arith.cmpi eq, %iota3A, %eq3A_497 : vector<16xi32>
        %jit3A_499 = arith.constant 1.000000e+00 : f32
        %jit3A_500 = arith.constant 0.000000e+00 : f32
        %broadcast_in_dim3A_501 = vector.broadcast %jit3A_499 : f32 to vector<16xf32>
        %broadcast_in_dim3A_502 = vector.broadcast %jit3A_500 : f32 to vector<16xf32>
        %select_n3A_503 = arith.select %eq3A_498, %broadcast_in_dim3A_501, %broadcast_in_dim3A_502 : vector<16xi1>, vector<16xf32>
        %mul3A_504 = arith.constant 16 : i32
        %mul3A_505 = arith.muli %scan3A_174, %mul3A_504 : i32
        %add3A_506 = arith.constant 13 : i32
        %add3A_507 = arith.addi %mul3A_505, %add3A_506 : i32
        %swap3A_508 = arith.index_cast %add3A_507 : i32 to index
        %swap3A_509 = arith.index_cast %mul3A_494 : i32 to index
        %swap3A_510 = tpu.vector_load %arg17[%swap3A_508, %swap3A_509] {strides = array<i32>} : memref<64x128xf32, #tpu.memory_space<vmem>>, vector<1x16xf32>,
        %swap3A_511 = vector.shape_cast %swap3A_510 : vector<1x16xf32> to vector<16xf32>
        %swap3A_512 = vector.shape_cast %select_n3A_503 : vector<16xf32> to vector<1x16xf32>
        tpu.vector_store %arg17[%swap3A_508, %swap3A_509], %swap3A_512 {strides = array<i32>} : memref<64x128xf32, #tpu.memory_space<vmem>>, vector<1x16xf32>,
        %slice3A_513 = vector.extract_strided_slice %and3A_183 {offsets = [14], sizes = [1], strides = [1]} : vector<16xi32> to vector<1xi32>
        %squeeze3A_514 = vector.extract %slice3A_513[0] : i32 from vector<1xi32>
        %shift_right_logical3A_515 = arith.constant 4 : i32
        %shift_right_logical3A_516 = arith.shrui %squeeze3A_514, %shift_right_logical3A_515 : i32
        %mul3A_517 = arith.constant 16 : i32
        %mul3A_518 = arith.muli %shift_right_logical3A_516, %mul3A_517 : i32
        %and3A_519 = arith.constant 15 : i32
        %and3A_520 = arith.andi %squeeze3A_514, %and3A_519 : i32
        %eq3A_521 = vector.broadcast %and3A_520 : i32 to vector<16xi32>
        %eq3A_522 = arith.cmpi eq, %iota3A, %eq3A_521 : vector<16xi32>
        %jit3A_523 = arith.constant 1.000000e+00 : f32
        %jit3A_524 = arith.constant 0.000000e+00 : f32
        %broadcast_in_dim3A_525 = vector.broadcast %jit3A_523 : f32 to vector<16xf32>
        %broadcast_in_dim3A_526 = vector.broadcast %jit3A_524 : f32 to vector<16xf32>
        %select_n3A_527 = arith.select %eq3A_522, %broadcast_in_dim3A_525, %broadcast_in_dim3A_526 : vector<16xi1>, vector<16xf32>
        %mul3A_528 = arith.constant 16 : i32
        %mul3A_529 = arith.muli %scan3A_174, %mul3A_528 : i32
        %add3A_530 = arith.constant 14 : i32
        %add3A_531 = arith.addi %mul3A_529, %add3A_530 : i32
        %swap3A_532 = arith.index_cast %add3A_531 : i32 to index
        %swap3A_533 = arith.index_cast %mul3A_518 : i32 to index
        %swap3A_534 = tpu.vector_load %arg17[%swap3A_532, %swap3A_533] {strides = array<i32>} : memref<64x128xf32, #tpu.memory_space<vmem>>, vector<1x16xf32>,
        %swap3A_535 = vector.shape_cast %swap3A_534 : vector<1x16xf32> to vector<16xf32>
        %swap3A_536 = vector.shape_cast %select_n3A_527 : vector<16xf32> to vector<1x16xf32>
        tpu.vector_store %arg17[%swap3A_532, %swap3A_533], %swap3A_536 {strides = array<i32>} : memref<64x128xf32, #tpu.memory_space<vmem>>, vector<1x16xf32>,
        %slice3A_537 = vector.extract_strided_slice %and3A_183 {offsets = [15], sizes = [1], strides = [1]} : vector<16xi32> to vector<1xi32>
        %squeeze3A_538 = vector.extract %slice3A_537[0] : i32 from vector<1xi32>
        %shift_right_logical3A_539 = arith.constant 4 : i32
        %shift_right_logical3A_540 = arith.shrui %squeeze3A_538, %shift_right_logical3A_539 : i32
        %mul3A_541 = arith.constant 16 : i32
        %mul3A_542 = arith.muli %shift_right_logical3A_540, %mul3A_541 : i32
        %and3A_543 = arith.constant 15 : i32
        %and3A_544 = arith.andi %squeeze3A_538, %and3A_543 : i32
        %eq3A_545 = vector.broadcast %and3A_544 : i32 to vector<16xi32>
        %eq3A_546 = arith.cmpi eq, %iota3A, %eq3A_545 : vector<16xi32>
        %jit3A_547 = arith.constant 1.000000e+00 : f32
        %jit3A_548 = arith.constant 0.000000e+00 : f32
        %broadcast_in_dim3A_549 = vector.broadcast %jit3A_547 : f32 to vector<16xf32>
        %broadcast_in_dim3A_550 = vector.broadcast %jit3A_548 : f32 to vector<16xf32>
        %select_n3A_551 = arith.select %eq3A_546, %broadcast_in_dim3A_549, %broadcast_in_dim3A_550 : vector<16xi1>, vector<16xf32>
        %mul3A_552 = arith.constant 16 : i32
        %mul3A_553 = arith.muli %scan3A_174, %mul3A_552 : i32
        %add3A_554 = arith.constant 15 : i32
        %add3A_555 = arith.addi %mul3A_553, %add3A_554 : i32
        %swap3A_556 = arith.index_cast %add3A_555 : i32 to index
        %swap3A_557 = arith.index_cast %mul3A_542 : i32 to index
        %swap3A_558 = tpu.vector_load %arg17[%swap3A_556, %swap3A_557] {strides = array<i32>} : memref<64x128xf32, #tpu.memory_space<vmem>>, vector<1x16xf32>,
        %swap3A_559 = vector.shape_cast %swap3A_558 : vector<1x16xf32> to vector<16xf32>
        %swap3A_560 = vector.shape_cast %select_n3A_551 : vector<16xf32> to vector<1x16xf32>
        tpu.vector_store %arg17[%swap3A_556, %swap3A_557], %swap3A_560 {strides = array<i32>} : memref<64x128xf32, #tpu.memory_space<vmem>>, vector<1x16xf32>,
        %scan3A_561 = arith.constant 0 : i32
        scf.yield %scan3A_561 : i32
      }
      %scan3A_96 = arith.constant 4 : i32
      %dma_wait3A_97 = arith.constant 0 : i32
      %dma_wait3A_98 = arith.constant 0 : i32
      %dma_wait3A_99 = tpu.memref_slice %arg15[%dma_wait3A_97, %dma_wait3A_98] : memref<128x128xf32, #tpu.memory_space<vmem>> -> memref<64x128xf32, #tpu.memory_space<vmem>>
      %dma_wait3A_100 = arith.constant 0 : i32
      %dma_wait3A_101 = arith.constant 0 : i32
      %dma_wait3A_102 = tpu.memref_slice %arg2[%dma_wait3A_100, %dma_wait3A_101] : memref<92160x128xf32, #tpu.memory_space<hbm>> -> memref<92160x128xf32, #tpu.memory_space<hbm>>
      tpu.wait_indirect_dma semaphore(%arg21 : memref<!tpu.dma_semaphore, #tpu.memory_space<semaphore_mem>>) src(%dma_wait3A_102 : memref<92160x128xf32, #tpu.memory_space<hbm>>) dst(%dma_wait3A_99 : memref<64x128xf32, #tpu.memory_space<vmem>>)
      %scan3A_103 = arith.constant 0 : i32
      %scan3A_104 = arith.constant 0 : i32
      %scan3A_105 = arith.constant 64 : i32
      %scan3A_106 = arith.addi %scan3A_104, %scan3A_105 : i32
      %scan3A_107 = arith.constant 1 : i32
      %scan3A_108 = scf.for %scan3A_174 = %scan3A_104 to %scan3A_106 step %scan3A_107 iter_args(%scan3A_175 = %scan3A_103) -> (i32)  : i32 {
        %get3A = arith.index_cast %scan3A_174 : i32 to index
        %get3A_176 = arith.constant 0 : index
        %get3A_177 = tpu.vector_load %arg15[%get3A, %get3A_176] {strides = array<i32>} : memref<128x128xf32, #tpu.memory_space<vmem>>, vector<1x16xf32>,
        %get3A_178 = vector.shape_cast %get3A_177 : vector<1x16xf32> to vector<16xf32>
        %neg3A = arith.constant 0.000000e+00 : f32
        %neg3A_179 = vector.broadcast %neg3A : f32 to vector<16xf32>
        %neg3A_180 = arith.subf %neg3A_179, %get3A_178 : vector<16xf32>
        %exp3A = math.exp %neg3A_180 : vector<16xf32>
        %add3A_181 = arith.constant 1.000000e+00 : f32
        %add3A_182 = vector.broadcast %add3A_181 : f32 to vector<16xf32>
        %add3A_183 = arith.addf %add3A_182, %exp3A : vector<16xf32>
        %div3A = arith.constant 1.000000e+00 : f32
        %div3A_184 = vector.broadcast %div3A : f32 to vector<16xf32>
        %div3A_185 = arith.divf %div3A_184, %add3A_183 : vector<16xf32>
        %add3A_186 = arith.constant 64 : i32
        %add3A_187 = arith.addi %add3A_186, %scan3A_174 : i32
        %get3A_188 = arith.index_cast %add3A_187 : i32 to index
        %get3A_189 = arith.constant 0 : index
        %get3A_190 = tpu.vector_load %arg15[%get3A_188, %get3A_189] {strides = array<i32>} : memref<128x128xf32, #tpu.memory_space<vmem>>, vector<1x16xf32>,
        %get3A_191 = vector.shape_cast %get3A_190 : vector<1x16xf32> to vector<16xf32>
        %mul3A_192 = arith.mulf %get3A_191, %div3A_185 : vector<16xf32>
        %add3A_193 = arith.constant 64 : i32
        %add3A_194 = arith.addi %add3A_193, %scan3A_174 : i32
        %swap3A = arith.index_cast %add3A_194 : i32 to index
        %swap3A_195 = arith.constant 0 : index
        %swap3A_196 = tpu.vector_load %arg15[%swap3A, %swap3A_195] {strides = array<i32>} : memref<128x128xf32, #tpu.memory_space<vmem>>, vector<1x16xf32>,
        %swap3A_197 = vector.shape_cast %swap3A_196 : vector<1x16xf32> to vector<16xf32>
        %swap3A_198 = vector.shape_cast %mul3A_192 : vector<16xf32> to vector<1x16xf32>
        tpu.vector_store %arg15[%swap3A, %swap3A_195], %swap3A_198 {strides = array<i32>} : memref<128x128xf32, #tpu.memory_space<vmem>>, vector<1x16xf32>,
        %get3A_199 = arith.index_cast %scan3A_174 : i32 to index
        %get3A_200 = arith.constant 16 : index
        %get3A_201 = tpu.vector_load %arg15[%get3A_199, %get3A_200] {strides = array<i32>} : memref<128x128xf32, #tpu.memory_space<vmem>>, vector<1x16xf32>,
        %get3A_202 = vector.shape_cast %get3A_201 : vector<1x16xf32> to vector<16xf32>
        %neg3A_203 = arith.constant 0.000000e+00 : f32
        %neg3A_204 = vector.broadcast %neg3A_203 : f32 to vector<16xf32>
        %neg3A_205 = arith.subf %neg3A_204, %get3A_202 : vector<16xf32>
        %exp3A_206 = math.exp %neg3A_205 : vector<16xf32>
        %add3A_207 = arith.constant 1.000000e+00 : f32
        %add3A_208 = vector.broadcast %add3A_207 : f32 to vector<16xf32>
        %add3A_209 = arith.addf %add3A_208, %exp3A_206 : vector<16xf32>
        %div3A_210 = arith.constant 1.000000e+00 : f32
        %div3A_211 = vector.broadcast %div3A_210 : f32 to vector<16xf32>
        %div3A_212 = arith.divf %div3A_211, %add3A_209 : vector<16xf32>
        %add3A_213 = arith.constant 64 : i32
        %add3A_214 = arith.addi %add3A_213, %scan3A_174 : i32
        %get3A_215 = arith.index_cast %add3A_214 : i32 to index
        %get3A_216 = arith.constant 16 : index
        %get3A_217 = tpu.vector_load %arg15[%get3A_215, %get3A_216] {strides = array<i32>} : memref<128x128xf32, #tpu.memory_space<vmem>>, vector<1x16xf32>,
        %get3A_218 = vector.shape_cast %get3A_217 : vector<1x16xf32> to vector<16xf32>
        %mul3A_219 = arith.mulf %get3A_218, %div3A_212 : vector<16xf32>
        %add3A_220 = arith.constant 64 : i32
        %add3A_221 = arith.addi %add3A_220, %scan3A_174 : i32
        %swap3A_222 = arith.index_cast %add3A_221 : i32 to index
        %swap3A_223 = arith.constant 16 : index
        %swap3A_224 = tpu.vector_load %arg15[%swap3A_222, %swap3A_223] {strides = array<i32>} : memref<128x128xf32, #tpu.memory_space<vmem>>, vector<1x16xf32>,
        %swap3A_225 = vector.shape_cast %swap3A_224 : vector<1x16xf32> to vector<16xf32>
        %swap3A_226 = vector.shape_cast %mul3A_219 : vector<16xf32> to vector<1x16xf32>
        tpu.vector_store %arg15[%swap3A_222, %swap3A_223], %swap3A_226 {strides = array<i32>} : memref<128x128xf32, #tpu.memory_space<vmem>>, vector<1x16xf32>,
        %get3A_227 = arith.index_cast %scan3A_174 : i32 to index
        %get3A_228 = arith.constant 32 : index
        %get3A_229 = tpu.vector_load %arg15[%get3A_227, %get3A_228] {strides = array<i32>} : memref<128x128xf32, #tpu.memory_space<vmem>>, vector<1x16xf32>,
        %get3A_230 = vector.shape_cast %get3A_229 : vector<1x16xf32> to vector<16xf32>
        %neg3A_231 = arith.constant 0.000000e+00 : f32
        %neg3A_232 = vector.broadcast %neg3A_231 : f32 to vector<16xf32>
        %neg3A_233 = arith.subf %neg3A_232, %get3A_230 : vector<16xf32>
        %exp3A_234 = math.exp %neg3A_233 : vector<16xf32>
        %add3A_235 = arith.constant 1.000000e+00 : f32
        %add3A_236 = vector.broadcast %add3A_235 : f32 to vector<16xf32>
        %add3A_237 = arith.addf %add3A_236, %exp3A_234 : vector<16xf32>
        %div3A_238 = arith.constant 1.000000e+00 : f32
        %div3A_239 = vector.broadcast %div3A_238 : f32 to vector<16xf32>
        %div3A_240 = arith.divf %div3A_239, %add3A_237 : vector<16xf32>
        %add3A_241 = arith.constant 64 : i32
        %add3A_242 = arith.addi %add3A_241, %scan3A_174 : i32
        %get3A_243 = arith.index_cast %add3A_242 : i32 to index
        %get3A_244 = arith.constant 32 : index
        %get3A_245 = tpu.vector_load %arg15[%get3A_243, %get3A_244] {strides = array<i32>} : memref<128x128xf32, #tpu.memory_space<vmem>>, vector<1x16xf32>,
        %get3A_246 = vector.shape_cast %get3A_245 : vector<1x16xf32> to vector<16xf32>
        %mul3A_247 = arith.mulf %get3A_246, %div3A_240 : vector<16xf32>
        %add3A_248 = arith.constant 64 : i32
        %add3A_249 = arith.addi %add3A_248, %scan3A_174 : i32
        %swap3A_250 = arith.index_cast %add3A_249 : i32 to index
        %swap3A_251 = arith.constant 32 : index
        %swap3A_252 = tpu.vector_load %arg15[%swap3A_250, %swap3A_251] {strides = array<i32>} : memref<128x128xf32, #tpu.memory_space<vmem>>, vector<1x16xf32>,
        %swap3A_253 = vector.shape_cast %swap3A_252 : vector<1x16xf32> to vector<16xf32>
        %swap3A_254 = vector.shape_cast %mul3A_247 : vector<16xf32> to vector<1x16xf32>
        tpu.vector_store %arg15[%swap3A_250, %swap3A_251], %swap3A_254 {strides = array<i32>} : memref<128x128xf32, #tpu.memory_space<vmem>>, vector<1x16xf32>,
        %get3A_255 = arith.index_cast %scan3A_174 : i32 to index
        %get3A_256 = arith.constant 48 : index
        %get3A_257 = tpu.vector_load %arg15[%get3A_255, %get3A_256] {strides = array<i32>} : memref<128x128xf32, #tpu.memory_space<vmem>>, vector<1x16xf32>,
        %get3A_258 = vector.shape_cast %get3A_257 : vector<1x16xf32> to vector<16xf32>
        %neg3A_259 = arith.constant 0.000000e+00 : f32
        %neg3A_260 = vector.broadcast %neg3A_259 : f32 to vector<16xf32>
        %neg3A_261 = arith.subf %neg3A_260, %get3A_258 : vector<16xf32>
        %exp3A_262 = math.exp %neg3A_261 : vector<16xf32>
        %add3A_263 = arith.constant 1.000000e+00 : f32
        %add3A_264 = vector.broadcast %add3A_263 : f32 to vector<16xf32>
        %add3A_265 = arith.addf %add3A_264, %exp3A_262 : vector<16xf32>
        %div3A_266 = arith.constant 1.000000e+00 : f32
        %div3A_267 = vector.broadcast %div3A_266 : f32 to vector<16xf32>
        %div3A_268 = arith.divf %div3A_267, %add3A_265 : vector<16xf32>
        %add3A_269 = arith.constant 64 : i32
        %add3A_270 = arith.addi %add3A_269, %scan3A_174 : i32
        %get3A_271 = arith.index_cast %add3A_270 : i32 to index
        %get3A_272 = arith.constant 48 : index
        %get3A_273 = tpu.vector_load %arg15[%get3A_271, %get3A_272] {strides = array<i32>} : memref<128x128xf32, #tpu.memory_space<vmem>>, vector<1x16xf32>,
        %get3A_274 = vector.shape_cast %get3A_273 : vector<1x16xf32> to vector<16xf32>
        %mul3A_275 = arith.mulf %get3A_274, %div3A_268 : vector<16xf32>
        %add3A_276 = arith.constant 64 : i32
        %add3A_277 = arith.addi %add3A_276, %scan3A_174 : i32
        %swap3A_278 = arith.index_cast %add3A_277 : i32 to index
        %swap3A_279 = arith.constant 48 : index
        %swap3A_280 = tpu.vector_load %arg15[%swap3A_278, %swap3A_279] {strides = array<i32>} : memref<128x128xf32, #tpu.memory_space<vmem>>, vector<1x16xf32>,
        %swap3A_281 = vector.shape_cast %swap3A_280 : vector<1x16xf32> to vector<16xf32>
        %swap3A_282 = vector.shape_cast %mul3A_275 : vector<16xf32> to vector<1x16xf32>
        tpu.vector_store %arg15[%swap3A_278, %swap3A_279], %swap3A_282 {strides = array<i32>} : memref<128x128xf32, #tpu.memory_space<vmem>>, vector<1x16xf32>,
        %get3A_283 = arith.index_cast %scan3A_174 : i32 to index
        %get3A_284 = arith.constant 64 : index
        %get3A_285 = tpu.vector_load %arg15[%get3A_283, %get3A_284] {strides = array<i32>} : memref<128x128xf32, #tpu.memory_space<vmem>>, vector<1x16xf32>,
        %get3A_286 = vector.shape_cast %get3A_285 : vector<1x16xf32> to vector<16xf32>
        %neg3A_287 = arith.constant 0.000000e+00 : f32
        %neg3A_288 = vector.broadcast %neg3A_287 : f32 to vector<16xf32>
        %neg3A_289 = arith.subf %neg3A_288, %get3A_286 : vector<16xf32>
        %exp3A_290 = math.exp %neg3A_289 : vector<16xf32>
        %add3A_291 = arith.constant 1.000000e+00 : f32
        %add3A_292 = vector.broadcast %add3A_291 : f32 to vector<16xf32>
        %add3A_293 = arith.addf %add3A_292, %exp3A_290 : vector<16xf32>
        %div3A_294 = arith.constant 1.000000e+00 : f32
        %div3A_295 = vector.broadcast %div3A_294 : f32 to vector<16xf32>
        %div3A_296 = arith.divf %div3A_295, %add3A_293 : vector<16xf32>
        %add3A_297 = arith.constant 64 : i32
        %add3A_298 = arith.addi %add3A_297, %scan3A_174 : i32
        %get3A_299 = arith.index_cast %add3A_298 : i32 to index
        %get3A_300 = arith.constant 64 : index
        %get3A_301 = tpu.vector_load %arg15[%get3A_299, %get3A_300] {strides = array<i32>} : memref<128x128xf32, #tpu.memory_space<vmem>>, vector<1x16xf32>,
        %get3A_302 = vector.shape_cast %get3A_301 : vector<1x16xf32> to vector<16xf32>
        %mul3A_303 = arith.mulf %get3A_302, %div3A_296 : vector<16xf32>
        %add3A_304 = arith.constant 64 : i32
        %add3A_305 = arith.addi %add3A_304, %scan3A_174 : i32
        %swap3A_306 = arith.index_cast %add3A_305 : i32 to index
        %swap3A_307 = arith.constant 64 : index
        %swap3A_308 = tpu.vector_load %arg15[%swap3A_306, %swap3A_307] {strides = array<i32>} : memref<128x128xf32, #tpu.memory_space<vmem>>, vector<1x16xf32>,
        %swap3A_309 = vector.shape_cast %swap3A_308 : vector<1x16xf32> to vector<16xf32>
        %swap3A_310 = vector.shape_cast %mul3A_303 : vector<16xf32> to vector<1x16xf32>
        tpu.vector_store %arg15[%swap3A_306, %swap3A_307], %swap3A_310 {strides = array<i32>} : memref<128x128xf32, #tpu.memory_space<vmem>>, vector<1x16xf32>,
        %get3A_311 = arith.index_cast %scan3A_174 : i32 to index
        %get3A_312 = arith.constant 80 : index
        %get3A_313 = tpu.vector_load %arg15[%get3A_311, %get3A_312] {strides = array<i32>} : memref<128x128xf32, #tpu.memory_space<vmem>>, vector<1x16xf32>,
        %get3A_314 = vector.shape_cast %get3A_313 : vector<1x16xf32> to vector<16xf32>
        %neg3A_315 = arith.constant 0.000000e+00 : f32
        %neg3A_316 = vector.broadcast %neg3A_315 : f32 to vector<16xf32>
        %neg3A_317 = arith.subf %neg3A_316, %get3A_314 : vector<16xf32>
        %exp3A_318 = math.exp %neg3A_317 : vector<16xf32>
        %add3A_319 = arith.constant 1.000000e+00 : f32
        %add3A_320 = vector.broadcast %add3A_319 : f32 to vector<16xf32>
        %add3A_321 = arith.addf %add3A_320, %exp3A_318 : vector<16xf32>
        %div3A_322 = arith.constant 1.000000e+00 : f32
        %div3A_323 = vector.broadcast %div3A_322 : f32 to vector<16xf32>
        %div3A_324 = arith.divf %div3A_323, %add3A_321 : vector<16xf32>
        %add3A_325 = arith.constant 64 : i32
        %add3A_326 = arith.addi %add3A_325, %scan3A_174 : i32
        %get3A_327 = arith.index_cast %add3A_326 : i32 to index
        %get3A_328 = arith.constant 80 : index
        %get3A_329 = tpu.vector_load %arg15[%get3A_327, %get3A_328] {strides = array<i32>} : memref<128x128xf32, #tpu.memory_space<vmem>>, vector<1x16xf32>,
        %get3A_330 = vector.shape_cast %get3A_329 : vector<1x16xf32> to vector<16xf32>
        %mul3A_331 = arith.mulf %get3A_330, %div3A_324 : vector<16xf32>
        %add3A_332 = arith.constant 64 : i32
        %add3A_333 = arith.addi %add3A_332, %scan3A_174 : i32
        %swap3A_334 = arith.index_cast %add3A_333 : i32 to index
        %swap3A_335 = arith.constant 80 : index
        %swap3A_336 = tpu.vector_load %arg15[%swap3A_334, %swap3A_335] {strides = array<i32>} : memref<128x128xf32, #tpu.memory_space<vmem>>, vector<1x16xf32>,
        %swap3A_337 = vector.shape_cast %swap3A_336 : vector<1x16xf32> to vector<16xf32>
        %swap3A_338 = vector.shape_cast %mul3A_331 : vector<16xf32> to vector<1x16xf32>
        tpu.vector_store %arg15[%swap3A_334, %swap3A_335], %swap3A_338 {strides = array<i32>} : memref<128x128xf32, #tpu.memory_space<vmem>>, vector<1x16xf32>,
        %get3A_339 = arith.index_cast %scan3A_174 : i32 to index
        %get3A_340 = arith.constant 96 : index
        %get3A_341 = tpu.vector_load %arg15[%get3A_339, %get3A_340] {strides = array<i32>} : memref<128x128xf32, #tpu.memory_space<vmem>>, vector<1x16xf32>,
        %get3A_342 = vector.shape_cast %get3A_341 : vector<1x16xf32> to vector<16xf32>
        %neg3A_343 = arith.constant 0.000000e+00 : f32
        %neg3A_344 = vector.broadcast %neg3A_343 : f32 to vector<16xf32>
        %neg3A_345 = arith.subf %neg3A_344, %get3A_342 : vector<16xf32>
        %exp3A_346 = math.exp %neg3A_345 : vector<16xf32>
        %add3A_347 = arith.constant 1.000000e+00 : f32
        %add3A_348 = vector.broadcast %add3A_347 : f32 to vector<16xf32>
        %add3A_349 = arith.addf %add3A_348, %exp3A_346 : vector<16xf32>
        %div3A_350 = arith.constant 1.000000e+00 : f32
        %div3A_351 = vector.broadcast %div3A_350 : f32 to vector<16xf32>
        %div3A_352 = arith.divf %div3A_351, %add3A_349 : vector<16xf32>
        %add3A_353 = arith.constant 64 : i32
        %add3A_354 = arith.addi %add3A_353, %scan3A_174 : i32
        %get3A_355 = arith.index_cast %add3A_354 : i32 to index
        %get3A_356 = arith.constant 96 : index
        %get3A_357 = tpu.vector_load %arg15[%get3A_355, %get3A_356] {strides = array<i32>} : memref<128x128xf32, #tpu.memory_space<vmem>>, vector<1x16xf32>,
        %get3A_358 = vector.shape_cast %get3A_357 : vector<1x16xf32> to vector<16xf32>
        %mul3A_359 = arith.mulf %get3A_358, %div3A_352 : vector<16xf32>
        %add3A_360 = arith.constant 64 : i32
        %add3A_361 = arith.addi %add3A_360, %scan3A_174 : i32
        %swap3A_362 = arith.index_cast %add3A_361 : i32 to index
        %swap3A_363 = arith.constant 96 : index
        %swap3A_364 = tpu.vector_load %arg15[%swap3A_362, %swap3A_363] {strides = array<i32>} : memref<128x128xf32, #tpu.memory_space<vmem>>, vector<1x16xf32>,
        %swap3A_365 = vector.shape_cast %swap3A_364 : vector<1x16xf32> to vector<16xf32>
        %swap3A_366 = vector.shape_cast %mul3A_359 : vector<16xf32> to vector<1x16xf32>
        tpu.vector_store %arg15[%swap3A_362, %swap3A_363], %swap3A_366 {strides = array<i32>} : memref<128x128xf32, #tpu.memory_space<vmem>>, vector<1x16xf32>,
        %get3A_367 = arith.index_cast %scan3A_174 : i32 to index
        %get3A_368 = arith.constant 112 : index
        %get3A_369 = tpu.vector_load %arg15[%get3A_367, %get3A_368] {strides = array<i32>} : memref<128x128xf32, #tpu.memory_space<vmem>>, vector<1x16xf32>,
        %get3A_370 = vector.shape_cast %get3A_369 : vector<1x16xf32> to vector<16xf32>
        %neg3A_371 = arith.constant 0.000000e+00 : f32
        %neg3A_372 = vector.broadcast %neg3A_371 : f32 to vector<16xf32>
        %neg3A_373 = arith.subf %neg3A_372, %get3A_370 : vector<16xf32>
        %exp3A_374 = math.exp %neg3A_373 : vector<16xf32>
        %add3A_375 = arith.constant 1.000000e+00 : f32
        %add3A_376 = vector.broadcast %add3A_375 : f32 to vector<16xf32>
        %add3A_377 = arith.addf %add3A_376, %exp3A_374 : vector<16xf32>
        %div3A_378 = arith.constant 1.000000e+00 : f32
        %div3A_379 = vector.broadcast %div3A_378 : f32 to vector<16xf32>
        %div3A_380 = arith.divf %div3A_379, %add3A_377 : vector<16xf32>
        %add3A_381 = arith.constant 64 : i32
        %add3A_382 = arith.addi %add3A_381, %scan3A_174 : i32
        %get3A_383 = arith.index_cast %add3A_382 : i32 to index
        %get3A_384 = arith.constant 112 : index
        %get3A_385 = tpu.vector_load %arg15[%get3A_383, %get3A_384] {strides = array<i32>} : memref<128x128xf32, #tpu.memory_space<vmem>>, vector<1x16xf32>,
        %get3A_386 = vector.shape_cast %get3A_385 : vector<1x16xf32> to vector<16xf32>
        %mul3A_387 = arith.mulf %get3A_386, %div3A_380 : vector<16xf32>
        %add3A_388 = arith.constant 64 : i32
        %add3A_389 = arith.addi %add3A_388, %scan3A_174 : i32
        %swap3A_390 = arith.index_cast %add3A_389 : i32 to index
        %swap3A_391 = arith.constant 112 : index
        %swap3A_392 = tpu.vector_load %arg15[%swap3A_390, %swap3A_391] {strides = array<i32>} : memref<128x128xf32, #tpu.memory_space<vmem>>, vector<1x16xf32>,
        %swap3A_393 = vector.shape_cast %swap3A_392 : vector<1x16xf32> to vector<16xf32>
        %swap3A_394 = vector.shape_cast %mul3A_387 : vector<16xf32> to vector<1x16xf32>
        tpu.vector_store %arg15[%swap3A_390, %swap3A_391], %swap3A_394 {strides = array<i32>} : memref<128x128xf32, #tpu.memory_space<vmem>>, vector<1x16xf32>,
        %scan3A_395 = arith.constant 0 : i32
        scf.yield %scan3A_395 : i32
      }
      %scan3A_109 = arith.constant 64 : i32
      %dma_start3A_110 = arith.constant 64 : i32
      %dma_start3A_111 = arith.constant 0 : i32
      %dma_start3A_112 = tpu.memref_slice %arg15[%dma_start3A_110, %dma_start3A_111] : memref<128x128xf32, #tpu.memory_space<vmem>> -> memref<64x128xf32, #tpu.memory_space<vmem>>
      %dma_start3A_113 = arith.constant 0 : i32
      %dma_start3A_114 = arith.constant 0 : i32
      %dma_start3A_115 = tpu.memref_slice %arg19[%dma_start3A_113, %dma_start3A_114] : memref<10368x128xf32, #tpu.memory_space<vmem_shared>> -> memref<10368x128xf32, #tpu.memory_space<vmem_shared>>
      tpu.enqueue_indirect_dma source(%dma_start3A_112 : memref<64x128xf32, #tpu.memory_space<vmem>>) target(%dma_start3A_115 : memref<10368x128xf32, #tpu.memory_space<vmem_shared>>) offsets(%arg11 : memref<64xi32, #tpu.memory_space<vmem>>) semaphore(%arg22 : memref<!tpu.dma_semaphore, #tpu.memory_space<semaphore_mem>>) {add = true}
      %dma_start3A_116 = arith.constant 0 : i32
      %dma_start3A_117 = arith.constant 0 : i32
      %dma_start3A_118 = tpu.memref_slice %arg19[%dma_start3A_116, %dma_start3A_117] : memref<10368x128xf32, #tpu.memory_space<vmem_shared>> -> memref<10368x128xf32, #tpu.memory_space<vmem_shared>>
      tpu.enqueue_indirect_dma source(%arg17 : memref<64x128xf32, #tpu.memory_space<vmem>>) target(%dma_start3A_118 : memref<10368x128xf32, #tpu.memory_space<vmem_shared>>) offsets(%arg13 : memref<64xi32, #tpu.memory_space<vmem>>) semaphore(%arg23 : memref<!tpu.dma_semaphore, #tpu.memory_space<semaphore_mem>>) {add = true}
      %mul3A_119 = arith.constant 2 : i32
      %mul3A_120 = arith.muli %scan3A_66, %mul3A_119 : i32
      %add3A_121 = arith.constant 1 : i32
      %add3A_122 = arith.addi %mul3A_120, %add3A_121 : i32
      %dma_wait3A_123 = arith.constant 0 : i32
      %dma_wait3A_124 = arith.constant 0 : i32
      %dma_wait3A_125 = tpu.memref_slice %arg2[%dma_wait3A_123, %dma_wait3A_124] : memref<92160x128xf32, #tpu.memory_space<hbm>> -> memref<92160x128xf32, #tpu.memory_space<hbm>>
      tpu.wait_indirect_dma semaphore(%arg20 : memref<!tpu.dma_semaphore, #tpu.memory_space<semaphore_mem>>) src(%dma_wait3A_125 : memref<92160x128xf32, #tpu.memory_space<hbm>>) dst(%arg16 : memref<128x128xf32, #tpu.memory_space<vmem>>)
      %dma_start3A_126 = arith.constant 0 : i32
      %dma_start3A_127 = arith.constant 0 : i32
      %dma_start3A_128 = tpu.memref_slice %arg16[%dma_start3A_126, %dma_start3A_127] : memref<128x128xf32, #tpu.memory_space<vmem>> -> memref<64x128xf32, #tpu.memory_space<vmem>>
      %dma_start3A_129 = arith.constant 0 : i32
      %dma_start3A_130 = arith.constant 0 : i32
      %dma_start3A_131 = tpu.memref_slice %arg2[%dma_start3A_129, %dma_start3A_130] : memref<92160x128xf32, #tpu.memory_space<hbm>> -> memref<92160x128xf32, #tpu.memory_space<hbm>>
      tpu.enqueue_indirect_dma source(%dma_start3A_131 : memref<92160x128xf32, #tpu.memory_space<hbm>>) target(%dma_start3A_128 : memref<64x128xf32, #tpu.memory_space<vmem>>) offsets(%arg10 : memref<64xi32, #tpu.memory_space<vmem>>) semaphore(%arg21 : memref<!tpu.dma_semaphore, #tpu.memory_space<semaphore_mem>>) {add = true}
      %gt3A_132 = arith.constant 0 : i32
      %gt3A_133 = arith.cmpi sgt, %add3A_122, %gt3A_132 : i32
      %convert_element_type3A_134 = arith.extui %gt3A_133 : i1 to i32
      %cond3A_135 = arith.constant 0 : i32
      %cond3A_136 = arith.cmpi ne, %convert_element_type3A_134, %cond3A_135 : i32
      scf.if %cond3A_136 {
        %dma_wait3A_174 = arith.constant 0 : i32
        %dma_wait3A_175 = arith.constant 0 : i32
        %dma_wait3A_176 = tpu.memref_slice %arg19[%dma_wait3A_174, %dma_wait3A_175] : memref<10368x128xf32, #tpu.memory_space<vmem_shared>> -> memref<10368x128xf32, #tpu.memory_space<vmem_shared>>
        tpu.wait_indirect_dma semaphore(%arg23 : memref<!tpu.dma_semaphore, #tpu.memory_space<semaphore_mem>>) src(%arg17 : memref<64x128xf32, #tpu.memory_space<vmem>>) dst(%dma_wait3A_176 : memref<10368x128xf32, #tpu.memory_space<vmem_shared>>)
        %scan3A_177 = arith.constant 0 : i32
        %scan3A_178 = arith.constant 0 : i32
        %scan3A_179 = arith.constant 4 : i32
        %scan3A_180 = arith.addi %scan3A_178, %scan3A_179 : i32
        %scan3A_181 = arith.constant 1 : i32
        %scan3A_182 = scf.for %scan3A_184 = %scan3A_178 to %scan3A_180 step %scan3A_181 iter_args(%scan3A_185 = %scan3A_177) -> (i32)  : i32 {
          %mul3A_186 = arith.constant 16 : i32
          %mul3A_187 = arith.muli %scan3A_184, %mul3A_186 : i32
          %add3A_188 = arith.constant 64 : i32
          %add3A_189 = arith.addi %add3A_188, %mul3A_187 : i32
          %get3A = arith.index_cast %add3A_189 : i32 to index
          %get3A_190 = tpu.vector_load %arg5[%get3A] {strides = array<i32>} : memref<192xi32, #tpu.memory_space<vmem>>, vector<16xi32>,
          %get3A_191 = vector.shape_cast %get3A_190 : vector<16xi32> to vector<16xi32>
          %and3A = arith.constant 127 : i32
          %and3A_192 = vector.broadcast %and3A : i32 to vector<16xi32>
          %and3A_193 = arith.andi %get3A_191, %and3A_192 : vector<16xi32>
          %slice3A = vector.extract_strided_slice %and3A_193 {offsets = [0], sizes = [1], strides = [1]} : vector<16xi32> to vector<1xi32>
          %squeeze3A = vector.extract %slice3A[0] : i32 from vector<1xi32>
          %shift_right_logical3A = arith.constant 4 : i32
          %shift_right_logical3A_194 = arith.shrui %squeeze3A, %shift_right_logical3A : i32
          %mul3A_195 = arith.constant 16 : i32
          %mul3A_196 = arith.muli %shift_right_logical3A_194, %mul3A_195 : i32
          %mul3A_197 = arith.constant 16 : i32
          %mul3A_198 = arith.muli %scan3A_184, %mul3A_197 : i32
          %add3A_199 = arith.constant 0 : i32
          %add3A_200 = arith.addi %mul3A_198, %add3A_199 : i32
          %swap3A = arith.index_cast %add3A_200 : i32 to index
          %swap3A_201 = arith.index_cast %mul3A_196 : i32 to index
          %swap3A_202 = tpu.vector_load %arg17[%swap3A, %swap3A_201] {strides = array<i32>} : memref<64x128xf32, #tpu.memory_space<vmem>>, vector<1x16xf32>,
          %swap3A_203 = vector.shape_cast %swap3A_202 : vector<1x16xf32> to vector<16xf32>
          %swap3A_204 = vector.shape_cast %broadcast_in_dim3A_1 : vector<16xf32> to vector<1x16xf32>
          tpu.vector_store %arg17[%swap3A, %swap3A_201], %swap3A_204 {strides = array<i32>} : memref<64x128xf32, #tpu.memory_space<vmem>>, vector<1x16xf32>,
          %slice3A_205 = vector.extract_strided_slice %and3A_193 {offsets = [1], sizes = [1], strides = [1]} : vector<16xi32> to vector<1xi32>
          %squeeze3A_206 = vector.extract %slice3A_205[0] : i32 from vector<1xi32>
          %shift_right_logical3A_207 = arith.constant 4 : i32
          %shift_right_logical3A_208 = arith.shrui %squeeze3A_206, %shift_right_logical3A_207 : i32
          %mul3A_209 = arith.constant 16 : i32
          %mul3A_210 = arith.muli %shift_right_logical3A_208, %mul3A_209 : i32
          %mul3A_211 = arith.constant 16 : i32
          %mul3A_212 = arith.muli %scan3A_184, %mul3A_211 : i32
          %add3A_213 = arith.constant 1 : i32
          %add3A_214 = arith.addi %mul3A_212, %add3A_213 : i32
          %swap3A_215 = arith.index_cast %add3A_214 : i32 to index
          %swap3A_216 = arith.index_cast %mul3A_210 : i32 to index
          %swap3A_217 = tpu.vector_load %arg17[%swap3A_215, %swap3A_216] {strides = array<i32>} : memref<64x128xf32, #tpu.memory_space<vmem>>, vector<1x16xf32>,
          %swap3A_218 = vector.shape_cast %swap3A_217 : vector<1x16xf32> to vector<16xf32>
          %swap3A_219 = vector.shape_cast %broadcast_in_dim3A_1 : vector<16xf32> to vector<1x16xf32>
          tpu.vector_store %arg17[%swap3A_215, %swap3A_216], %swap3A_219 {strides = array<i32>} : memref<64x128xf32, #tpu.memory_space<vmem>>, vector<1x16xf32>,
          %slice3A_220 = vector.extract_strided_slice %and3A_193 {offsets = [2], sizes = [1], strides = [1]} : vector<16xi32> to vector<1xi32>
          %squeeze3A_221 = vector.extract %slice3A_220[0] : i32 from vector<1xi32>
          %shift_right_logical3A_222 = arith.constant 4 : i32
          %shift_right_logical3A_223 = arith.shrui %squeeze3A_221, %shift_right_logical3A_222 : i32
          %mul3A_224 = arith.constant 16 : i32
          %mul3A_225 = arith.muli %shift_right_logical3A_223, %mul3A_224 : i32
          %mul3A_226 = arith.constant 16 : i32
          %mul3A_227 = arith.muli %scan3A_184, %mul3A_226 : i32
          %add3A_228 = arith.constant 2 : i32
          %add3A_229 = arith.addi %mul3A_227, %add3A_228 : i32
          %swap3A_230 = arith.index_cast %add3A_229 : i32 to index
          %swap3A_231 = arith.index_cast %mul3A_225 : i32 to index
          %swap3A_232 = tpu.vector_load %arg17[%swap3A_230, %swap3A_231] {strides = array<i32>} : memref<64x128xf32, #tpu.memory_space<vmem>>, vector<1x16xf32>,
          %swap3A_233 = vector.shape_cast %swap3A_232 : vector<1x16xf32> to vector<16xf32>
          %swap3A_234 = vector.shape_cast %broadcast_in_dim3A_1 : vector<16xf32> to vector<1x16xf32>
          tpu.vector_store %arg17[%swap3A_230, %swap3A_231], %swap3A_234 {strides = array<i32>} : memref<64x128xf32, #tpu.memory_space<vmem>>, vector<1x16xf32>,
          %slice3A_235 = vector.extract_strided_slice %and3A_193 {offsets = [3], sizes = [1], strides = [1]} : vector<16xi32> to vector<1xi32>
          %squeeze3A_236 = vector.extract %slice3A_235[0] : i32 from vector<1xi32>
          %shift_right_logical3A_237 = arith.constant 4 : i32
          %shift_right_logical3A_238 = arith.shrui %squeeze3A_236, %shift_right_logical3A_237 : i32
          %mul3A_239 = arith.constant 16 : i32
          %mul3A_240 = arith.muli %shift_right_logical3A_238, %mul3A_239 : i32
          %mul3A_241 = arith.constant 16 : i32
          %mul3A_242 = arith.muli %scan3A_184, %mul3A_241 : i32
          %add3A_243 = arith.constant 3 : i32
          %add3A_244 = arith.addi %mul3A_242, %add3A_243 : i32
          %swap3A_245 = arith.index_cast %add3A_244 : i32 to index
          %swap3A_246 = arith.index_cast %mul3A_240 : i32 to index
          %swap3A_247 = tpu.vector_load %arg17[%swap3A_245, %swap3A_246] {strides = array<i32>} : memref<64x128xf32, #tpu.memory_space<vmem>>, vector<1x16xf32>,
          %swap3A_248 = vector.shape_cast %swap3A_247 : vector<1x16xf32> to vector<16xf32>
          %swap3A_249 = vector.shape_cast %broadcast_in_dim3A_1 : vector<16xf32> to vector<1x16xf32>
          tpu.vector_store %arg17[%swap3A_245, %swap3A_246], %swap3A_249 {strides = array<i32>} : memref<64x128xf32, #tpu.memory_space<vmem>>, vector<1x16xf32>,
          %slice3A_250 = vector.extract_strided_slice %and3A_193 {offsets = [4], sizes = [1], strides = [1]} : vector<16xi32> to vector<1xi32>
          %squeeze3A_251 = vector.extract %slice3A_250[0] : i32 from vector<1xi32>
          %shift_right_logical3A_252 = arith.constant 4 : i32
          %shift_right_logical3A_253 = arith.shrui %squeeze3A_251, %shift_right_logical3A_252 : i32
          %mul3A_254 = arith.constant 16 : i32
          %mul3A_255 = arith.muli %shift_right_logical3A_253, %mul3A_254 : i32
          %mul3A_256 = arith.constant 16 : i32
          %mul3A_257 = arith.muli %scan3A_184, %mul3A_256 : i32
          %add3A_258 = arith.constant 4 : i32
          %add3A_259 = arith.addi %mul3A_257, %add3A_258 : i32
          %swap3A_260 = arith.index_cast %add3A_259 : i32 to index
          %swap3A_261 = arith.index_cast %mul3A_255 : i32 to index
          %swap3A_262 = tpu.vector_load %arg17[%swap3A_260, %swap3A_261] {strides = array<i32>} : memref<64x128xf32, #tpu.memory_space<vmem>>, vector<1x16xf32>,
          %swap3A_263 = vector.shape_cast %swap3A_262 : vector<1x16xf32> to vector<16xf32>
          %swap3A_264 = vector.shape_cast %broadcast_in_dim3A_1 : vector<16xf32> to vector<1x16xf32>
          tpu.vector_store %arg17[%swap3A_260, %swap3A_261], %swap3A_264 {strides = array<i32>} : memref<64x128xf32, #tpu.memory_space<vmem>>, vector<1x16xf32>,
          %slice3A_265 = vector.extract_strided_slice %and3A_193 {offsets = [5], sizes = [1], strides = [1]} : vector<16xi32> to vector<1xi32>
          %squeeze3A_266 = vector.extract %slice3A_265[0] : i32 from vector<1xi32>
          %shift_right_logical3A_267 = arith.constant 4 : i32
          %shift_right_logical3A_268 = arith.shrui %squeeze3A_266, %shift_right_logical3A_267 : i32
          %mul3A_269 = arith.constant 16 : i32
          %mul3A_270 = arith.muli %shift_right_logical3A_268, %mul3A_269 : i32
          %mul3A_271 = arith.constant 16 : i32
          %mul3A_272 = arith.muli %scan3A_184, %mul3A_271 : i32
          %add3A_273 = arith.constant 5 : i32
          %add3A_274 = arith.addi %mul3A_272, %add3A_273 : i32
          %swap3A_275 = arith.index_cast %add3A_274 : i32 to index
          %swap3A_276 = arith.index_cast %mul3A_270 : i32 to index
          %swap3A_277 = tpu.vector_load %arg17[%swap3A_275, %swap3A_276] {strides = array<i32>} : memref<64x128xf32, #tpu.memory_space<vmem>>, vector<1x16xf32>,
          %swap3A_278 = vector.shape_cast %swap3A_277 : vector<1x16xf32> to vector<16xf32>
          %swap3A_279 = vector.shape_cast %broadcast_in_dim3A_1 : vector<16xf32> to vector<1x16xf32>
          tpu.vector_store %arg17[%swap3A_275, %swap3A_276], %swap3A_279 {strides = array<i32>} : memref<64x128xf32, #tpu.memory_space<vmem>>, vector<1x16xf32>,
          %slice3A_280 = vector.extract_strided_slice %and3A_193 {offsets = [6], sizes = [1], strides = [1]} : vector<16xi32> to vector<1xi32>
          %squeeze3A_281 = vector.extract %slice3A_280[0] : i32 from vector<1xi32>
          %shift_right_logical3A_282 = arith.constant 4 : i32
          %shift_right_logical3A_283 = arith.shrui %squeeze3A_281, %shift_right_logical3A_282 : i32
          %mul3A_284 = arith.constant 16 : i32
          %mul3A_285 = arith.muli %shift_right_logical3A_283, %mul3A_284 : i32
          %mul3A_286 = arith.constant 16 : i32
          %mul3A_287 = arith.muli %scan3A_184, %mul3A_286 : i32
          %add3A_288 = arith.constant 6 : i32
          %add3A_289 = arith.addi %mul3A_287, %add3A_288 : i32
          %swap3A_290 = arith.index_cast %add3A_289 : i32 to index
          %swap3A_291 = arith.index_cast %mul3A_285 : i32 to index
          %swap3A_292 = tpu.vector_load %arg17[%swap3A_290, %swap3A_291] {strides = array<i32>} : memref<64x128xf32, #tpu.memory_space<vmem>>, vector<1x16xf32>,
          %swap3A_293 = vector.shape_cast %swap3A_292 : vector<1x16xf32> to vector<16xf32>
          %swap3A_294 = vector.shape_cast %broadcast_in_dim3A_1 : vector<16xf32> to vector<1x16xf32>
          tpu.vector_store %arg17[%swap3A_290, %swap3A_291], %swap3A_294 {strides = array<i32>} : memref<64x128xf32, #tpu.memory_space<vmem>>, vector<1x16xf32>,
          %slice3A_295 = vector.extract_strided_slice %and3A_193 {offsets = [7], sizes = [1], strides = [1]} : vector<16xi32> to vector<1xi32>
          %squeeze3A_296 = vector.extract %slice3A_295[0] : i32 from vector<1xi32>
          %shift_right_logical3A_297 = arith.constant 4 : i32
          %shift_right_logical3A_298 = arith.shrui %squeeze3A_296, %shift_right_logical3A_297 : i32
          %mul3A_299 = arith.constant 16 : i32
          %mul3A_300 = arith.muli %shift_right_logical3A_298, %mul3A_299 : i32
          %mul3A_301 = arith.constant 16 : i32
          %mul3A_302 = arith.muli %scan3A_184, %mul3A_301 : i32
          %add3A_303 = arith.constant 7 : i32
          %add3A_304 = arith.addi %mul3A_302, %add3A_303 : i32
          %swap3A_305 = arith.index_cast %add3A_304 : i32 to index
          %swap3A_306 = arith.index_cast %mul3A_300 : i32 to index
          %swap3A_307 = tpu.vector_load %arg17[%swap3A_305, %swap3A_306] {strides = array<i32>} : memref<64x128xf32, #tpu.memory_space<vmem>>, vector<1x16xf32>,
          %swap3A_308 = vector.shape_cast %swap3A_307 : vector<1x16xf32> to vector<16xf32>
          %swap3A_309 = vector.shape_cast %broadcast_in_dim3A_1 : vector<16xf32> to vector<1x16xf32>
          tpu.vector_store %arg17[%swap3A_305, %swap3A_306], %swap3A_309 {strides = array<i32>} : memref<64x128xf32, #tpu.memory_space<vmem>>, vector<1x16xf32>,
          %slice3A_310 = vector.extract_strided_slice %and3A_193 {offsets = [8], sizes = [1], strides = [1]} : vector<16xi32> to vector<1xi32>
          %squeeze3A_311 = vector.extract %slice3A_310[0] : i32 from vector<1xi32>
          %shift_right_logical3A_312 = arith.constant 4 : i32
          %shift_right_logical3A_313 = arith.shrui %squeeze3A_311, %shift_right_logical3A_312 : i32
          %mul3A_314 = arith.constant 16 : i32
          %mul3A_315 = arith.muli %shift_right_logical3A_313, %mul3A_314 : i32
          %mul3A_316 = arith.constant 16 : i32
          %mul3A_317 = arith.muli %scan3A_184, %mul3A_316 : i32
          %add3A_318 = arith.constant 8 : i32
          %add3A_319 = arith.addi %mul3A_317, %add3A_318 : i32
          %swap3A_320 = arith.index_cast %add3A_319 : i32 to index
          %swap3A_321 = arith.index_cast %mul3A_315 : i32 to index
          %swap3A_322 = tpu.vector_load %arg17[%swap3A_320, %swap3A_321] {strides = array<i32>} : memref<64x128xf32, #tpu.memory_space<vmem>>, vector<1x16xf32>,
          %swap3A_323 = vector.shape_cast %swap3A_322 : vector<1x16xf32> to vector<16xf32>
          %swap3A_324 = vector.shape_cast %broadcast_in_dim3A_1 : vector<16xf32> to vector<1x16xf32>
          tpu.vector_store %arg17[%swap3A_320, %swap3A_321], %swap3A_324 {strides = array<i32>} : memref<64x128xf32, #tpu.memory_space<vmem>>, vector<1x16xf32>,
          %slice3A_325 = vector.extract_strided_slice %and3A_193 {offsets = [9], sizes = [1], strides = [1]} : vector<16xi32> to vector<1xi32>
          %squeeze3A_326 = vector.extract %slice3A_325[0] : i32 from vector<1xi32>
          %shift_right_logical3A_327 = arith.constant 4 : i32
          %shift_right_logical3A_328 = arith.shrui %squeeze3A_326, %shift_right_logical3A_327 : i32
          %mul3A_329 = arith.constant 16 : i32
          %mul3A_330 = arith.muli %shift_right_logical3A_328, %mul3A_329 : i32
          %mul3A_331 = arith.constant 16 : i32
          %mul3A_332 = arith.muli %scan3A_184, %mul3A_331 : i32
          %add3A_333 = arith.constant 9 : i32
          %add3A_334 = arith.addi %mul3A_332, %add3A_333 : i32
          %swap3A_335 = arith.index_cast %add3A_334 : i32 to index
          %swap3A_336 = arith.index_cast %mul3A_330 : i32 to index
          %swap3A_337 = tpu.vector_load %arg17[%swap3A_335, %swap3A_336] {strides = array<i32>} : memref<64x128xf32, #tpu.memory_space<vmem>>, vector<1x16xf32>,
          %swap3A_338 = vector.shape_cast %swap3A_337 : vector<1x16xf32> to vector<16xf32>
          %swap3A_339 = vector.shape_cast %broadcast_in_dim3A_1 : vector<16xf32> to vector<1x16xf32>
          tpu.vector_store %arg17[%swap3A_335, %swap3A_336], %swap3A_339 {strides = array<i32>} : memref<64x128xf32, #tpu.memory_space<vmem>>, vector<1x16xf32>,
          %slice3A_340 = vector.extract_strided_slice %and3A_193 {offsets = [10], sizes = [1], strides = [1]} : vector<16xi32> to vector<1xi32>
          %squeeze3A_341 = vector.extract %slice3A_340[0] : i32 from vector<1xi32>
          %shift_right_logical3A_342 = arith.constant 4 : i32
          %shift_right_logical3A_343 = arith.shrui %squeeze3A_341, %shift_right_logical3A_342 : i32
          %mul3A_344 = arith.constant 16 : i32
          %mul3A_345 = arith.muli %shift_right_logical3A_343, %mul3A_344 : i32
          %mul3A_346 = arith.constant 16 : i32
          %mul3A_347 = arith.muli %scan3A_184, %mul3A_346 : i32
          %add3A_348 = arith.constant 10 : i32
          %add3A_349 = arith.addi %mul3A_347, %add3A_348 : i32
          %swap3A_350 = arith.index_cast %add3A_349 : i32 to index
          %swap3A_351 = arith.index_cast %mul3A_345 : i32 to index
          %swap3A_352 = tpu.vector_load %arg17[%swap3A_350, %swap3A_351] {strides = array<i32>} : memref<64x128xf32, #tpu.memory_space<vmem>>, vector<1x16xf32>,
          %swap3A_353 = vector.shape_cast %swap3A_352 : vector<1x16xf32> to vector<16xf32>
          %swap3A_354 = vector.shape_cast %broadcast_in_dim3A_1 : vector<16xf32> to vector<1x16xf32>
          tpu.vector_store %arg17[%swap3A_350, %swap3A_351], %swap3A_354 {strides = array<i32>} : memref<64x128xf32, #tpu.memory_space<vmem>>, vector<1x16xf32>,
          %slice3A_355 = vector.extract_strided_slice %and3A_193 {offsets = [11], sizes = [1], strides = [1]} : vector<16xi32> to vector<1xi32>
          %squeeze3A_356 = vector.extract %slice3A_355[0] : i32 from vector<1xi32>
          %shift_right_logical3A_357 = arith.constant 4 : i32
          %shift_right_logical3A_358 = arith.shrui %squeeze3A_356, %shift_right_logical3A_357 : i32
          %mul3A_359 = arith.constant 16 : i32
          %mul3A_360 = arith.muli %shift_right_logical3A_358, %mul3A_359 : i32
          %mul3A_361 = arith.constant 16 : i32
          %mul3A_362 = arith.muli %scan3A_184, %mul3A_361 : i32
          %add3A_363 = arith.constant 11 : i32
          %add3A_364 = arith.addi %mul3A_362, %add3A_363 : i32
          %swap3A_365 = arith.index_cast %add3A_364 : i32 to index
          %swap3A_366 = arith.index_cast %mul3A_360 : i32 to index
          %swap3A_367 = tpu.vector_load %arg17[%swap3A_365, %swap3A_366] {strides = array<i32>} : memref<64x128xf32, #tpu.memory_space<vmem>>, vector<1x16xf32>,
          %swap3A_368 = vector.shape_cast %swap3A_367 : vector<1x16xf32> to vector<16xf32>
          %swap3A_369 = vector.shape_cast %broadcast_in_dim3A_1 : vector<16xf32> to vector<1x16xf32>
          tpu.vector_store %arg17[%swap3A_365, %swap3A_366], %swap3A_369 {strides = array<i32>} : memref<64x128xf32, #tpu.memory_space<vmem>>, vector<1x16xf32>,
          %slice3A_370 = vector.extract_strided_slice %and3A_193 {offsets = [12], sizes = [1], strides = [1]} : vector<16xi32> to vector<1xi32>
          %squeeze3A_371 = vector.extract %slice3A_370[0] : i32 from vector<1xi32>
          %shift_right_logical3A_372 = arith.constant 4 : i32
          %shift_right_logical3A_373 = arith.shrui %squeeze3A_371, %shift_right_logical3A_372 : i32
          %mul3A_374 = arith.constant 16 : i32
          %mul3A_375 = arith.muli %shift_right_logical3A_373, %mul3A_374 : i32
          %mul3A_376 = arith.constant 16 : i32
          %mul3A_377 = arith.muli %scan3A_184, %mul3A_376 : i32
          %add3A_378 = arith.constant 12 : i32
          %add3A_379 = arith.addi %mul3A_377, %add3A_378 : i32
          %swap3A_380 = arith.index_cast %add3A_379 : i32 to index
          %swap3A_381 = arith.index_cast %mul3A_375 : i32 to index
          %swap3A_382 = tpu.vector_load %arg17[%swap3A_380, %swap3A_381] {strides = array<i32>} : memref<64x128xf32, #tpu.memory_space<vmem>>, vector<1x16xf32>,
          %swap3A_383 = vector.shape_cast %swap3A_382 : vector<1x16xf32> to vector<16xf32>
          %swap3A_384 = vector.shape_cast %broadcast_in_dim3A_1 : vector<16xf32> to vector<1x16xf32>
          tpu.vector_store %arg17[%swap3A_380, %swap3A_381], %swap3A_384 {strides = array<i32>} : memref<64x128xf32, #tpu.memory_space<vmem>>, vector<1x16xf32>,
          %slice3A_385 = vector.extract_strided_slice %and3A_193 {offsets = [13], sizes = [1], strides = [1]} : vector<16xi32> to vector<1xi32>
          %squeeze3A_386 = vector.extract %slice3A_385[0] : i32 from vector<1xi32>
          %shift_right_logical3A_387 = arith.constant 4 : i32
          %shift_right_logical3A_388 = arith.shrui %squeeze3A_386, %shift_right_logical3A_387 : i32
          %mul3A_389 = arith.constant 16 : i32
          %mul3A_390 = arith.muli %shift_right_logical3A_388, %mul3A_389 : i32
          %mul3A_391 = arith.constant 16 : i32
          %mul3A_392 = arith.muli %scan3A_184, %mul3A_391 : i32
          %add3A_393 = arith.constant 13 : i32
          %add3A_394 = arith.addi %mul3A_392, %add3A_393 : i32
          %swap3A_395 = arith.index_cast %add3A_394 : i32 to index
          %swap3A_396 = arith.index_cast %mul3A_390 : i32 to index
          %swap3A_397 = tpu.vector_load %arg17[%swap3A_395, %swap3A_396] {strides = array<i32>} : memref<64x128xf32, #tpu.memory_space<vmem>>, vector<1x16xf32>,
          %swap3A_398 = vector.shape_cast %swap3A_397 : vector<1x16xf32> to vector<16xf32>
          %swap3A_399 = vector.shape_cast %broadcast_in_dim3A_1 : vector<16xf32> to vector<1x16xf32>
          tpu.vector_store %arg17[%swap3A_395, %swap3A_396], %swap3A_399 {strides = array<i32>} : memref<64x128xf32, #tpu.memory_space<vmem>>, vector<1x16xf32>,
          %slice3A_400 = vector.extract_strided_slice %and3A_193 {offsets = [14], sizes = [1], strides = [1]} : vector<16xi32> to vector<1xi32>
          %squeeze3A_401 = vector.extract %slice3A_400[0] : i32 from vector<1xi32>
          %shift_right_logical3A_402 = arith.constant 4 : i32
          %shift_right_logical3A_403 = arith.shrui %squeeze3A_401, %shift_right_logical3A_402 : i32
          %mul3A_404 = arith.constant 16 : i32
          %mul3A_405 = arith.muli %shift_right_logical3A_403, %mul3A_404 : i32
          %mul3A_406 = arith.constant 16 : i32
          %mul3A_407 = arith.muli %scan3A_184, %mul3A_406 : i32
          %add3A_408 = arith.constant 14 : i32
          %add3A_409 = arith.addi %mul3A_407, %add3A_408 : i32
          %swap3A_410 = arith.index_cast %add3A_409 : i32 to index
          %swap3A_411 = arith.index_cast %mul3A_405 : i32 to index
          %swap3A_412 = tpu.vector_load %arg17[%swap3A_410, %swap3A_411] {strides = array<i32>} : memref<64x128xf32, #tpu.memory_space<vmem>>, vector<1x16xf32>,
          %swap3A_413 = vector.shape_cast %swap3A_412 : vector<1x16xf32> to vector<16xf32>
          %swap3A_414 = vector.shape_cast %broadcast_in_dim3A_1 : vector<16xf32> to vector<1x16xf32>
          tpu.vector_store %arg17[%swap3A_410, %swap3A_411], %swap3A_414 {strides = array<i32>} : memref<64x128xf32, #tpu.memory_space<vmem>>, vector<1x16xf32>,
          %slice3A_415 = vector.extract_strided_slice %and3A_193 {offsets = [15], sizes = [1], strides = [1]} : vector<16xi32> to vector<1xi32>
          %squeeze3A_416 = vector.extract %slice3A_415[0] : i32 from vector<1xi32>
          %shift_right_logical3A_417 = arith.constant 4 : i32
          %shift_right_logical3A_418 = arith.shrui %squeeze3A_416, %shift_right_logical3A_417 : i32
          %mul3A_419 = arith.constant 16 : i32
          %mul3A_420 = arith.muli %shift_right_logical3A_418, %mul3A_419 : i32
          %mul3A_421 = arith.constant 16 : i32
          %mul3A_422 = arith.muli %scan3A_184, %mul3A_421 : i32
          %add3A_423 = arith.constant 15 : i32
          %add3A_424 = arith.addi %mul3A_422, %add3A_423 : i32
          %swap3A_425 = arith.index_cast %add3A_424 : i32 to index
          %swap3A_426 = arith.index_cast %mul3A_420 : i32 to index
          %swap3A_427 = tpu.vector_load %arg17[%swap3A_425, %swap3A_426] {strides = array<i32>} : memref<64x128xf32, #tpu.memory_space<vmem>>, vector<1x16xf32>,
          %swap3A_428 = vector.shape_cast %swap3A_427 : vector<1x16xf32> to vector<16xf32>
          %swap3A_429 = vector.shape_cast %broadcast_in_dim3A_1 : vector<16xf32> to vector<1x16xf32>
          tpu.vector_store %arg17[%swap3A_425, %swap3A_426], %swap3A_429 {strides = array<i32>} : memref<64x128xf32, #tpu.memory_space<vmem>>, vector<1x16xf32>,
          %scan3A_430 = arith.constant 0 : i32
          scf.yield %scan3A_430 : i32
        }
        %scan3A_183 = arith.constant 4 : i32
      } else {
      }
      %add3A_137 = arith.constant 1 : i32
      %add3A_138 = arith.addi %add3A_122, %add3A_137 : i32
      %lt3A_139 = arith.constant 80 : i32
      %lt3A_140 = arith.cmpi slt, %add3A_138, %lt3A_139 : i32
      %convert_element_type3A_141 = arith.extui %lt3A_140 : i1 to i32
      %cond3A_142 = arith.constant 0 : i32
      %cond3A_143 = arith.cmpi ne, %convert_element_type3A_141, %cond3A_142 : i32
      scf.if %cond3A_143 {
        %add3A_174 = arith.addi %mul3A_25, %add3A_122 : i32
        %add3A_175 = arith.constant 1 : i32
        %add3A_176 = arith.addi %add3A_174, %add3A_175 : i32
        %add3A_177 = arith.constant 1 : i32
        %add3A_178 = arith.addi %add3A_122, %add3A_177 : i32
        %ge3A = arith.constant 2 : i32
        %ge3A_179 = arith.cmpi sge, %add3A_178, %ge3A : i32
        %convert_element_type3A_180 = arith.extui %ge3A_179 : i1 to i32
        %cond3A_181 = arith.constant 0 : i32
        %cond3A_182 = arith.cmpi ne, %convert_element_type3A_180, %cond3A_181 : i32
        scf.if %cond3A_182 {
          %dma_wait3A_195 = arith.constant 64 : i32
          %dma_wait3A_196 = arith.constant 0 : i32
          %dma_wait3A_197 = tpu.memref_slice %arg15[%dma_wait3A_195, %dma_wait3A_196] : memref<128x128xf32, #tpu.memory_space<vmem>> -> memref<64x128xf32, #tpu.memory_space<vmem>>
          %dma_wait3A_198 = arith.constant 0 : i32
          %dma_wait3A_199 = arith.constant 0 : i32
          %dma_wait3A_200 = tpu.memref_slice %arg19[%dma_wait3A_198, %dma_wait3A_199] : memref<10368x128xf32, #tpu.memory_space<vmem_shared>> -> memref<10368x128xf32, #tpu.memory_space<vmem_shared>>
          tpu.wait_indirect_dma semaphore(%arg22 : memref<!tpu.dma_semaphore, #tpu.memory_space<semaphore_mem>>) src(%dma_wait3A_197 : memref<64x128xf32, #tpu.memory_space<vmem>>) dst(%dma_wait3A_200 : memref<10368x128xf32, #tpu.memory_space<vmem_shared>>)
        } else {
        }
        %mul3A_183 = arith.constant 192 : i32
        %mul3A_184 = arith.muli %add3A_176, %mul3A_183 : i32
        "tpu.region"() ({
          %run_scoped3A = tpu.sem_alloc : memref<!tpu.dma_semaphore, #tpu.memory_space<semaphore_mem>>
          %dma_start3A_195 = tpu.memref_slice %arg3[%mul3A_184] : memref<491520xi32, #tpu.memory_space<hbm>> -> memref<192xi32, #tpu.memory_space<hbm>>
          %dma_start3A_196 = tpu.memref_slice %arg3[%mul3A_184] : memref<491520xi32, #tpu.memory_space<hbm>> -> memref<192xi32, #tpu.memory_space<hbm>>
          tpu.enqueue_dma source(%dma_start3A_196 : memref<192xi32, #tpu.memory_space<hbm>>) target(%arg5 : memref<192xi32, #tpu.memory_space<vmem>>) target_semaphore(%run_scoped3A : memref<!tpu.dma_semaphore, #tpu.memory_space<semaphore_mem>>)
          %dma_wait3A_197 = tpu.memref_slice %arg3[%mul3A_184] : memref<491520xi32, #tpu.memory_space<hbm>> -> memref<192xi32, #tpu.memory_space<hbm>>
          %dma_wait3A_198 = tpu.memref_slice %arg3[%mul3A_184] : memref<491520xi32, #tpu.memory_space<hbm>> -> memref<192xi32, #tpu.memory_space<hbm>>
          tpu.wait_dma2 semaphore(%run_scoped3A : memref<!tpu.dma_semaphore, #tpu.memory_space<semaphore_mem>>) src(%dma_wait3A_198 : memref<192xi32, #tpu.memory_space<hbm>>) dst(%arg5 : memref<192xi32, #tpu.memory_space<vmem>>)
          tpu.yield
        }) : () -> ()
        %scan3A_185 = arith.constant 0 : i32
        %scan3A_186 = arith.constant 0 : i32
        %scan3A_187 = arith.constant 4 : i32
        %scan3A_188 = arith.addi %scan3A_186, %scan3A_187 : i32
        %scan3A_189 = arith.constant 1 : i32
        %scan3A_190 = scf.for %scan3A_195 = %scan3A_186 to %scan3A_188 step %scan3A_189 iter_args(%scan3A_196 = %scan3A_185) -> (i32)  : i32 {
          %mul3A_197 = arith.constant 16 : i32
          %mul3A_198 = arith.muli %scan3A_195, %mul3A_197 : i32
          %mul3A_199 = arith.constant 16 : i32
          %mul3A_200 = arith.muli %scan3A_195, %mul3A_199 : i32
          %get3A = arith.index_cast %mul3A_200 : i32 to index
          %get3A_201 = tpu.vector_load %arg5[%get3A] {strides = array<i32>} : memref<192xi32, #tpu.memory_space<vmem>>, vector<16xi32>,
          %get3A_202 = vector.shape_cast %get3A_201 : vector<16xi32> to vector<16xi32>
          %mul3A_203 = arith.constant 16 : i32
          %mul3A_204 = arith.muli %scan3A_195, %mul3A_203 : i32
          %add3A_205 = arith.constant 64 : i32
          %add3A_206 = arith.addi %add3A_205, %mul3A_204 : i32
          %get3A_207 = arith.index_cast %add3A_206 : i32 to index
          %get3A_208 = tpu.vector_load %arg5[%get3A_207] {strides = array<i32>} : memref<192xi32, #tpu.memory_space<vmem>>, vector<16xi32>,
          %get3A_209 = vector.shape_cast %get3A_208 : vector<16xi32> to vector<16xi32>
          %mul3A_210 = arith.constant 16 : i32
          %mul3A_211 = arith.muli %scan3A_195, %mul3A_210 : i32
          %add3A_212 = arith.constant 128 : i32
          %add3A_213 = arith.addi %add3A_212, %mul3A_211 : i32
          %get3A_214 = arith.index_cast %add3A_213 : i32 to index
          %get3A_215 = tpu.vector_load %arg5[%get3A_214] {strides = array<i32>} : memref<192xi32, #tpu.memory_space<vmem>>, vector<16xi32>,
          %get3A_216 = vector.shape_cast %get3A_215 : vector<16xi32> to vector<16xi32>
          %mul3A_217 = arith.constant 10240 : i32
          %mul3A_218 = vector.broadcast %mul3A_217 : i32 to vector<16xi32>
          %mul3A_219 = arith.muli %get3A_216, %mul3A_218 : vector<16xi32>
          %add3A_220 = arith.addi %mul3A_219, %get3A_209 : vector<16xi32>
          %swap3A = arith.index_cast %mul3A_198 : i32 to index
          %swap3A_221 = tpu.vector_load %arg7[%swap3A] {strides = array<i32>} : memref<128xi32, #tpu.memory_space<vmem>>, vector<16xi32>,
          %swap3A_222 = vector.shape_cast %swap3A_221 : vector<16xi32> to vector<16xi32>
          %swap3A_223 = vector.shape_cast %add3A_220 : vector<16xi32> to vector<16xi32>
          tpu.vector_store %arg7[%swap3A], %swap3A_223 {strides = array<i32>} : memref<128xi32, #tpu.memory_space<vmem>>, vector<16xi32>,
          %add3A_224 = arith.constant 81920 : i32
          %add3A_225 = vector.broadcast %add3A_224 : i32 to vector<16xi32>
          %add3A_226 = arith.addi %add3A_225, %get3A_202 : vector<16xi32>
          %mul3A_227 = arith.constant 16 : i32
          %mul3A_228 = arith.muli %scan3A_195, %mul3A_227 : i32
          %add3A_229 = arith.constant 64 : i32
          %add3A_230 = arith.addi %add3A_229, %mul3A_228 : i32
          %swap3A_231 = arith.index_cast %add3A_230 : i32 to index
          %swap3A_232 = tpu.vector_load %arg7[%swap3A_231] {strides = array<i32>} : memref<128xi32, #tpu.memory_space<vmem>>, vector<16xi32>,
          %swap3A_233 = vector.shape_cast %swap3A_232 : vector<16xi32> to vector<16xi32>
          %swap3A_234 = vector.shape_cast %add3A_226 : vector<16xi32> to vector<16xi32>
          tpu.vector_store %arg7[%swap3A_231], %swap3A_234 {strides = array<i32>} : memref<128xi32, #tpu.memory_space<vmem>>, vector<16xi32>,
          %mul3A_235 = arith.constant 10240 : i32
          %mul3A_236 = vector.broadcast %mul3A_235 : i32 to vector<16xi32>
          %mul3A_237 = arith.muli %get3A_216, %mul3A_236 : vector<16xi32>
          %add3A_238 = arith.constant 40960 : i32
          %add3A_239 = vector.broadcast %add3A_238 : i32 to vector<16xi32>
          %add3A_240 = arith.addi %add3A_239, %mul3A_237 : vector<16xi32>
          %add3A_241 = arith.addi %add3A_240, %get3A_202 : vector<16xi32>
          %swap3A_242 = arith.index_cast %mul3A_198 : i32 to index
          %swap3A_243 = tpu.vector_load %arg9[%swap3A_242] {strides = array<i32>} : memref<64xi32, #tpu.memory_space<vmem>>, vector<16xi32>,
          %swap3A_244 = vector.shape_cast %swap3A_243 : vector<16xi32> to vector<16xi32>
          %swap3A_245 = vector.shape_cast %add3A_241 : vector<16xi32> to vector<16xi32>
          tpu.vector_store %arg9[%swap3A_242], %swap3A_245 {strides = array<i32>} : memref<64xi32, #tpu.memory_space<vmem>>, vector<16xi32>,
          %swap3A_246 = arith.index_cast %mul3A_198 : i32 to index
          %swap3A_247 = tpu.vector_load %arg11[%swap3A_246] {strides = array<i32>} : memref<64xi32, #tpu.memory_space<vmem>>, vector<16xi32>,
          %swap3A_248 = vector.shape_cast %swap3A_247 : vector<16xi32> to vector<16xi32>
          %swap3A_249 = vector.shape_cast %get3A_209 : vector<16xi32> to vector<16xi32>
          tpu.vector_store %arg11[%swap3A_246], %swap3A_249 {strides = array<i32>} : memref<64xi32, #tpu.memory_space<vmem>>, vector<16xi32>,
          %shift_right_logical3A = arith.constant 7 : i32
          %shift_right_logical3A_250 = vector.broadcast %shift_right_logical3A : i32 to vector<16xi32>
          %shift_right_logical3A_251 = arith.shrui %get3A_209, %shift_right_logical3A_250 : vector<16xi32>
          %add3A_252 = arith.constant 10240 : i32
          %add3A_253 = vector.broadcast %add3A_252 : i32 to vector<16xi32>
          %add3A_254 = arith.addi %add3A_253, %shift_right_logical3A_251 : vector<16xi32>
          %swap3A_255 = arith.index_cast %mul3A_198 : i32 to index
          %swap3A_256 = tpu.vector_load %arg13[%swap3A_255] {strides = array<i32>} : memref<64xi32, #tpu.memory_space<vmem>>, vector<16xi32>,
          %swap3A_257 = vector.shape_cast %swap3A_256 : vector<16xi32> to vector<16xi32>
          %swap3A_258 = vector.shape_cast %add3A_254 : vector<16xi32> to vector<16xi32>
          tpu.vector_store %arg13[%swap3A_255], %swap3A_258 {strides = array<i32>} : memref<64xi32, #tpu.memory_space<vmem>>, vector<16xi32>,
          %scan3A_259 = arith.constant 0 : i32
          scf.yield %scan3A_259 : i32
        }
        %scan3A_191 = arith.constant 4 : i32
        %dma_start3A_192 = arith.constant 0 : i32
        %dma_start3A_193 = arith.constant 0 : i32
        %dma_start3A_194 = tpu.memref_slice %arg2[%dma_start3A_192, %dma_start3A_193] : memref<92160x128xf32, #tpu.memory_space<hbm>> -> memref<92160x128xf32, #tpu.memory_space<hbm>>
        tpu.enqueue_indirect_dma source(%dma_start3A_194 : memref<92160x128xf32, #tpu.memory_space<hbm>>) target(%arg15 : memref<128x128xf32, #tpu.memory_space<vmem>>) offsets(%arg7 : memref<128xi32, #tpu.memory_space<vmem>>) semaphore(%arg20 : memref<!tpu.dma_semaphore, #tpu.memory_space<semaphore_mem>>)
      } else {
      }
      %scan3A_144 = arith.constant 0 : i32
      %scan3A_145 = arith.constant 0 : i32
      %scan3A_146 = arith.constant 4 : i32
      %scan3A_147 = arith.addi %scan3A_145, %scan3A_146 : i32
      %scan3A_148 = arith.constant 1 : i32
      %scan3A_149 = scf.for %scan3A_174 = %scan3A_145 to %scan3A_147 step %scan3A_148 iter_args(%scan3A_175 = %scan3A_144) -> (i32)  : i32 {
        %mul3A_176 = arith.constant 16 : i32
        %mul3A_177 = arith.muli %scan3A_174, %mul3A_176 : i32
        %add3A_178 = arith.constant 64 : i32
        %add3A_179 = arith.addi %add3A_178, %mul3A_177 : i32
        %get3A = arith.index_cast %add3A_179 : i32 to index
        %get3A_180 = tpu.vector_load %arg6[%get3A] {strides = array<i32>} : memref<192xi32, #tpu.memory_space<vmem>>, vector<16xi32>,
        %get3A_181 = vector.shape_cast %get3A_180 : vector<16xi32> to vector<16xi32>
        %and3A = arith.constant 127 : i32
        %and3A_182 = vector.broadcast %and3A : i32 to vector<16xi32>
        %and3A_183 = arith.andi %get3A_181, %and3A_182 : vector<16xi32>
        %slice3A = vector.extract_strided_slice %and3A_183 {offsets = [0], sizes = [1], strides = [1]} : vector<16xi32> to vector<1xi32>
        %squeeze3A = vector.extract %slice3A[0] : i32 from vector<1xi32>
        %shift_right_logical3A = arith.constant 4 : i32
        %shift_right_logical3A_184 = arith.shrui %squeeze3A, %shift_right_logical3A : i32
        %mul3A_185 = arith.constant 16 : i32
        %mul3A_186 = arith.muli %shift_right_logical3A_184, %mul3A_185 : i32
        %and3A_187 = arith.constant 15 : i32
        %and3A_188 = arith.andi %squeeze3A, %and3A_187 : i32
        %eq3A = vector.broadcast %and3A_188 : i32 to vector<16xi32>
        %eq3A_189 = arith.cmpi eq, %iota3A, %eq3A : vector<16xi32>
        %jit3A = arith.constant 1.000000e+00 : f32
        %jit3A_190 = arith.constant 0.000000e+00 : f32
        %broadcast_in_dim3A_191 = vector.broadcast %jit3A : f32 to vector<16xf32>
        %broadcast_in_dim3A_192 = vector.broadcast %jit3A_190 : f32 to vector<16xf32>
        %select_n3A = arith.select %eq3A_189, %broadcast_in_dim3A_191, %broadcast_in_dim3A_192 : vector<16xi1>, vector<16xf32>
        %mul3A_193 = arith.constant 16 : i32
        %mul3A_194 = arith.muli %scan3A_174, %mul3A_193 : i32
        %add3A_195 = arith.constant 0 : i32
        %add3A_196 = arith.addi %mul3A_194, %add3A_195 : i32
        %swap3A = arith.index_cast %add3A_196 : i32 to index
        %swap3A_197 = arith.index_cast %mul3A_186 : i32 to index
        %swap3A_198 = tpu.vector_load %arg17[%swap3A, %swap3A_197] {strides = array<i32>} : memref<64x128xf32, #tpu.memory_space<vmem>>, vector<1x16xf32>,
        %swap3A_199 = vector.shape_cast %swap3A_198 : vector<1x16xf32> to vector<16xf32>
        %swap3A_200 = vector.shape_cast %select_n3A : vector<16xf32> to vector<1x16xf32>
        tpu.vector_store %arg17[%swap3A, %swap3A_197], %swap3A_200 {strides = array<i32>} : memref<64x128xf32, #tpu.memory_space<vmem>>, vector<1x16xf32>,
        %slice3A_201 = vector.extract_strided_slice %and3A_183 {offsets = [1], sizes = [1], strides = [1]} : vector<16xi32> to vector<1xi32>
        %squeeze3A_202 = vector.extract %slice3A_201[0] : i32 from vector<1xi32>
        %shift_right_logical3A_203 = arith.constant 4 : i32
        %shift_right_logical3A_204 = arith.shrui %squeeze3A_202, %shift_right_logical3A_203 : i32
        %mul3A_205 = arith.constant 16 : i32
        %mul3A_206 = arith.muli %shift_right_logical3A_204, %mul3A_205 : i32
        %and3A_207 = arith.constant 15 : i32
        %and3A_208 = arith.andi %squeeze3A_202, %and3A_207 : i32
        %eq3A_209 = vector.broadcast %and3A_208 : i32 to vector<16xi32>
        %eq3A_210 = arith.cmpi eq, %iota3A, %eq3A_209 : vector<16xi32>
        %jit3A_211 = arith.constant 1.000000e+00 : f32
        %jit3A_212 = arith.constant 0.000000e+00 : f32
        %broadcast_in_dim3A_213 = vector.broadcast %jit3A_211 : f32 to vector<16xf32>
        %broadcast_in_dim3A_214 = vector.broadcast %jit3A_212 : f32 to vector<16xf32>
        %select_n3A_215 = arith.select %eq3A_210, %broadcast_in_dim3A_213, %broadcast_in_dim3A_214 : vector<16xi1>, vector<16xf32>
        %mul3A_216 = arith.constant 16 : i32
        %mul3A_217 = arith.muli %scan3A_174, %mul3A_216 : i32
        %add3A_218 = arith.constant 1 : i32
        %add3A_219 = arith.addi %mul3A_217, %add3A_218 : i32
        %swap3A_220 = arith.index_cast %add3A_219 : i32 to index
        %swap3A_221 = arith.index_cast %mul3A_206 : i32 to index
        %swap3A_222 = tpu.vector_load %arg17[%swap3A_220, %swap3A_221] {strides = array<i32>} : memref<64x128xf32, #tpu.memory_space<vmem>>, vector<1x16xf32>,
        %swap3A_223 = vector.shape_cast %swap3A_222 : vector<1x16xf32> to vector<16xf32>
        %swap3A_224 = vector.shape_cast %select_n3A_215 : vector<16xf32> to vector<1x16xf32>
        tpu.vector_store %arg17[%swap3A_220, %swap3A_221], %swap3A_224 {strides = array<i32>} : memref<64x128xf32, #tpu.memory_space<vmem>>, vector<1x16xf32>,
        %slice3A_225 = vector.extract_strided_slice %and3A_183 {offsets = [2], sizes = [1], strides = [1]} : vector<16xi32> to vector<1xi32>
        %squeeze3A_226 = vector.extract %slice3A_225[0] : i32 from vector<1xi32>
        %shift_right_logical3A_227 = arith.constant 4 : i32
        %shift_right_logical3A_228 = arith.shrui %squeeze3A_226, %shift_right_logical3A_227 : i32
        %mul3A_229 = arith.constant 16 : i32
        %mul3A_230 = arith.muli %shift_right_logical3A_228, %mul3A_229 : i32
        %and3A_231 = arith.constant 15 : i32
        %and3A_232 = arith.andi %squeeze3A_226, %and3A_231 : i32
        %eq3A_233 = vector.broadcast %and3A_232 : i32 to vector<16xi32>
        %eq3A_234 = arith.cmpi eq, %iota3A, %eq3A_233 : vector<16xi32>
        %jit3A_235 = arith.constant 1.000000e+00 : f32
        %jit3A_236 = arith.constant 0.000000e+00 : f32
        %broadcast_in_dim3A_237 = vector.broadcast %jit3A_235 : f32 to vector<16xf32>
        %broadcast_in_dim3A_238 = vector.broadcast %jit3A_236 : f32 to vector<16xf32>
        %select_n3A_239 = arith.select %eq3A_234, %broadcast_in_dim3A_237, %broadcast_in_dim3A_238 : vector<16xi1>, vector<16xf32>
        %mul3A_240 = arith.constant 16 : i32
        %mul3A_241 = arith.muli %scan3A_174, %mul3A_240 : i32
        %add3A_242 = arith.constant 2 : i32
        %add3A_243 = arith.addi %mul3A_241, %add3A_242 : i32
        %swap3A_244 = arith.index_cast %add3A_243 : i32 to index
        %swap3A_245 = arith.index_cast %mul3A_230 : i32 to index
        %swap3A_246 = tpu.vector_load %arg17[%swap3A_244, %swap3A_245] {strides = array<i32>} : memref<64x128xf32, #tpu.memory_space<vmem>>, vector<1x16xf32>,
        %swap3A_247 = vector.shape_cast %swap3A_246 : vector<1x16xf32> to vector<16xf32>
        %swap3A_248 = vector.shape_cast %select_n3A_239 : vector<16xf32> to vector<1x16xf32>
        tpu.vector_store %arg17[%swap3A_244, %swap3A_245], %swap3A_248 {strides = array<i32>} : memref<64x128xf32, #tpu.memory_space<vmem>>, vector<1x16xf32>,
        %slice3A_249 = vector.extract_strided_slice %and3A_183 {offsets = [3], sizes = [1], strides = [1]} : vector<16xi32> to vector<1xi32>
        %squeeze3A_250 = vector.extract %slice3A_249[0] : i32 from vector<1xi32>
        %shift_right_logical3A_251 = arith.constant 4 : i32
        %shift_right_logical3A_252 = arith.shrui %squeeze3A_250, %shift_right_logical3A_251 : i32
        %mul3A_253 = arith.constant 16 : i32
        %mul3A_254 = arith.muli %shift_right_logical3A_252, %mul3A_253 : i32
        %and3A_255 = arith.constant 15 : i32
        %and3A_256 = arith.andi %squeeze3A_250, %and3A_255 : i32
        %eq3A_257 = vector.broadcast %and3A_256 : i32 to vector<16xi32>
        %eq3A_258 = arith.cmpi eq, %iota3A, %eq3A_257 : vector<16xi32>
        %jit3A_259 = arith.constant 1.000000e+00 : f32
        %jit3A_260 = arith.constant 0.000000e+00 : f32
        %broadcast_in_dim3A_261 = vector.broadcast %jit3A_259 : f32 to vector<16xf32>
        %broadcast_in_dim3A_262 = vector.broadcast %jit3A_260 : f32 to vector<16xf32>
        %select_n3A_263 = arith.select %eq3A_258, %broadcast_in_dim3A_261, %broadcast_in_dim3A_262 : vector<16xi1>, vector<16xf32>
        %mul3A_264 = arith.constant 16 : i32
        %mul3A_265 = arith.muli %scan3A_174, %mul3A_264 : i32
        %add3A_266 = arith.constant 3 : i32
        %add3A_267 = arith.addi %mul3A_265, %add3A_266 : i32
        %swap3A_268 = arith.index_cast %add3A_267 : i32 to index
        %swap3A_269 = arith.index_cast %mul3A_254 : i32 to index
        %swap3A_270 = tpu.vector_load %arg17[%swap3A_268, %swap3A_269] {strides = array<i32>} : memref<64x128xf32, #tpu.memory_space<vmem>>, vector<1x16xf32>,
        %swap3A_271 = vector.shape_cast %swap3A_270 : vector<1x16xf32> to vector<16xf32>
        %swap3A_272 = vector.shape_cast %select_n3A_263 : vector<16xf32> to vector<1x16xf32>
        tpu.vector_store %arg17[%swap3A_268, %swap3A_269], %swap3A_272 {strides = array<i32>} : memref<64x128xf32, #tpu.memory_space<vmem>>, vector<1x16xf32>,
        %slice3A_273 = vector.extract_strided_slice %and3A_183 {offsets = [4], sizes = [1], strides = [1]} : vector<16xi32> to vector<1xi32>
        %squeeze3A_274 = vector.extract %slice3A_273[0] : i32 from vector<1xi32>
        %shift_right_logical3A_275 = arith.constant 4 : i32
        %shift_right_logical3A_276 = arith.shrui %squeeze3A_274, %shift_right_logical3A_275 : i32
        %mul3A_277 = arith.constant 16 : i32
        %mul3A_278 = arith.muli %shift_right_logical3A_276, %mul3A_277 : i32
        %and3A_279 = arith.constant 15 : i32
        %and3A_280 = arith.andi %squeeze3A_274, %and3A_279 : i32
        %eq3A_281 = vector.broadcast %and3A_280 : i32 to vector<16xi32>
        %eq3A_282 = arith.cmpi eq, %iota3A, %eq3A_281 : vector<16xi32>
        %jit3A_283 = arith.constant 1.000000e+00 : f32
        %jit3A_284 = arith.constant 0.000000e+00 : f32
        %broadcast_in_dim3A_285 = vector.broadcast %jit3A_283 : f32 to vector<16xf32>
        %broadcast_in_dim3A_286 = vector.broadcast %jit3A_284 : f32 to vector<16xf32>
        %select_n3A_287 = arith.select %eq3A_282, %broadcast_in_dim3A_285, %broadcast_in_dim3A_286 : vector<16xi1>, vector<16xf32>
        %mul3A_288 = arith.constant 16 : i32
        %mul3A_289 = arith.muli %scan3A_174, %mul3A_288 : i32
        %add3A_290 = arith.constant 4 : i32
        %add3A_291 = arith.addi %mul3A_289, %add3A_290 : i32
        %swap3A_292 = arith.index_cast %add3A_291 : i32 to index
        %swap3A_293 = arith.index_cast %mul3A_278 : i32 to index
        %swap3A_294 = tpu.vector_load %arg17[%swap3A_292, %swap3A_293] {strides = array<i32>} : memref<64x128xf32, #tpu.memory_space<vmem>>, vector<1x16xf32>,
        %swap3A_295 = vector.shape_cast %swap3A_294 : vector<1x16xf32> to vector<16xf32>
        %swap3A_296 = vector.shape_cast %select_n3A_287 : vector<16xf32> to vector<1x16xf32>
        tpu.vector_store %arg17[%swap3A_292, %swap3A_293], %swap3A_296 {strides = array<i32>} : memref<64x128xf32, #tpu.memory_space<vmem>>, vector<1x16xf32>,
        %slice3A_297 = vector.extract_strided_slice %and3A_183 {offsets = [5], sizes = [1], strides = [1]} : vector<16xi32> to vector<1xi32>
        %squeeze3A_298 = vector.extract %slice3A_297[0] : i32 from vector<1xi32>
        %shift_right_logical3A_299 = arith.constant 4 : i32
        %shift_right_logical3A_300 = arith.shrui %squeeze3A_298, %shift_right_logical3A_299 : i32
        %mul3A_301 = arith.constant 16 : i32
        %mul3A_302 = arith.muli %shift_right_logical3A_300, %mul3A_301 : i32
        %and3A_303 = arith.constant 15 : i32
        %and3A_304 = arith.andi %squeeze3A_298, %and3A_303 : i32
        %eq3A_305 = vector.broadcast %and3A_304 : i32 to vector<16xi32>
        %eq3A_306 = arith.cmpi eq, %iota3A, %eq3A_305 : vector<16xi32>
        %jit3A_307 = arith.constant 1.000000e+00 : f32
        %jit3A_308 = arith.constant 0.000000e+00 : f32
        %broadcast_in_dim3A_309 = vector.broadcast %jit3A_307 : f32 to vector<16xf32>
        %broadcast_in_dim3A_310 = vector.broadcast %jit3A_308 : f32 to vector<16xf32>
        %select_n3A_311 = arith.select %eq3A_306, %broadcast_in_dim3A_309, %broadcast_in_dim3A_310 : vector<16xi1>, vector<16xf32>
        %mul3A_312 = arith.constant 16 : i32
        %mul3A_313 = arith.muli %scan3A_174, %mul3A_312 : i32
        %add3A_314 = arith.constant 5 : i32
        %add3A_315 = arith.addi %mul3A_313, %add3A_314 : i32
        %swap3A_316 = arith.index_cast %add3A_315 : i32 to index
        %swap3A_317 = arith.index_cast %mul3A_302 : i32 to index
        %swap3A_318 = tpu.vector_load %arg17[%swap3A_316, %swap3A_317] {strides = array<i32>} : memref<64x128xf32, #tpu.memory_space<vmem>>, vector<1x16xf32>,
        %swap3A_319 = vector.shape_cast %swap3A_318 : vector<1x16xf32> to vector<16xf32>
        %swap3A_320 = vector.shape_cast %select_n3A_311 : vector<16xf32> to vector<1x16xf32>
        tpu.vector_store %arg17[%swap3A_316, %swap3A_317], %swap3A_320 {strides = array<i32>} : memref<64x128xf32, #tpu.memory_space<vmem>>, vector<1x16xf32>,
        %slice3A_321 = vector.extract_strided_slice %and3A_183 {offsets = [6], sizes = [1], strides = [1]} : vector<16xi32> to vector<1xi32>
        %squeeze3A_322 = vector.extract %slice3A_321[0] : i32 from vector<1xi32>
        %shift_right_logical3A_323 = arith.constant 4 : i32
        %shift_right_logical3A_324 = arith.shrui %squeeze3A_322, %shift_right_logical3A_323 : i32
        %mul3A_325 = arith.constant 16 : i32
        %mul3A_326 = arith.muli %shift_right_logical3A_324, %mul3A_325 : i32
        %and3A_327 = arith.constant 15 : i32
        %and3A_328 = arith.andi %squeeze3A_322, %and3A_327 : i32
        %eq3A_329 = vector.broadcast %and3A_328 : i32 to vector<16xi32>
        %eq3A_330 = arith.cmpi eq, %iota3A, %eq3A_329 : vector<16xi32>
        %jit3A_331 = arith.constant 1.000000e+00 : f32
        %jit3A_332 = arith.constant 0.000000e+00 : f32
        %broadcast_in_dim3A_333 = vector.broadcast %jit3A_331 : f32 to vector<16xf32>
        %broadcast_in_dim3A_334 = vector.broadcast %jit3A_332 : f32 to vector<16xf32>
        %select_n3A_335 = arith.select %eq3A_330, %broadcast_in_dim3A_333, %broadcast_in_dim3A_334 : vector<16xi1>, vector<16xf32>
        %mul3A_336 = arith.constant 16 : i32
        %mul3A_337 = arith.muli %scan3A_174, %mul3A_336 : i32
        %add3A_338 = arith.constant 6 : i32
        %add3A_339 = arith.addi %mul3A_337, %add3A_338 : i32
        %swap3A_340 = arith.index_cast %add3A_339 : i32 to index
        %swap3A_341 = arith.index_cast %mul3A_326 : i32 to index
        %swap3A_342 = tpu.vector_load %arg17[%swap3A_340, %swap3A_341] {strides = array<i32>} : memref<64x128xf32, #tpu.memory_space<vmem>>, vector<1x16xf32>,
        %swap3A_343 = vector.shape_cast %swap3A_342 : vector<1x16xf32> to vector<16xf32>
        %swap3A_344 = vector.shape_cast %select_n3A_335 : vector<16xf32> to vector<1x16xf32>
        tpu.vector_store %arg17[%swap3A_340, %swap3A_341], %swap3A_344 {strides = array<i32>} : memref<64x128xf32, #tpu.memory_space<vmem>>, vector<1x16xf32>,
        %slice3A_345 = vector.extract_strided_slice %and3A_183 {offsets = [7], sizes = [1], strides = [1]} : vector<16xi32> to vector<1xi32>
        %squeeze3A_346 = vector.extract %slice3A_345[0] : i32 from vector<1xi32>
        %shift_right_logical3A_347 = arith.constant 4 : i32
        %shift_right_logical3A_348 = arith.shrui %squeeze3A_346, %shift_right_logical3A_347 : i32
        %mul3A_349 = arith.constant 16 : i32
        %mul3A_350 = arith.muli %shift_right_logical3A_348, %mul3A_349 : i32
        %and3A_351 = arith.constant 15 : i32
        %and3A_352 = arith.andi %squeeze3A_346, %and3A_351 : i32
        %eq3A_353 = vector.broadcast %and3A_352 : i32 to vector<16xi32>
        %eq3A_354 = arith.cmpi eq, %iota3A, %eq3A_353 : vector<16xi32>
        %jit3A_355 = arith.constant 1.000000e+00 : f32
        %jit3A_356 = arith.constant 0.000000e+00 : f32
        %broadcast_in_dim3A_357 = vector.broadcast %jit3A_355 : f32 to vector<16xf32>
        %broadcast_in_dim3A_358 = vector.broadcast %jit3A_356 : f32 to vector<16xf32>
        %select_n3A_359 = arith.select %eq3A_354, %broadcast_in_dim3A_357, %broadcast_in_dim3A_358 : vector<16xi1>, vector<16xf32>
        %mul3A_360 = arith.constant 16 : i32
        %mul3A_361 = arith.muli %scan3A_174, %mul3A_360 : i32
        %add3A_362 = arith.constant 7 : i32
        %add3A_363 = arith.addi %mul3A_361, %add3A_362 : i32
        %swap3A_364 = arith.index_cast %add3A_363 : i32 to index
        %swap3A_365 = arith.index_cast %mul3A_350 : i32 to index
        %swap3A_366 = tpu.vector_load %arg17[%swap3A_364, %swap3A_365] {strides = array<i32>} : memref<64x128xf32, #tpu.memory_space<vmem>>, vector<1x16xf32>,
        %swap3A_367 = vector.shape_cast %swap3A_366 : vector<1x16xf32> to vector<16xf32>
        %swap3A_368 = vector.shape_cast %select_n3A_359 : vector<16xf32> to vector<1x16xf32>
        tpu.vector_store %arg17[%swap3A_364, %swap3A_365], %swap3A_368 {strides = array<i32>} : memref<64x128xf32, #tpu.memory_space<vmem>>, vector<1x16xf32>,
        %slice3A_369 = vector.extract_strided_slice %and3A_183 {offsets = [8], sizes = [1], strides = [1]} : vector<16xi32> to vector<1xi32>
        %squeeze3A_370 = vector.extract %slice3A_369[0] : i32 from vector<1xi32>
        %shift_right_logical3A_371 = arith.constant 4 : i32
        %shift_right_logical3A_372 = arith.shrui %squeeze3A_370, %shift_right_logical3A_371 : i32
        %mul3A_373 = arith.constant 16 : i32
        %mul3A_374 = arith.muli %shift_right_logical3A_372, %mul3A_373 : i32
        %and3A_375 = arith.constant 15 : i32
        %and3A_376 = arith.andi %squeeze3A_370, %and3A_375 : i32
        %eq3A_377 = vector.broadcast %and3A_376 : i32 to vector<16xi32>
        %eq3A_378 = arith.cmpi eq, %iota3A, %eq3A_377 : vector<16xi32>
        %jit3A_379 = arith.constant 1.000000e+00 : f32
        %jit3A_380 = arith.constant 0.000000e+00 : f32
        %broadcast_in_dim3A_381 = vector.broadcast %jit3A_379 : f32 to vector<16xf32>
        %broadcast_in_dim3A_382 = vector.broadcast %jit3A_380 : f32 to vector<16xf32>
        %select_n3A_383 = arith.select %eq3A_378, %broadcast_in_dim3A_381, %broadcast_in_dim3A_382 : vector<16xi1>, vector<16xf32>
        %mul3A_384 = arith.constant 16 : i32
        %mul3A_385 = arith.muli %scan3A_174, %mul3A_384 : i32
        %add3A_386 = arith.constant 8 : i32
        %add3A_387 = arith.addi %mul3A_385, %add3A_386 : i32
        %swap3A_388 = arith.index_cast %add3A_387 : i32 to index
        %swap3A_389 = arith.index_cast %mul3A_374 : i32 to index
        %swap3A_390 = tpu.vector_load %arg17[%swap3A_388, %swap3A_389] {strides = array<i32>} : memref<64x128xf32, #tpu.memory_space<vmem>>, vector<1x16xf32>,
        %swap3A_391 = vector.shape_cast %swap3A_390 : vector<1x16xf32> to vector<16xf32>
        %swap3A_392 = vector.shape_cast %select_n3A_383 : vector<16xf32> to vector<1x16xf32>
        tpu.vector_store %arg17[%swap3A_388, %swap3A_389], %swap3A_392 {strides = array<i32>} : memref<64x128xf32, #tpu.memory_space<vmem>>, vector<1x16xf32>,
        %slice3A_393 = vector.extract_strided_slice %and3A_183 {offsets = [9], sizes = [1], strides = [1]} : vector<16xi32> to vector<1xi32>
        %squeeze3A_394 = vector.extract %slice3A_393[0] : i32 from vector<1xi32>
        %shift_right_logical3A_395 = arith.constant 4 : i32
        %shift_right_logical3A_396 = arith.shrui %squeeze3A_394, %shift_right_logical3A_395 : i32
        %mul3A_397 = arith.constant 16 : i32
        %mul3A_398 = arith.muli %shift_right_logical3A_396, %mul3A_397 : i32
        %and3A_399 = arith.constant 15 : i32
        %and3A_400 = arith.andi %squeeze3A_394, %and3A_399 : i32
        %eq3A_401 = vector.broadcast %and3A_400 : i32 to vector<16xi32>
        %eq3A_402 = arith.cmpi eq, %iota3A, %eq3A_401 : vector<16xi32>
        %jit3A_403 = arith.constant 1.000000e+00 : f32
        %jit3A_404 = arith.constant 0.000000e+00 : f32
        %broadcast_in_dim3A_405 = vector.broadcast %jit3A_403 : f32 to vector<16xf32>
        %broadcast_in_dim3A_406 = vector.broadcast %jit3A_404 : f32 to vector<16xf32>
        %select_n3A_407 = arith.select %eq3A_402, %broadcast_in_dim3A_405, %broadcast_in_dim3A_406 : vector<16xi1>, vector<16xf32>
        %mul3A_408 = arith.constant 16 : i32
        %mul3A_409 = arith.muli %scan3A_174, %mul3A_408 : i32
        %add3A_410 = arith.constant 9 : i32
        %add3A_411 = arith.addi %mul3A_409, %add3A_410 : i32
        %swap3A_412 = arith.index_cast %add3A_411 : i32 to index
        %swap3A_413 = arith.index_cast %mul3A_398 : i32 to index
        %swap3A_414 = tpu.vector_load %arg17[%swap3A_412, %swap3A_413] {strides = array<i32>} : memref<64x128xf32, #tpu.memory_space<vmem>>, vector<1x16xf32>,
        %swap3A_415 = vector.shape_cast %swap3A_414 : vector<1x16xf32> to vector<16xf32>
        %swap3A_416 = vector.shape_cast %select_n3A_407 : vector<16xf32> to vector<1x16xf32>
        tpu.vector_store %arg17[%swap3A_412, %swap3A_413], %swap3A_416 {strides = array<i32>} : memref<64x128xf32, #tpu.memory_space<vmem>>, vector<1x16xf32>,
        %slice3A_417 = vector.extract_strided_slice %and3A_183 {offsets = [10], sizes = [1], strides = [1]} : vector<16xi32> to vector<1xi32>
        %squeeze3A_418 = vector.extract %slice3A_417[0] : i32 from vector<1xi32>
        %shift_right_logical3A_419 = arith.constant 4 : i32
        %shift_right_logical3A_420 = arith.shrui %squeeze3A_418, %shift_right_logical3A_419 : i32
        %mul3A_421 = arith.constant 16 : i32
        %mul3A_422 = arith.muli %shift_right_logical3A_420, %mul3A_421 : i32
        %and3A_423 = arith.constant 15 : i32
        %and3A_424 = arith.andi %squeeze3A_418, %and3A_423 : i32
        %eq3A_425 = vector.broadcast %and3A_424 : i32 to vector<16xi32>
        %eq3A_426 = arith.cmpi eq, %iota3A, %eq3A_425 : vector<16xi32>
        %jit3A_427 = arith.constant 1.000000e+00 : f32
        %jit3A_428 = arith.constant 0.000000e+00 : f32
        %broadcast_in_dim3A_429 = vector.broadcast %jit3A_427 : f32 to vector<16xf32>
        %broadcast_in_dim3A_430 = vector.broadcast %jit3A_428 : f32 to vector<16xf32>
        %select_n3A_431 = arith.select %eq3A_426, %broadcast_in_dim3A_429, %broadcast_in_dim3A_430 : vector<16xi1>, vector<16xf32>
        %mul3A_432 = arith.constant 16 : i32
        %mul3A_433 = arith.muli %scan3A_174, %mul3A_432 : i32
        %add3A_434 = arith.constant 10 : i32
        %add3A_435 = arith.addi %mul3A_433, %add3A_434 : i32
        %swap3A_436 = arith.index_cast %add3A_435 : i32 to index
        %swap3A_437 = arith.index_cast %mul3A_422 : i32 to index
        %swap3A_438 = tpu.vector_load %arg17[%swap3A_436, %swap3A_437] {strides = array<i32>} : memref<64x128xf32, #tpu.memory_space<vmem>>, vector<1x16xf32>,
        %swap3A_439 = vector.shape_cast %swap3A_438 : vector<1x16xf32> to vector<16xf32>
        %swap3A_440 = vector.shape_cast %select_n3A_431 : vector<16xf32> to vector<1x16xf32>
        tpu.vector_store %arg17[%swap3A_436, %swap3A_437], %swap3A_440 {strides = array<i32>} : memref<64x128xf32, #tpu.memory_space<vmem>>, vector<1x16xf32>,
        %slice3A_441 = vector.extract_strided_slice %and3A_183 {offsets = [11], sizes = [1], strides = [1]} : vector<16xi32> to vector<1xi32>
        %squeeze3A_442 = vector.extract %slice3A_441[0] : i32 from vector<1xi32>
        %shift_right_logical3A_443 = arith.constant 4 : i32
        %shift_right_logical3A_444 = arith.shrui %squeeze3A_442, %shift_right_logical3A_443 : i32
        %mul3A_445 = arith.constant 16 : i32
        %mul3A_446 = arith.muli %shift_right_logical3A_444, %mul3A_445 : i32
        %and3A_447 = arith.constant 15 : i32
        %and3A_448 = arith.andi %squeeze3A_442, %and3A_447 : i32
        %eq3A_449 = vector.broadcast %and3A_448 : i32 to vector<16xi32>
        %eq3A_450 = arith.cmpi eq, %iota3A, %eq3A_449 : vector<16xi32>
        %jit3A_451 = arith.constant 1.000000e+00 : f32
        %jit3A_452 = arith.constant 0.000000e+00 : f32
        %broadcast_in_dim3A_453 = vector.broadcast %jit3A_451 : f32 to vector<16xf32>
        %broadcast_in_dim3A_454 = vector.broadcast %jit3A_452 : f32 to vector<16xf32>
        %select_n3A_455 = arith.select %eq3A_450, %broadcast_in_dim3A_453, %broadcast_in_dim3A_454 : vector<16xi1>, vector<16xf32>
        %mul3A_456 = arith.constant 16 : i32
        %mul3A_457 = arith.muli %scan3A_174, %mul3A_456 : i32
        %add3A_458 = arith.constant 11 : i32
        %add3A_459 = arith.addi %mul3A_457, %add3A_458 : i32
        %swap3A_460 = arith.index_cast %add3A_459 : i32 to index
        %swap3A_461 = arith.index_cast %mul3A_446 : i32 to index
        %swap3A_462 = tpu.vector_load %arg17[%swap3A_460, %swap3A_461] {strides = array<i32>} : memref<64x128xf32, #tpu.memory_space<vmem>>, vector<1x16xf32>,
        %swap3A_463 = vector.shape_cast %swap3A_462 : vector<1x16xf32> to vector<16xf32>
        %swap3A_464 = vector.shape_cast %select_n3A_455 : vector<16xf32> to vector<1x16xf32>
        tpu.vector_store %arg17[%swap3A_460, %swap3A_461], %swap3A_464 {strides = array<i32>} : memref<64x128xf32, #tpu.memory_space<vmem>>, vector<1x16xf32>,
        %slice3A_465 = vector.extract_strided_slice %and3A_183 {offsets = [12], sizes = [1], strides = [1]} : vector<16xi32> to vector<1xi32>
        %squeeze3A_466 = vector.extract %slice3A_465[0] : i32 from vector<1xi32>
        %shift_right_logical3A_467 = arith.constant 4 : i32
        %shift_right_logical3A_468 = arith.shrui %squeeze3A_466, %shift_right_logical3A_467 : i32
        %mul3A_469 = arith.constant 16 : i32
        %mul3A_470 = arith.muli %shift_right_logical3A_468, %mul3A_469 : i32
        %and3A_471 = arith.constant 15 : i32
        %and3A_472 = arith.andi %squeeze3A_466, %and3A_471 : i32
        %eq3A_473 = vector.broadcast %and3A_472 : i32 to vector<16xi32>
        %eq3A_474 = arith.cmpi eq, %iota3A, %eq3A_473 : vector<16xi32>
        %jit3A_475 = arith.constant 1.000000e+00 : f32
        %jit3A_476 = arith.constant 0.000000e+00 : f32
        %broadcast_in_dim3A_477 = vector.broadcast %jit3A_475 : f32 to vector<16xf32>
        %broadcast_in_dim3A_478 = vector.broadcast %jit3A_476 : f32 to vector<16xf32>
        %select_n3A_479 = arith.select %eq3A_474, %broadcast_in_dim3A_477, %broadcast_in_dim3A_478 : vector<16xi1>, vector<16xf32>
        %mul3A_480 = arith.constant 16 : i32
        %mul3A_481 = arith.muli %scan3A_174, %mul3A_480 : i32
        %add3A_482 = arith.constant 12 : i32
        %add3A_483 = arith.addi %mul3A_481, %add3A_482 : i32
        %swap3A_484 = arith.index_cast %add3A_483 : i32 to index
        %swap3A_485 = arith.index_cast %mul3A_470 : i32 to index
        %swap3A_486 = tpu.vector_load %arg17[%swap3A_484, %swap3A_485] {strides = array<i32>} : memref<64x128xf32, #tpu.memory_space<vmem>>, vector<1x16xf32>,
        %swap3A_487 = vector.shape_cast %swap3A_486 : vector<1x16xf32> to vector<16xf32>
        %swap3A_488 = vector.shape_cast %select_n3A_479 : vector<16xf32> to vector<1x16xf32>
        tpu.vector_store %arg17[%swap3A_484, %swap3A_485], %swap3A_488 {strides = array<i32>} : memref<64x128xf32, #tpu.memory_space<vmem>>, vector<1x16xf32>,
        %slice3A_489 = vector.extract_strided_slice %and3A_183 {offsets = [13], sizes = [1], strides = [1]} : vector<16xi32> to vector<1xi32>
        %squeeze3A_490 = vector.extract %slice3A_489[0] : i32 from vector<1xi32>
        %shift_right_logical3A_491 = arith.constant 4 : i32
        %shift_right_logical3A_492 = arith.shrui %squeeze3A_490, %shift_right_logical3A_491 : i32
        %mul3A_493 = arith.constant 16 : i32
        %mul3A_494 = arith.muli %shift_right_logical3A_492, %mul3A_493 : i32
        %and3A_495 = arith.constant 15 : i32
        %and3A_496 = arith.andi %squeeze3A_490, %and3A_495 : i32
        %eq3A_497 = vector.broadcast %and3A_496 : i32 to vector<16xi32>
        %eq3A_498 = arith.cmpi eq, %iota3A, %eq3A_497 : vector<16xi32>
        %jit3A_499 = arith.constant 1.000000e+00 : f32
        %jit3A_500 = arith.constant 0.000000e+00 : f32
        %broadcast_in_dim3A_501 = vector.broadcast %jit3A_499 : f32 to vector<16xf32>
        %broadcast_in_dim3A_502 = vector.broadcast %jit3A_500 : f32 to vector<16xf32>
        %select_n3A_503 = arith.select %eq3A_498, %broadcast_in_dim3A_501, %broadcast_in_dim3A_502 : vector<16xi1>, vector<16xf32>
        %mul3A_504 = arith.constant 16 : i32
        %mul3A_505 = arith.muli %scan3A_174, %mul3A_504 : i32
        %add3A_506 = arith.constant 13 : i32
        %add3A_507 = arith.addi %mul3A_505, %add3A_506 : i32
        %swap3A_508 = arith.index_cast %add3A_507 : i32 to index
        %swap3A_509 = arith.index_cast %mul3A_494 : i32 to index
        %swap3A_510 = tpu.vector_load %arg17[%swap3A_508, %swap3A_509] {strides = array<i32>} : memref<64x128xf32, #tpu.memory_space<vmem>>, vector<1x16xf32>,
        %swap3A_511 = vector.shape_cast %swap3A_510 : vector<1x16xf32> to vector<16xf32>
        %swap3A_512 = vector.shape_cast %select_n3A_503 : vector<16xf32> to vector<1x16xf32>
        tpu.vector_store %arg17[%swap3A_508, %swap3A_509], %swap3A_512 {strides = array<i32>} : memref<64x128xf32, #tpu.memory_space<vmem>>, vector<1x16xf32>,
        %slice3A_513 = vector.extract_strided_slice %and3A_183 {offsets = [14], sizes = [1], strides = [1]} : vector<16xi32> to vector<1xi32>
        %squeeze3A_514 = vector.extract %slice3A_513[0] : i32 from vector<1xi32>
        %shift_right_logical3A_515 = arith.constant 4 : i32
        %shift_right_logical3A_516 = arith.shrui %squeeze3A_514, %shift_right_logical3A_515 : i32
        %mul3A_517 = arith.constant 16 : i32
        %mul3A_518 = arith.muli %shift_right_logical3A_516, %mul3A_517 : i32
        %and3A_519 = arith.constant 15 : i32
        %and3A_520 = arith.andi %squeeze3A_514, %and3A_519 : i32
        %eq3A_521 = vector.broadcast %and3A_520 : i32 to vector<16xi32>
        %eq3A_522 = arith.cmpi eq, %iota3A, %eq3A_521 : vector<16xi32>
        %jit3A_523 = arith.constant 1.000000e+00 : f32
        %jit3A_524 = arith.constant 0.000000e+00 : f32
        %broadcast_in_dim3A_525 = vector.broadcast %jit3A_523 : f32 to vector<16xf32>
        %broadcast_in_dim3A_526 = vector.broadcast %jit3A_524 : f32 to vector<16xf32>
        %select_n3A_527 = arith.select %eq3A_522, %broadcast_in_dim3A_525, %broadcast_in_dim3A_526 : vector<16xi1>, vector<16xf32>
        %mul3A_528 = arith.constant 16 : i32
        %mul3A_529 = arith.muli %scan3A_174, %mul3A_528 : i32
        %add3A_530 = arith.constant 14 : i32
        %add3A_531 = arith.addi %mul3A_529, %add3A_530 : i32
        %swap3A_532 = arith.index_cast %add3A_531 : i32 to index
        %swap3A_533 = arith.index_cast %mul3A_518 : i32 to index
        %swap3A_534 = tpu.vector_load %arg17[%swap3A_532, %swap3A_533] {strides = array<i32>} : memref<64x128xf32, #tpu.memory_space<vmem>>, vector<1x16xf32>,
        %swap3A_535 = vector.shape_cast %swap3A_534 : vector<1x16xf32> to vector<16xf32>
        %swap3A_536 = vector.shape_cast %select_n3A_527 : vector<16xf32> to vector<1x16xf32>
        tpu.vector_store %arg17[%swap3A_532, %swap3A_533], %swap3A_536 {strides = array<i32>} : memref<64x128xf32, #tpu.memory_space<vmem>>, vector<1x16xf32>,
        %slice3A_537 = vector.extract_strided_slice %and3A_183 {offsets = [15], sizes = [1], strides = [1]} : vector<16xi32> to vector<1xi32>
        %squeeze3A_538 = vector.extract %slice3A_537[0] : i32 from vector<1xi32>
        %shift_right_logical3A_539 = arith.constant 4 : i32
        %shift_right_logical3A_540 = arith.shrui %squeeze3A_538, %shift_right_logical3A_539 : i32
        %mul3A_541 = arith.constant 16 : i32
        %mul3A_542 = arith.muli %shift_right_logical3A_540, %mul3A_541 : i32
        %and3A_543 = arith.constant 15 : i32
        %and3A_544 = arith.andi %squeeze3A_538, %and3A_543 : i32
        %eq3A_545 = vector.broadcast %and3A_544 : i32 to vector<16xi32>
        %eq3A_546 = arith.cmpi eq, %iota3A, %eq3A_545 : vector<16xi32>
        %jit3A_547 = arith.constant 1.000000e+00 : f32
        %jit3A_548 = arith.constant 0.000000e+00 : f32
        %broadcast_in_dim3A_549 = vector.broadcast %jit3A_547 : f32 to vector<16xf32>
        %broadcast_in_dim3A_550 = vector.broadcast %jit3A_548 : f32 to vector<16xf32>
        %select_n3A_551 = arith.select %eq3A_546, %broadcast_in_dim3A_549, %broadcast_in_dim3A_550 : vector<16xi1>, vector<16xf32>
        %mul3A_552 = arith.constant 16 : i32
        %mul3A_553 = arith.muli %scan3A_174, %mul3A_552 : i32
        %add3A_554 = arith.constant 15 : i32
        %add3A_555 = arith.addi %mul3A_553, %add3A_554 : i32
        %swap3A_556 = arith.index_cast %add3A_555 : i32 to index
        %swap3A_557 = arith.index_cast %mul3A_542 : i32 to index
        %swap3A_558 = tpu.vector_load %arg17[%swap3A_556, %swap3A_557] {strides = array<i32>} : memref<64x128xf32, #tpu.memory_space<vmem>>, vector<1x16xf32>,
        %swap3A_559 = vector.shape_cast %swap3A_558 : vector<1x16xf32> to vector<16xf32>
        %swap3A_560 = vector.shape_cast %select_n3A_551 : vector<16xf32> to vector<1x16xf32>
        tpu.vector_store %arg17[%swap3A_556, %swap3A_557], %swap3A_560 {strides = array<i32>} : memref<64x128xf32, #tpu.memory_space<vmem>>, vector<1x16xf32>,
        %scan3A_561 = arith.constant 0 : i32
        scf.yield %scan3A_561 : i32
      }
      %scan3A_150 = arith.constant 4 : i32
      %dma_wait3A_151 = arith.constant 0 : i32
      %dma_wait3A_152 = arith.constant 0 : i32
      %dma_wait3A_153 = tpu.memref_slice %arg16[%dma_wait3A_151, %dma_wait3A_152] : memref<128x128xf32, #tpu.memory_space<vmem>> -> memref<64x128xf32, #tpu.memory_space<vmem>>
      %dma_wait3A_154 = arith.constant 0 : i32
      %dma_wait3A_155 = arith.constant 0 : i32
      %dma_wait3A_156 = tpu.memref_slice %arg2[%dma_wait3A_154, %dma_wait3A_155] : memref<92160x128xf32, #tpu.memory_space<hbm>> -> memref<92160x128xf32, #tpu.memory_space<hbm>>
      tpu.wait_indirect_dma semaphore(%arg21 : memref<!tpu.dma_semaphore, #tpu.memory_space<semaphore_mem>>) src(%dma_wait3A_156 : memref<92160x128xf32, #tpu.memory_space<hbm>>) dst(%dma_wait3A_153 : memref<64x128xf32, #tpu.memory_space<vmem>>)
      %scan3A_157 = arith.constant 0 : i32
      %scan3A_158 = arith.constant 0 : i32
      %scan3A_159 = arith.constant 64 : i32
      %scan3A_160 = arith.addi %scan3A_158, %scan3A_159 : i32
      %scan3A_161 = arith.constant 1 : i32
      %scan3A_162 = scf.for %scan3A_174 = %scan3A_158 to %scan3A_160 step %scan3A_161 iter_args(%scan3A_175 = %scan3A_157) -> (i32)  : i32 {
        %get3A = arith.index_cast %scan3A_174 : i32 to index
        %get3A_176 = arith.constant 0 : index
        %get3A_177 = tpu.vector_load %arg16[%get3A, %get3A_176] {strides = array<i32>} : memref<128x128xf32, #tpu.memory_space<vmem>>, vector<1x16xf32>,
        %get3A_178 = vector.shape_cast %get3A_177 : vector<1x16xf32> to vector<16xf32>
        %neg3A = arith.constant 0.000000e+00 : f32
        %neg3A_179 = vector.broadcast %neg3A : f32 to vector<16xf32>
        %neg3A_180 = arith.subf %neg3A_179, %get3A_178 : vector<16xf32>
        %exp3A = math.exp %neg3A_180 : vector<16xf32>
        %add3A_181 = arith.constant 1.000000e+00 : f32
        %add3A_182 = vector.broadcast %add3A_181 : f32 to vector<16xf32>
        %add3A_183 = arith.addf %add3A_182, %exp3A : vector<16xf32>
        %div3A = arith.constant 1.000000e+00 : f32
        %div3A_184 = vector.broadcast %div3A : f32 to vector<16xf32>
        %div3A_185 = arith.divf %div3A_184, %add3A_183 : vector<16xf32>
        %add3A_186 = arith.constant 64 : i32
        %add3A_187 = arith.addi %add3A_186, %scan3A_174 : i32
        %get3A_188 = arith.index_cast %add3A_187 : i32 to index
        %get3A_189 = arith.constant 0 : index
        %get3A_190 = tpu.vector_load %arg16[%get3A_188, %get3A_189] {strides = array<i32>} : memref<128x128xf32, #tpu.memory_space<vmem>>, vector<1x16xf32>,
        %get3A_191 = vector.shape_cast %get3A_190 : vector<1x16xf32> to vector<16xf32>
        %mul3A_192 = arith.mulf %get3A_191, %div3A_185 : vector<16xf32>
        %add3A_193 = arith.constant 64 : i32
        %add3A_194 = arith.addi %add3A_193, %scan3A_174 : i32
        %swap3A = arith.index_cast %add3A_194 : i32 to index
        %swap3A_195 = arith.constant 0 : index
        %swap3A_196 = tpu.vector_load %arg16[%swap3A, %swap3A_195] {strides = array<i32>} : memref<128x128xf32, #tpu.memory_space<vmem>>, vector<1x16xf32>,
        %swap3A_197 = vector.shape_cast %swap3A_196 : vector<1x16xf32> to vector<16xf32>
        %swap3A_198 = vector.shape_cast %mul3A_192 : vector<16xf32> to vector<1x16xf32>
        tpu.vector_store %arg16[%swap3A, %swap3A_195], %swap3A_198 {strides = array<i32>} : memref<128x128xf32, #tpu.memory_space<vmem>>, vector<1x16xf32>,
        %get3A_199 = arith.index_cast %scan3A_174 : i32 to index
        %get3A_200 = arith.constant 16 : index
        %get3A_201 = tpu.vector_load %arg16[%get3A_199, %get3A_200] {strides = array<i32>} : memref<128x128xf32, #tpu.memory_space<vmem>>, vector<1x16xf32>,
        %get3A_202 = vector.shape_cast %get3A_201 : vector<1x16xf32> to vector<16xf32>
        %neg3A_203 = arith.constant 0.000000e+00 : f32
        %neg3A_204 = vector.broadcast %neg3A_203 : f32 to vector<16xf32>
        %neg3A_205 = arith.subf %neg3A_204, %get3A_202 : vector<16xf32>
        %exp3A_206 = math.exp %neg3A_205 : vector<16xf32>
        %add3A_207 = arith.constant 1.000000e+00 : f32
        %add3A_208 = vector.broadcast %add3A_207 : f32 to vector<16xf32>
        %add3A_209 = arith.addf %add3A_208, %exp3A_206 : vector<16xf32>
        %div3A_210 = arith.constant 1.000000e+00 : f32
        %div3A_211 = vector.broadcast %div3A_210 : f32 to vector<16xf32>
        %div3A_212 = arith.divf %div3A_211, %add3A_209 : vector<16xf32>
        %add3A_213 = arith.constant 64 : i32
        %add3A_214 = arith.addi %add3A_213, %scan3A_174 : i32
        %get3A_215 = arith.index_cast %add3A_214 : i32 to index
        %get3A_216 = arith.constant 16 : index
        %get3A_217 = tpu.vector_load %arg16[%get3A_215, %get3A_216] {strides = array<i32>} : memref<128x128xf32, #tpu.memory_space<vmem>>, vector<1x16xf32>,
        %get3A_218 = vector.shape_cast %get3A_217 : vector<1x16xf32> to vector<16xf32>
        %mul3A_219 = arith.mulf %get3A_218, %div3A_212 : vector<16xf32>
        %add3A_220 = arith.constant 64 : i32
        %add3A_221 = arith.addi %add3A_220, %scan3A_174 : i32
        %swap3A_222 = arith.index_cast %add3A_221 : i32 to index
        %swap3A_223 = arith.constant 16 : index
        %swap3A_224 = tpu.vector_load %arg16[%swap3A_222, %swap3A_223] {strides = array<i32>} : memref<128x128xf32, #tpu.memory_space<vmem>>, vector<1x16xf32>,
        %swap3A_225 = vector.shape_cast %swap3A_224 : vector<1x16xf32> to vector<16xf32>
        %swap3A_226 = vector.shape_cast %mul3A_219 : vector<16xf32> to vector<1x16xf32>
        tpu.vector_store %arg16[%swap3A_222, %swap3A_223], %swap3A_226 {strides = array<i32>} : memref<128x128xf32, #tpu.memory_space<vmem>>, vector<1x16xf32>,
        %get3A_227 = arith.index_cast %scan3A_174 : i32 to index
        %get3A_228 = arith.constant 32 : index
        %get3A_229 = tpu.vector_load %arg16[%get3A_227, %get3A_228] {strides = array<i32>} : memref<128x128xf32, #tpu.memory_space<vmem>>, vector<1x16xf32>,
        %get3A_230 = vector.shape_cast %get3A_229 : vector<1x16xf32> to vector<16xf32>
        %neg3A_231 = arith.constant 0.000000e+00 : f32
        %neg3A_232 = vector.broadcast %neg3A_231 : f32 to vector<16xf32>
        %neg3A_233 = arith.subf %neg3A_232, %get3A_230 : vector<16xf32>
        %exp3A_234 = math.exp %neg3A_233 : vector<16xf32>
        %add3A_235 = arith.constant 1.000000e+00 : f32
        %add3A_236 = vector.broadcast %add3A_235 : f32 to vector<16xf32>
        %add3A_237 = arith.addf %add3A_236, %exp3A_234 : vector<16xf32>
        %div3A_238 = arith.constant 1.000000e+00 : f32
        %div3A_239 = vector.broadcast %div3A_238 : f32 to vector<16xf32>
        %div3A_240 = arith.divf %div3A_239, %add3A_237 : vector<16xf32>
        %add3A_241 = arith.constant 64 : i32
        %add3A_242 = arith.addi %add3A_241, %scan3A_174 : i32
        %get3A_243 = arith.index_cast %add3A_242 : i32 to index
        %get3A_244 = arith.constant 32 : index
        %get3A_245 = tpu.vector_load %arg16[%get3A_243, %get3A_244] {strides = array<i32>} : memref<128x128xf32, #tpu.memory_space<vmem>>, vector<1x16xf32>,
        %get3A_246 = vector.shape_cast %get3A_245 : vector<1x16xf32> to vector<16xf32>
        %mul3A_247 = arith.mulf %get3A_246, %div3A_240 : vector<16xf32>
        %add3A_248 = arith.constant 64 : i32
        %add3A_249 = arith.addi %add3A_248, %scan3A_174 : i32
        %swap3A_250 = arith.index_cast %add3A_249 : i32 to index
        %swap3A_251 = arith.constant 32 : index
        %swap3A_252 = tpu.vector_load %arg16[%swap3A_250, %swap3A_251] {strides = array<i32>} : memref<128x128xf32, #tpu.memory_space<vmem>>, vector<1x16xf32>,
        %swap3A_253 = vector.shape_cast %swap3A_252 : vector<1x16xf32> to vector<16xf32>
        %swap3A_254 = vector.shape_cast %mul3A_247 : vector<16xf32> to vector<1x16xf32>
        tpu.vector_store %arg16[%swap3A_250, %swap3A_251], %swap3A_254 {strides = array<i32>} : memref<128x128xf32, #tpu.memory_space<vmem>>, vector<1x16xf32>,
        %get3A_255 = arith.index_cast %scan3A_174 : i32 to index
        %get3A_256 = arith.constant 48 : index
        %get3A_257 = tpu.vector_load %arg16[%get3A_255, %get3A_256] {strides = array<i32>} : memref<128x128xf32, #tpu.memory_space<vmem>>, vector<1x16xf32>,
        %get3A_258 = vector.shape_cast %get3A_257 : vector<1x16xf32> to vector<16xf32>
        %neg3A_259 = arith.constant 0.000000e+00 : f32
        %neg3A_260 = vector.broadcast %neg3A_259 : f32 to vector<16xf32>
        %neg3A_261 = arith.subf %neg3A_260, %get3A_258 : vector<16xf32>
        %exp3A_262 = math.exp %neg3A_261 : vector<16xf32>
        %add3A_263 = arith.constant 1.000000e+00 : f32
        %add3A_264 = vector.broadcast %add3A_263 : f32 to vector<16xf32>
        %add3A_265 = arith.addf %add3A_264, %exp3A_262 : vector<16xf32>
        %div3A_266 = arith.constant 1.000000e+00 : f32
        %div3A_267 = vector.broadcast %div3A_266 : f32 to vector<16xf32>
        %div3A_268 = arith.divf %div3A_267, %add3A_265 : vector<16xf32>
        %add3A_269 = arith.constant 64 : i32
        %add3A_270 = arith.addi %add3A_269, %scan3A_174 : i32
        %get3A_271 = arith.index_cast %add3A_270 : i32 to index
        %get3A_272 = arith.constant 48 : index
        %get3A_273 = tpu.vector_load %arg16[%get3A_271, %get3A_272] {strides = array<i32>} : memref<128x128xf32, #tpu.memory_space<vmem>>, vector<1x16xf32>,
        %get3A_274 = vector.shape_cast %get3A_273 : vector<1x16xf32> to vector<16xf32>
        %mul3A_275 = arith.mulf %get3A_274, %div3A_268 : vector<16xf32>
        %add3A_276 = arith.constant 64 : i32
        %add3A_277 = arith.addi %add3A_276, %scan3A_174 : i32
        %swap3A_278 = arith.index_cast %add3A_277 : i32 to index
        %swap3A_279 = arith.constant 48 : index
        %swap3A_280 = tpu.vector_load %arg16[%swap3A_278, %swap3A_279] {strides = array<i32>} : memref<128x128xf32, #tpu.memory_space<vmem>>, vector<1x16xf32>,
        %swap3A_281 = vector.shape_cast %swap3A_280 : vector<1x16xf32> to vector<16xf32>
        %swap3A_282 = vector.shape_cast %mul3A_275 : vector<16xf32> to vector<1x16xf32>
        tpu.vector_store %arg16[%swap3A_278, %swap3A_279], %swap3A_282 {strides = array<i32>} : memref<128x128xf32, #tpu.memory_space<vmem>>, vector<1x16xf32>,
        %get3A_283 = arith.index_cast %scan3A_174 : i32 to index
        %get3A_284 = arith.constant 64 : index
        %get3A_285 = tpu.vector_load %arg16[%get3A_283, %get3A_284] {strides = array<i32>} : memref<128x128xf32, #tpu.memory_space<vmem>>, vector<1x16xf32>,
        %get3A_286 = vector.shape_cast %get3A_285 : vector<1x16xf32> to vector<16xf32>
        %neg3A_287 = arith.constant 0.000000e+00 : f32
        %neg3A_288 = vector.broadcast %neg3A_287 : f32 to vector<16xf32>
        %neg3A_289 = arith.subf %neg3A_288, %get3A_286 : vector<16xf32>
        %exp3A_290 = math.exp %neg3A_289 : vector<16xf32>
        %add3A_291 = arith.constant 1.000000e+00 : f32
        %add3A_292 = vector.broadcast %add3A_291 : f32 to vector<16xf32>
        %add3A_293 = arith.addf %add3A_292, %exp3A_290 : vector<16xf32>
        %div3A_294 = arith.constant 1.000000e+00 : f32
        %div3A_295 = vector.broadcast %div3A_294 : f32 to vector<16xf32>
        %div3A_296 = arith.divf %div3A_295, %add3A_293 : vector<16xf32>
        %add3A_297 = arith.constant 64 : i32
        %add3A_298 = arith.addi %add3A_297, %scan3A_174 : i32
        %get3A_299 = arith.index_cast %add3A_298 : i32 to index
        %get3A_300 = arith.constant 64 : index
        %get3A_301 = tpu.vector_load %arg16[%get3A_299, %get3A_300] {strides = array<i32>} : memref<128x128xf32, #tpu.memory_space<vmem>>, vector<1x16xf32>,
        %get3A_302 = vector.shape_cast %get3A_301 : vector<1x16xf32> to vector<16xf32>
        %mul3A_303 = arith.mulf %get3A_302, %div3A_296 : vector<16xf32>
        %add3A_304 = arith.constant 64 : i32
        %add3A_305 = arith.addi %add3A_304, %scan3A_174 : i32
        %swap3A_306 = arith.index_cast %add3A_305 : i32 to index
        %swap3A_307 = arith.constant 64 : index
        %swap3A_308 = tpu.vector_load %arg16[%swap3A_306, %swap3A_307] {strides = array<i32>} : memref<128x128xf32, #tpu.memory_space<vmem>>, vector<1x16xf32>,
        %swap3A_309 = vector.shape_cast %swap3A_308 : vector<1x16xf32> to vector<16xf32>
        %swap3A_310 = vector.shape_cast %mul3A_303 : vector<16xf32> to vector<1x16xf32>
        tpu.vector_store %arg16[%swap3A_306, %swap3A_307], %swap3A_310 {strides = array<i32>} : memref<128x128xf32, #tpu.memory_space<vmem>>, vector<1x16xf32>,
        %get3A_311 = arith.index_cast %scan3A_174 : i32 to index
        %get3A_312 = arith.constant 80 : index
        %get3A_313 = tpu.vector_load %arg16[%get3A_311, %get3A_312] {strides = array<i32>} : memref<128x128xf32, #tpu.memory_space<vmem>>, vector<1x16xf32>,
        %get3A_314 = vector.shape_cast %get3A_313 : vector<1x16xf32> to vector<16xf32>
        %neg3A_315 = arith.constant 0.000000e+00 : f32
        %neg3A_316 = vector.broadcast %neg3A_315 : f32 to vector<16xf32>
        %neg3A_317 = arith.subf %neg3A_316, %get3A_314 : vector<16xf32>
        %exp3A_318 = math.exp %neg3A_317 : vector<16xf32>
        %add3A_319 = arith.constant 1.000000e+00 : f32
        %add3A_320 = vector.broadcast %add3A_319 : f32 to vector<16xf32>
        %add3A_321 = arith.addf %add3A_320, %exp3A_318 : vector<16xf32>
        %div3A_322 = arith.constant 1.000000e+00 : f32
        %div3A_323 = vector.broadcast %div3A_322 : f32 to vector<16xf32>
        %div3A_324 = arith.divf %div3A_323, %add3A_321 : vector<16xf32>
        %add3A_325 = arith.constant 64 : i32
        %add3A_326 = arith.addi %add3A_325, %scan3A_174 : i32
        %get3A_327 = arith.index_cast %add3A_326 : i32 to index
        %get3A_328 = arith.constant 80 : index
        %get3A_329 = tpu.vector_load %arg16[%get3A_327, %get3A_328] {strides = array<i32>} : memref<128x128xf32, #tpu.memory_space<vmem>>, vector<1x16xf32>,
        %get3A_330 = vector.shape_cast %get3A_329 : vector<1x16xf32> to vector<16xf32>
        %mul3A_331 = arith.mulf %get3A_330, %div3A_324 : vector<16xf32>
        %add3A_332 = arith.constant 64 : i32
        %add3A_333 = arith.addi %add3A_332, %scan3A_174 : i32
        %swap3A_334 = arith.index_cast %add3A_333 : i32 to index
        %swap3A_335 = arith.constant 80 : index
        %swap3A_336 = tpu.vector_load %arg16[%swap3A_334, %swap3A_335] {strides = array<i32>} : memref<128x128xf32, #tpu.memory_space<vmem>>, vector<1x16xf32>,
        %swap3A_337 = vector.shape_cast %swap3A_336 : vector<1x16xf32> to vector<16xf32>
        %swap3A_338 = vector.shape_cast %mul3A_331 : vector<16xf32> to vector<1x16xf32>
        tpu.vector_store %arg16[%swap3A_334, %swap3A_335], %swap3A_338 {strides = array<i32>} : memref<128x128xf32, #tpu.memory_space<vmem>>, vector<1x16xf32>,
        %get3A_339 = arith.index_cast %scan3A_174 : i32 to index
        %get3A_340 = arith.constant 96 : index
        %get3A_341 = tpu.vector_load %arg16[%get3A_339, %get3A_340] {strides = array<i32>} : memref<128x128xf32, #tpu.memory_space<vmem>>, vector<1x16xf32>,
        %get3A_342 = vector.shape_cast %get3A_341 : vector<1x16xf32> to vector<16xf32>
        %neg3A_343 = arith.constant 0.000000e+00 : f32
        %neg3A_344 = vector.broadcast %neg3A_343 : f32 to vector<16xf32>
        %neg3A_345 = arith.subf %neg3A_344, %get3A_342 : vector<16xf32>
        %exp3A_346 = math.exp %neg3A_345 : vector<16xf32>
        %add3A_347 = arith.constant 1.000000e+00 : f32
        %add3A_348 = vector.broadcast %add3A_347 : f32 to vector<16xf32>
        %add3A_349 = arith.addf %add3A_348, %exp3A_346 : vector<16xf32>
        %div3A_350 = arith.constant 1.000000e+00 : f32
        %div3A_351 = vector.broadcast %div3A_350 : f32 to vector<16xf32>
        %div3A_352 = arith.divf %div3A_351, %add3A_349 : vector<16xf32>
        %add3A_353 = arith.constant 64 : i32
        %add3A_354 = arith.addi %add3A_353, %scan3A_174 : i32
        %get3A_355 = arith.index_cast %add3A_354 : i32 to index
        %get3A_356 = arith.constant 96 : index
        %get3A_357 = tpu.vector_load %arg16[%get3A_355, %get3A_356] {strides = array<i32>} : memref<128x128xf32, #tpu.memory_space<vmem>>, vector<1x16xf32>,
        %get3A_358 = vector.shape_cast %get3A_357 : vector<1x16xf32> to vector<16xf32>
        %mul3A_359 = arith.mulf %get3A_358, %div3A_352 : vector<16xf32>
        %add3A_360 = arith.constant 64 : i32
        %add3A_361 = arith.addi %add3A_360, %scan3A_174 : i32
        %swap3A_362 = arith.index_cast %add3A_361 : i32 to index
        %swap3A_363 = arith.constant 96 : index
        %swap3A_364 = tpu.vector_load %arg16[%swap3A_362, %swap3A_363] {strides = array<i32>} : memref<128x128xf32, #tpu.memory_space<vmem>>, vector<1x16xf32>,
        %swap3A_365 = vector.shape_cast %swap3A_364 : vector<1x16xf32> to vector<16xf32>
        %swap3A_366 = vector.shape_cast %mul3A_359 : vector<16xf32> to vector<1x16xf32>
        tpu.vector_store %arg16[%swap3A_362, %swap3A_363], %swap3A_366 {strides = array<i32>} : memref<128x128xf32, #tpu.memory_space<vmem>>, vector<1x16xf32>,
        %get3A_367 = arith.index_cast %scan3A_174 : i32 to index
        %get3A_368 = arith.constant 112 : index
        %get3A_369 = tpu.vector_load %arg16[%get3A_367, %get3A_368] {strides = array<i32>} : memref<128x128xf32, #tpu.memory_space<vmem>>, vector<1x16xf32>,
        %get3A_370 = vector.shape_cast %get3A_369 : vector<1x16xf32> to vector<16xf32>
        %neg3A_371 = arith.constant 0.000000e+00 : f32
        %neg3A_372 = vector.broadcast %neg3A_371 : f32 to vector<16xf32>
        %neg3A_373 = arith.subf %neg3A_372, %get3A_370 : vector<16xf32>
        %exp3A_374 = math.exp %neg3A_373 : vector<16xf32>
        %add3A_375 = arith.constant 1.000000e+00 : f32
        %add3A_376 = vector.broadcast %add3A_375 : f32 to vector<16xf32>
        %add3A_377 = arith.addf %add3A_376, %exp3A_374 : vector<16xf32>
        %div3A_378 = arith.constant 1.000000e+00 : f32
        %div3A_379 = vector.broadcast %div3A_378 : f32 to vector<16xf32>
        %div3A_380 = arith.divf %div3A_379, %add3A_377 : vector<16xf32>
        %add3A_381 = arith.constant 64 : i32
        %add3A_382 = arith.addi %add3A_381, %scan3A_174 : i32
        %get3A_383 = arith.index_cast %add3A_382 : i32 to index
        %get3A_384 = arith.constant 112 : index
        %get3A_385 = tpu.vector_load %arg16[%get3A_383, %get3A_384] {strides = array<i32>} : memref<128x128xf32, #tpu.memory_space<vmem>>, vector<1x16xf32>,
        %get3A_386 = vector.shape_cast %get3A_385 : vector<1x16xf32> to vector<16xf32>
        %mul3A_387 = arith.mulf %get3A_386, %div3A_380 : vector<16xf32>
        %add3A_388 = arith.constant 64 : i32
        %add3A_389 = arith.addi %add3A_388, %scan3A_174 : i32
        %swap3A_390 = arith.index_cast %add3A_389 : i32 to index
        %swap3A_391 = arith.constant 112 : index
        %swap3A_392 = tpu.vector_load %arg16[%swap3A_390, %swap3A_391] {strides = array<i32>} : memref<128x128xf32, #tpu.memory_space<vmem>>, vector<1x16xf32>,
        %swap3A_393 = vector.shape_cast %swap3A_392 : vector<1x16xf32> to vector<16xf32>
        %swap3A_394 = vector.shape_cast %mul3A_387 : vector<16xf32> to vector<1x16xf32>
        tpu.vector_store %arg16[%swap3A_390, %swap3A_391], %swap3A_394 {strides = array<i32>} : memref<128x128xf32, #tpu.memory_space<vmem>>, vector<1x16xf32>,
        %scan3A_395 = arith.constant 0 : i32
        scf.yield %scan3A_395 : i32
      }
      %scan3A_163 = arith.constant 64 : i32
      %dma_start3A_164 = arith.constant 64 : i32
      %dma_start3A_165 = arith.constant 0 : i32
      %dma_start3A_166 = tpu.memref_slice %arg16[%dma_start3A_164, %dma_start3A_165] : memref<128x128xf32, #tpu.memory_space<vmem>> -> memref<64x128xf32, #tpu.memory_space<vmem>>
      %dma_start3A_167 = arith.constant 0 : i32
      %dma_start3A_168 = arith.constant 0 : i32
      %dma_start3A_169 = tpu.memref_slice %arg19[%dma_start3A_167, %dma_start3A_168] : memref<10368x128xf32, #tpu.memory_space<vmem_shared>> -> memref<10368x128xf32, #tpu.memory_space<vmem_shared>>
      tpu.enqueue_indirect_dma source(%dma_start3A_166 : memref<64x128xf32, #tpu.memory_space<vmem>>) target(%dma_start3A_169 : memref<10368x128xf32, #tpu.memory_space<vmem_shared>>) offsets(%arg12 : memref<64xi32, #tpu.memory_space<vmem>>) semaphore(%arg22 : memref<!tpu.dma_semaphore, #tpu.memory_space<semaphore_mem>>) {add = true}
      %dma_start3A_170 = arith.constant 0 : i32
      %dma_start3A_171 = arith.constant 0 : i32
      %dma_start3A_172 = tpu.memref_slice %arg19[%dma_start3A_170, %dma_start3A_171] : memref<10368x128xf32, #tpu.memory_space<vmem_shared>> -> memref<10368x128xf32, #tpu.memory_space<vmem_shared>>
      tpu.enqueue_indirect_dma source(%arg17 : memref<64x128xf32, #tpu.memory_space<vmem>>) target(%dma_start3A_172 : memref<10368x128xf32, #tpu.memory_space<vmem_shared>>) offsets(%arg14 : memref<64xi32, #tpu.memory_space<vmem>>) semaphore(%arg23 : memref<!tpu.dma_semaphore, #tpu.memory_space<semaphore_mem>>) {add = true}
      %scan3A_173 = arith.constant 0 : i32
      scf.yield %scan3A_173 : i32
    }
    %scan3A_43 = arith.constant 40 : i32
    %dma_wait3A = arith.constant 64 : i32
    %dma_wait3A_44 = arith.constant 0 : i32
    %dma_wait3A_45 = tpu.memref_slice %arg15[%dma_wait3A, %dma_wait3A_44] : memref<128x128xf32, #tpu.memory_space<vmem>> -> memref<64x128xf32, #tpu.memory_space<vmem>>
    %dma_wait3A_46 = arith.constant 0 : i32
    %dma_wait3A_47 = arith.constant 0 : i32
    %dma_wait3A_48 = tpu.memref_slice %arg19[%dma_wait3A_46, %dma_wait3A_47] : memref<10368x128xf32, #tpu.memory_space<vmem_shared>> -> memref<10368x128xf32, #tpu.memory_space<vmem_shared>>
    tpu.wait_indirect_dma semaphore(%arg22 : memref<!tpu.dma_semaphore, #tpu.memory_space<semaphore_mem>>) src(%dma_wait3A_45 : memref<64x128xf32, #tpu.memory_space<vmem>>) dst(%dma_wait3A_48 : memref<10368x128xf32, #tpu.memory_space<vmem_shared>>)
    %dma_wait3A_49 = arith.constant 64 : i32
    %dma_wait3A_50 = arith.constant 0 : i32
    %dma_wait3A_51 = tpu.memref_slice %arg16[%dma_wait3A_49, %dma_wait3A_50] : memref<128x128xf32, #tpu.memory_space<vmem>> -> memref<64x128xf32, #tpu.memory_space<vmem>>
    %dma_wait3A_52 = arith.constant 0 : i32
    %dma_wait3A_53 = arith.constant 0 : i32
    %dma_wait3A_54 = tpu.memref_slice %arg19[%dma_wait3A_52, %dma_wait3A_53] : memref<10368x128xf32, #tpu.memory_space<vmem_shared>> -> memref<10368x128xf32, #tpu.memory_space<vmem_shared>>
    tpu.wait_indirect_dma semaphore(%arg22 : memref<!tpu.dma_semaphore, #tpu.memory_space<semaphore_mem>>) src(%dma_wait3A_51 : memref<64x128xf32, #tpu.memory_space<vmem>>) dst(%dma_wait3A_54 : memref<10368x128xf32, #tpu.memory_space<vmem_shared>>)
    %dma_wait3A_55 = arith.constant 0 : i32
    %dma_wait3A_56 = arith.constant 0 : i32
    %dma_wait3A_57 = tpu.memref_slice %arg19[%dma_wait3A_55, %dma_wait3A_56] : memref<10368x128xf32, #tpu.memory_space<vmem_shared>> -> memref<10368x128xf32, #tpu.memory_space<vmem_shared>>
    tpu.wait_indirect_dma semaphore(%arg23 : memref<!tpu.dma_semaphore, #tpu.memory_space<semaphore_mem>>) src(%arg17 : memref<64x128xf32, #tpu.memory_space<vmem>>) dst(%dma_wait3A_57 : memref<10368x128xf32, #tpu.memory_space<vmem_shared>>)
    %barrier3A_58 = arith.constant 0 : index
    tpu.barrier barrier_id(%barrier3A_58)
    %scan3A_59 = arith.constant 0 : i32
    %scan3A_60 = arith.constant 0 : i32
    %scan3A_61 = arith.constant 27 : i32
    %scan3A_62 = arith.addi %scan3A_60, %scan3A_61 : i32
    %scan3A_63 = arith.constant 1 : i32
    %scan3A_64 = scf.for %scan3A_66 = %scan3A_60 to %scan3A_62 step %scan3A_63 iter_args(%scan3A_67 = %scan3A_59) -> (i32)  : i32 {
      %mul3A_68 = arith.constant 24 : i32
      %mul3A_69 = arith.muli %scan3A_66, %mul3A_68 : i32
      %add3A_70 = arith.addi %mul3A_16, %mul3A_69 : i32
      "tpu.region"() ({
        %run_scoped3A = tpu.sem_alloc : memref<!tpu.dma_semaphore, #tpu.memory_space<semaphore_mem>>
        %dma_start3A_72 = arith.constant 0 : i32
        %dma_start3A_73 = tpu.memref_slice %arg19[%add3A_70, %dma_start3A_72] : memref<10368x128xf32, #tpu.memory_space<vmem_shared>> -> memref<24x128xf32, #tpu.memory_space<vmem_shared>>
        %dma_start3A_74 = arith.constant 0 : i32
        %dma_start3A_75 = tpu.memref_slice %arg19[%add3A_70, %dma_start3A_74] : memref<10368x128xf32, #tpu.memory_space<vmem_shared>> -> memref<24x128xf32, #tpu.memory_space<vmem_shared>>
        tpu.enqueue_dma source(%dma_start3A_75 : memref<24x128xf32, #tpu.memory_space<vmem_shared>>) target(%arg18 : memref<24x128xf32, #tpu.memory_space<vmem>>) target_semaphore(%run_scoped3A : memref<!tpu.dma_semaphore, #tpu.memory_space<semaphore_mem>>)
        %dma_wait3A_76 = arith.constant 0 : i32
        %dma_wait3A_77 = tpu.memref_slice %arg19[%add3A_70, %dma_wait3A_76] : memref<10368x128xf32, #tpu.memory_space<vmem_shared>> -> memref<24x128xf32, #tpu.memory_space<vmem_shared>>
        %dma_wait3A_78 = arith.constant 0 : i32
        %dma_wait3A_79 = tpu.memref_slice %arg19[%add3A_70, %dma_wait3A_78] : memref<10368x128xf32, #tpu.memory_space<vmem_shared>> -> memref<24x128xf32, #tpu.memory_space<vmem_shared>>
        tpu.wait_dma2 semaphore(%run_scoped3A : memref<!tpu.dma_semaphore, #tpu.memory_space<semaphore_mem>>) src(%dma_wait3A_79 : memref<24x128xf32, #tpu.memory_space<vmem_shared>>) dst(%arg18 : memref<24x128xf32, #tpu.memory_space<vmem>>)
        tpu.yield
      }) : () -> ()
      "tpu.region"() ({
        %run_scoped3A = tpu.sem_alloc : memref<!tpu.dma_semaphore, #tpu.memory_space<semaphore_mem>>
        %dma_start3A_72 = arith.constant 0 : i32
        %dma_start3A_73 = tpu.memref_slice %arg4[%arg0, %add3A_70, %dma_start3A_72] : memref<2x10368x128xf32, #tpu.memory_space<hbm>> -> memref<1x24x128xf32, #tpu.memory_space<hbm>>
        %dma_start3A_74 = tpu.memref_squeeze %dma_start3A_73 : memref<1x24x128xf32, #tpu.memory_space<hbm>> -> memref<24x128xf32, #tpu.memory_space<hbm>>
        %dma_start3A_75 = arith.constant 0 : i32
        %dma_start3A_76 = tpu.memref_slice %arg4[%arg0, %add3A_70, %dma_start3A_75] : memref<2x10368x128xf32, #tpu.memory_space<hbm>> -> memref<1x24x128xf32, #tpu.memory_space<hbm>>
        %dma_start3A_77 = tpu.memref_squeeze %dma_start3A_76 : memref<1x24x128xf32, #tpu.memory_space<hbm>> -> memref<24x128xf32, #tpu.memory_space<hbm>>
        tpu.enqueue_dma source(%arg18 : memref<24x128xf32, #tpu.memory_space<vmem>>) target(%dma_start3A_77 : memref<24x128xf32, #tpu.memory_space<hbm>>) target_semaphore(%run_scoped3A : memref<!tpu.dma_semaphore, #tpu.memory_space<semaphore_mem>>)
        %dma_wait3A_78 = arith.constant 0 : i32
        %dma_wait3A_79 = tpu.memref_slice %arg4[%arg0, %add3A_70, %dma_wait3A_78] : memref<2x10368x128xf32, #tpu.memory_space<hbm>> -> memref<1x24x128xf32, #tpu.memory_space<hbm>>
        %dma_wait3A_80 = tpu.memref_squeeze %dma_wait3A_79 : memref<1x24x128xf32, #tpu.memory_space<hbm>> -> memref<24x128xf32, #tpu.memory_space<hbm>>
        %dma_wait3A_81 = arith.constant 0 : i32
        %dma_wait3A_82 = tpu.memref_slice %arg4[%arg0, %add3A_70, %dma_wait3A_81] : memref<2x10368x128xf32, #tpu.memory_space<hbm>> -> memref<1x24x128xf32, #tpu.memory_space<hbm>>
        %dma_wait3A_83 = tpu.memref_squeeze %dma_wait3A_82 : memref<1x24x128xf32, #tpu.memory_space<hbm>> -> memref<24x128xf32, #tpu.memory_space<hbm>>
        tpu.wait_dma2 semaphore(%run_scoped3A : memref<!tpu.dma_semaphore, #tpu.memory_space<semaphore_mem>>) src(%arg18 : memref<24x128xf32, #tpu.memory_space<vmem>>) dst(%dma_wait3A_83 : memref<24x128xf32, #tpu.memory_space<hbm>>)
        tpu.yield
      }) : () -> ()
      %scan3A_71 = arith.constant 0 : i32
      scf.yield %scan3A_71 : i32
    }
    %scan3A_65 = arith.constant 27 : i32
    return
  }
}

module attributes {stable_mosaic.version = 14 : i64} {
  func.func @_proj_body(%arg0: i32, %arg1: i32, %arg2: memref<2560x128xf32, #tpu.memory_space<vmem>>, %arg3: memref<1x128x128xf32, #tpu.memory_space<vmem>>, %arg4: memref<2560x128xf32, #tpu.memory_space<vmem>>) attributes {dimension_semantics = [#tpu.dimension_semantics<arbitrary>, #tpu.dimension_semantics<arbitrary>], iteration_bounds = array<i64: 4, 9>, scalar_prefetch = 0 : i64, scratch_operands = 0 : i64, tpu.core_type = #tpu.core_type<tc>, window_params = [{transform_indices = @transform_0, window_bounds = array<i64: 2560, 128>}, {transform_indices = @transform_1, window_bounds = array<i64: 1, 128, 128>}, {transform_indices = @transform_2, window_bounds = array<i64: 2560, 128>}]} {
    %eq3A = arith.constant 8 : i32
    %eq3A_0 = arith.cmpi eq, %arg1, %eq3A : i32
    %convert_element_type3A = arith.extui %eq3A_0 : i1 to i32
    %cond3A = arith.constant 0 : i32
    %cond3A_1 = arith.cmpi ne, %convert_element_type3A, %cond3A : i32
    scf.if %cond3A_1 {
      %get3A = arith.constant 0 : index
      %get3A_6 = arith.constant 0 : index
      %get3A_7 = vector.load %arg2[%get3A, %get3A_6] : memref<2560x128xf32, #tpu.memory_space<vmem>>, vector<2560x128xf32>
      %swap3A = arith.constant 0 : index
      %swap3A_8 = arith.constant 0 : index
      %swap3A_9 = vector.load %arg4[%swap3A, %swap3A_8] : memref<2560x128xf32, #tpu.memory_space<vmem>>, vector<2560x128xf32>
      tpu.vector_store %arg4[%swap3A, %swap3A_8], %get3A_7 {strides = array<i32>} : memref<2560x128xf32, #tpu.memory_space<vmem>>, vector<2560x128xf32>,
    } else {
    }
    %ne3A = arith.constant 8 : i32
    %ne3A_2 = arith.cmpi ne, %arg1, %ne3A : i32
    %convert_element_type3A_3 = arith.extui %ne3A_2 : i1 to i32
    %cond3A_4 = arith.constant 0 : i32
    %cond3A_5 = arith.cmpi ne, %convert_element_type3A_3, %cond3A_4 : i32
    scf.if %cond3A_5 {
      %get3A = arith.constant 0 : index
      %get3A_6 = arith.constant 0 : index
      %get3A_7 = vector.load %arg2[%get3A, %get3A_6] : memref<2560x128xf32, #tpu.memory_space<vmem>>, vector<2560x128xf32>
      %get3A_8 = arith.constant 0 : index
      %get3A_9 = arith.constant 0 : index
      %get3A_10 = arith.constant 0 : index
      %get3A_11 = vector.load %arg3[%get3A_8, %get3A_9, %get3A_10] : memref<1x128x128xf32, #tpu.memory_space<vmem>>, vector<1x128x128xf32>
      %get3A_12 = vector.shape_cast %get3A_11 : vector<1x128x128xf32> to vector<128x128xf32>
      %dot_general3A = arith.constant dense<0.000000e+00> : vector<2560x128xf32>
      %dot_general3A_13 = tpu.matmul %get3A_7, %get3A_12, %dot_general3A {dimension_numbers = #tpu.dot_dimension_numbers<[1], [0], [0], [1], [0, 0, 1, 1], [], []>, transpose_lhs_hint = false} : vector<2560x128xf32>, vector<128x128xf32>, vector<2560x128xf32> -> vector<2560x128xf32>
      %swap3A = arith.constant 0 : index
      %swap3A_14 = arith.constant 0 : index
      %swap3A_15 = vector.load %arg4[%swap3A, %swap3A_14] : memref<2560x128xf32, #tpu.memory_space<vmem>>, vector<2560x128xf32>
      tpu.vector_store %arg4[%swap3A, %swap3A_14], %dot_general3A_13 {strides = array<i32>} : memref<2560x128xf32, #tpu.memory_space<vmem>>, vector<2560x128xf32>,
    } else {
    }
    return
  }
  func.func @transform_0(%arg0: i32, %arg1: i32) -> (i32, i32) {
    %c0_i32 = arith.constant 0 : i32
    %c0_i32_0 = arith.constant 0 : i32
    return %arg0, %c0_i32 : i32, i32
  }
  func.func @transform_1(%arg0: i32, %arg1: i32) -> (i32, i32, i32) {
    %c0_i32 = arith.constant 0 : i32
    %c0_i32_0 = arith.constant 0 : i32
    %c0_i32_1 = arith.constant 0 : i32
    return %arg1, %c0_i32, %c0_i32_0 : i32, i32, i32
  }
  func.func @transform_2(%arg0: i32, %arg1: i32) -> (i32, i32) {
    %mul3A = arith.constant 4 : i32
    %mul3A_0 = arith.muli %arg1, %mul3A : i32
    %add3A = arith.addi %mul3A_0, %arg0 : i32
    %c0_i32 = arith.constant 0 : i32
    %c0_i32_1 = arith.constant 0 : i32
    return %add3A, %c0_i32 : i32, i32
  }
}

module attributes {stable_mosaic.version = 14 : i64} {
  func.func @_final_body(%arg0: i32, %arg1: memref<2560x128xf32, #tpu.memory_space<vmem>>, %arg2: memref<2x2560x128xf32, #tpu.memory_space<vmem>>, %arg3: memref<2x2560x1xf32, #tpu.memory_space<vmem>>, %arg4: memref<256x128xf32, #tpu.memory_space<vmem>>, %arg5: memref<1x128xf32, #tpu.memory_space<vmem>>, %arg6: memref<2560x128xf32, #tpu.memory_space<vmem>>) attributes {dimension_semantics = [#tpu.dimension_semantics<arbitrary>], iteration_bounds = array<i64: 4>, scalar_prefetch = 0 : i64, scratch_operands = 0 : i64, tpu.core_type = #tpu.core_type<tc>, window_params = [{transform_indices = @transform_0, window_bounds = array<i64: 2560, 128>}, {transform_indices = @transform_1, window_bounds = array<i64: 2, 2560, 128>}, {transform_indices = @transform_2, window_bounds = array<i64: 2, 2560, 1>}, {pipeline_mode = #tpu.pipeline_mode<synchronous>, transform_indices = @transform_3, window_bounds = array<i64: 256, 128>}, {pipeline_mode = #tpu.pipeline_mode<synchronous>, transform_indices = @transform_4, window_bounds = array<i64: 1, 128>}, {transform_indices = @transform_5, window_bounds = array<i64: 2560, 128>}]} {
    %get3A = arith.constant 0 : index
    %get3A_0 = arith.constant 0 : index
    %get3A_1 = arith.constant 0 : index
    %get3A_2 = vector.load %arg2[%get3A, %get3A_0, %get3A_1] : memref<2x2560x128xf32, #tpu.memory_space<vmem>>, vector<1x2560x128xf32>
    %get3A_3 = vector.shape_cast %get3A_2 : vector<1x2560x128xf32> to vector<2560x128xf32>
    %get3A_4 = arith.constant 1 : index
    %get3A_5 = arith.constant 0 : index
    %get3A_6 = arith.constant 0 : index
    %get3A_7 = vector.load %arg2[%get3A_4, %get3A_5, %get3A_6] : memref<2x2560x128xf32, #tpu.memory_space<vmem>>, vector<1x2560x128xf32>
    %get3A_8 = vector.shape_cast %get3A_7 : vector<1x2560x128xf32> to vector<2560x128xf32>
    %add3A = arith.addf %get3A_3, %get3A_8 : vector<2560x128xf32>
    %get3A_9 = arith.constant 0 : index
    %get3A_10 = arith.constant 0 : index
    %get3A_11 = arith.constant 0 : index
    %get3A_12 = vector.load %arg3[%get3A_9, %get3A_10, %get3A_11] : memref<2x2560x1xf32, #tpu.memory_space<vmem>>, vector<1x2560x1xf32>
    %get3A_13 = vector.shape_cast %get3A_12 : vector<1x2560x1xf32> to vector<2560x1xf32>
    %get3A_14 = arith.constant 1 : index
    %get3A_15 = arith.constant 0 : index
    %get3A_16 = arith.constant 0 : index
    %get3A_17 = vector.load %arg3[%get3A_14, %get3A_15, %get3A_16] : memref<2x2560x1xf32, #tpu.memory_space<vmem>>, vector<1x2560x1xf32>
    %get3A_18 = vector.shape_cast %get3A_17 : vector<1x2560x1xf32> to vector<2560x1xf32>
    %add3A_19 = arith.addf %get3A_13, %get3A_18 : vector<2560x1xf32>
    %max3A = arith.constant 1.000000e+00 : f32
    %max3A_20 = vector.broadcast %max3A : f32 to vector<2560x1xf32>
    %max3A_21 = arith.maximumf %add3A_19, %max3A_20 : vector<2560x1xf32>
    %div3A = vector.broadcast %max3A_21 : vector<2560x1xf32> to vector<2560x128xf32>
    %div3A_22 = arith.divf %add3A, %div3A : vector<2560x128xf32>
    %get3A_23 = arith.constant 0 : index
    %get3A_24 = arith.constant 0 : index
    %get3A_25 = vector.load %arg1[%get3A_23, %get3A_24] : memref<2560x128xf32, #tpu.memory_space<vmem>>, vector<2560x128xf32>
    %get3A_26 = arith.constant 0 : index
    %get3A_27 = arith.constant 0 : index
    %get3A_28 = vector.load %arg4[%get3A_26, %get3A_27] : memref<256x128xf32, #tpu.memory_space<vmem>>, vector<128x128xf32>
    %dot_general3A = arith.constant dense<0.000000e+00> : vector<2560x128xf32>
    %dot_general3A_29 = tpu.matmul %get3A_25, %get3A_28, %dot_general3A {dimension_numbers = #tpu.dot_dimension_numbers<[1], [0], [0], [1], [0, 0, 1, 1], [], []>, transpose_lhs_hint = false} : vector<2560x128xf32>, vector<128x128xf32>, vector<2560x128xf32> -> vector<2560x128xf32>
    %get3A_30 = arith.constant 128 : index
    %get3A_31 = arith.constant 0 : index
    %get3A_32 = vector.load %arg4[%get3A_30, %get3A_31] : memref<256x128xf32, #tpu.memory_space<vmem>>, vector<128x128xf32>
    %dot_general3A_33 = arith.constant dense<0.000000e+00> : vector<2560x128xf32>
    %dot_general3A_34 = tpu.matmul %div3A_22, %get3A_32, %dot_general3A_33 {dimension_numbers = #tpu.dot_dimension_numbers<[1], [0], [0], [1], [0, 0, 1, 1], [], []>, transpose_lhs_hint = false} : vector<2560x128xf32>, vector<128x128xf32>, vector<2560x128xf32> -> vector<2560x128xf32>
    %add3A_35 = arith.addf %dot_general3A_29, %dot_general3A_34 : vector<2560x128xf32>
    %get3A_36 = arith.constant 0 : index
    %get3A_37 = arith.constant 0 : index
    %get3A_38 = vector.load %arg5[%get3A_36, %get3A_37] : memref<1x128xf32, #tpu.memory_space<vmem>>, vector<1x128xf32>
    %add3A_39 = vector.broadcast %get3A_38 : vector<1x128xf32> to vector<2560x128xf32>
    %add3A_40 = arith.addf %add3A_35, %add3A_39 : vector<2560x128xf32>
    %ge3A = arith.constant 0.000000e+00 : f32
    %ge3A_41 = vector.broadcast %ge3A : f32 to vector<2560x128xf32>
    %ge3A_42 = arith.cmpf oge, %add3A_40, %ge3A_41 : vector<2560x128xf32>
    %mul3A = arith.constant 0.00999999977 : f32
    %mul3A_43 = vector.broadcast %mul3A : f32 to vector<2560x128xf32>
    %mul3A_44 = arith.mulf %add3A_40, %mul3A_43 : vector<2560x128xf32>
    %select_n3A = arith.select %ge3A_42, %add3A_40, %mul3A_44 : vector<2560x128xi1>, vector<2560x128xf32>
    %swap3A = arith.constant 0 : index
    %swap3A_45 = arith.constant 0 : index
    %swap3A_46 = vector.load %arg6[%swap3A, %swap3A_45] : memref<2560x128xf32, #tpu.memory_space<vmem>>, vector<2560x128xf32>
    tpu.vector_store %arg6[%swap3A, %swap3A_45], %select_n3A {strides = array<i32>} : memref<2560x128xf32, #tpu.memory_space<vmem>>, vector<2560x128xf32>,
    return
  }
  func.func @transform_0(%arg0: i32) -> (i32, i32) {
    %c0_i32 = arith.constant 0 : i32
    %c0_i32_0 = arith.constant 0 : i32
    return %arg0, %c0_i32 : i32, i32
  }
  func.func @transform_1(%arg0: i32) -> (i32, i32, i32) {
    %c0_i32 = arith.constant 0 : i32
    %c0_i32_0 = arith.constant 0 : i32
    %c0_i32_1 = arith.constant 0 : i32
    return %c0_i32, %arg0, %c0_i32_0 : i32, i32, i32
  }
  func.func @transform_2(%arg0: i32) -> (i32, i32, i32) {
    %c0_i32 = arith.constant 0 : i32
    %c0_i32_0 = arith.constant 0 : i32
    %c0_i32_1 = arith.constant 0 : i32
    return %c0_i32, %arg0, %c0_i32_0 : i32, i32, i32
  }
  func.func @transform_3(%arg0: i32) -> (i32, i32) {
    %c0_i32 = arith.constant 0 : i32
    %c0_i32_0 = arith.constant 0 : i32
    %c0_i32_1 = arith.constant 0 : i32
    return %c0_i32, %c0_i32_0 : i32, i32
  }
  func.func @transform_4(%arg0: i32) -> (i32, i32) {
    %c0_i32 = arith.constant 0 : i32
    %c0_i32_0 = arith.constant 0 : i32
    %c0_i32_1 = arith.constant 0 : i32
    return %c0_i32, %c0_i32_0 : i32, i32
  }
  func.func @transform_5(%arg0: i32) -> (i32, i32) {
    %c0_i32 = arith.constant 0 : i32
    %c0_i32_0 = arith.constant 0 : i32
    return %arg0, %c0_i32 : i32, i32
  }
}

</mosaic_0001>

<sc_bundles>
// kernel: kernel.5.cloned.1.call-start
scs
__scs_entry_jumppad:
0x0: {  	(pc) =	sbr.rel $0x88, $3  }
0x1: {  	(tag) =	ssettag $0x0;
	lr =	simm.s32 $0x1  }
0x2: {  	[smem:$0x3F9B] =	sst lr;
	_ =	strace $0xD0000000  }
0x3: {  	_ = 	snop  }
0x4: {  	_ = 	snop  }
0x5: {  	_ = 	snop  }
0x6: {  	_ = 	snop  }
0x7: {  	_ = 	snop  }
__scs_overlays_trampoline_lowered:
0x8: {  	[smem:$0x3FAA] =	sst s0  }
0x9: {  	[smem:$0x3FAB] =	sst s1  }
0xa: {  	[smem:$0x3FAC] =	sst s2  }
0xb: {  	[smem:$0x3FAD] =	sst s3  }
0xc: {  	[smem:$0x3FAE] =	sst s4  }
0xd: {  	[smem:$0x3FAF] =	sst s5  }
0xe: {  	[smem:$0x3FB0] =	sst s6  }
0xf: {  	[smem:$0x3FB1] =	sst s7  }
0x10: {  	[smem:$0x3FB2] =	sst s8  }
0x11: {  	[smem:$0x3FB3] =	sst s9;
	s0 =	simm.s32 @!p0 $0x0  }
0x12: {  	s1 =	sld [smem:$0x3F99];
	s0 =	simm.s32 @p0 $0x1  }
0x13: {  	[smem:$0x3FB4] =	sst s0;
	s0 =	simm.s32 @!p1 $0x0  }
0x14: {  	s2 =	sld [smem:$0x3F98];
	s0 =	simm.s32 @p1 $0x1  }
0x15: {  	[smem:$0x3FB5] =	sst s0;
	s0 =	simm.s32 @!p2 $0x0  }
0x16: {  	s3 =	sld [smem:$0x3FDB];
	s0 =	simm.s32 @p2 $0x1  }
0x17: {  	s4 =	simm.s32 $0x1BF5;
	[smem:$0x3FB7] =	sst s0  }
0x18: {  	s0 =	sld [smem:$0x3F9A];
	_ =	swait.ge [sflag:s4], $0x0  }
0x19: {  	s7 =	sld [smem:$0x3F9B]  }
0x1a: {  	s8 =	sadd.s32 $0xFFFFE003, lr  }
0x1b: {  	s9 =	sadd.s32 $0xFFFFFEF7, lr;
	s5 =	simm.s32 $0xFFFFFFFF;
	p2 =	slt.u32 s8, $0xFFFFF086  }
0x1c: {  	p1 =	slt.u32 s9, $0xF7A;
	s5 =	simm.s32 @!p2 $0x0  }
0x1d: {  	s5 =	simm.s32 @p1 $0x1;
	p0 =	seq.s32 s7, s2  }
0x1e: {  	s7 =	smul.u32 @!p0 $0xF7A, s2;
	p2 =	seq.s32 @!p0 s5, $0x0  }
0x1f: {  	s9 =	smul.u32 $0xF7A, s1;
	s8 =	simm.s32 @!p0 $0x1BF5;
	p2 =	por !p2, p0  }
0x20: {  	[sflag:s8] =	ssyncset.s32 @!p0 $0xFFFFF086;
	s6 =	sadd.s32 @!p0 s3, s7;
	s7 =	simm.s32 @!p0 $0x108  }
0x21: {  	s3 =	sadd.s32 s3, s9;
	s6 =	sadd.s32 @!p0 $0x88, s6;
	s7 =	simm.s32 @p2 $0x1082  }
0x22: {  	[simem:s7], [sflag:s8] =	dma.local @!p0 [hbm:s6], $0xF7A  }
0x23: {  	s9 =	sor.u32 $0xD0000000, s2;
	s6 =	simm.s32 $0x108;
	_ =	swait.ge @!p0 [sflag:s8], $0x0  }
0x24: {  	s3 =	sadd.s32 $0x88, s3;
	s6 =	simm.s32 @!p1 $0x1082;
	[sflag:s4] =	ssyncset.s32 $0xFFFFF086  }
0x25: {  	[simem:s6], [sflag:s4] =	dma.local [hbm:s3], $0xF7A  }
0x26: {  	[smem:$0x3F9B] =	sst s1;
	(tag) =	ssettag s2;
	_ =	strace s9  }
0x27: {  	s1 =	sld [smem:$0x3FAB]  }
0x28: {  	s2 =	sld [smem:$0x3FAC]  }
0x29: {  	s4 =	sld [smem:$0x3FAE]  }
0x2a: {  	p0 =	seq.s32 s5, $0x0;
	s5 =	sld [smem:$0x3FAF]  }
0x2b: {  	s6 =	sld [smem:$0x3FB0]  }
0x2c: {  	s7 =	sld [smem:$0x3FB1]  }
0x2d: {  	s3 =	simm.s32 $0x108;
	s8 =	sld [smem:$0x3FB2]  }
0x2e: {  	s3 =	simm.s32 @!p0 $0x1082;
	s9 =	sld [smem:$0x3FB3]  }
0x2f: {  	lr =	sadd.s32 s0, s3;
	s0 =	sld [smem:$0x3FAA]  }
0x30: {  	s3 =	sld [smem:$0x3FAD]  }
0x31: {  	[smem:$0x3FB6] =	sst s10  }
0x32: {  	s10 =	sld [smem:$0x3FB4];
	_ =	sdelay $0x3  }
0x33: {  	p0 =	seq.s32 s10, $0x1;
	s10 =	sld [smem:$0x3FB6];
	_ =	sdelay $0x3  }
0x34: {  	[smem:$0x3FB6] =	sst s10  }
0x35: {  	s10 =	sld [smem:$0x3FB5];
	_ =	sdelay $0x3  }
0x36: {  	p1 =	seq.s32 s10, $0x1;
	s10 =	sld [smem:$0x3FB6];
	_ =	sdelay $0x3  }
0x37: {  	[smem:$0x3FB6] =	sst s10  }
0x38: {  	s10 =	sld [smem:$0x3FB7]  }
0x39: {  	_ = 	snop;
	(pc) =	sbr.ind lr, $3  }
0x3a: {  	_ = 	snop  }
0x3b: {  	_ = 	snop  }
0x3c: {  	p2 =	seq.s32 s10, $0x1;
	s10 =	sld [smem:$0x3FB6]  }
0x3d: {  	_ =	shalt  }
0x3e: {  	_ =	shalt  }
0x3f: {  	_ =	shalt  }
0x40: {  	_ =	shalt  }
0x41: {  	_ =	shalt  }
0x42: {  	_ =	shalt  }
0x43: {  	_ =	shalt  }
0x44: {  	_ =	shalt  }
0x45: {  	_ =	shalt  }
0x46: {  	_ =	shalt  }
0x47: {  	_ =	shalt  }
0x48: {  	_ =	shalt  }
0x49: {  	_ =	shalt  }
0x4a: {  	_ =	shalt  }
0x4b: {  	_ =	shalt  }
0x4c: {  	_ =	shalt  }
0x4d: {  	_ =	shalt  }
0x4e: {  	_ =	shalt  }
0x4f: {  	_ =	shalt  }
0x50: {  	_ =	shalt  }
0x51: {  	_ =	shalt  }
0x52: {  	_ =	shalt  }
0x53: {  	_ =	shalt  }
0x54: {  	_ =	shalt  }
0x55: {  	_ =	shalt  }
0x56: {  	_ =	shalt  }
0x57: {  	_ =	shalt  }
0x58: {  	_ =	shalt  }
0x59: {  	_ =	shalt  }
0x5a: {  	_ =	shalt  }
0x5b: {  	_ =	shalt  }
0x5c: {  	_ =	shalt  }
0x5d: {  	_ =	shalt  }
0x5e: {  	_ =	shalt  }
0x5f: {  	_ =	shalt  }
0x60: {  	_ =	shalt  }
0x61: {  	_ =	shalt  }
0x62: {  	_ =	shalt  }
0x63: {  	_ =	shalt  }
0x64: {  	_ =	shalt  }
0x65: {  	_ =	shalt  }
0x66: {  	_ =	shalt  }
0x67: {  	_ =	shalt  }
0x68: {  	_ =	shalt  }
0x69: {  	_ =	shalt  }
0x6a: {  	_ =	shalt  }
0x6b: {  	_ =	shalt  }
0x6c: {  	_ =	shalt  }
0x6d: {  	_ =	shalt  }
0x6e: {  	_ =	shalt  }
0x6f: {  	_ =	shalt  }
0x70: {  	_ =	shalt  }
0x71: {  	_ =	shalt  }
0x72: {  	_ =	shalt  }
0x73: {  	_ =	shalt  }
0x74: {  	_ =	shalt  }
0x75: {  	_ =	shalt  }
0x76: {  	_ =	shalt  }
0x77: {  	_ =	shalt  }
0x78: {  	_ =	shalt  }
0x79: {  	_ =	shalt  }
0x7a: {  	_ =	shalt  }
0x7b: {  	_ =	shalt  }
0x7c: {  	_ =	shalt  }
0x7d: {  	_ =	shalt  }
0x7e: {  	_ =	shalt  }
0x7f: {  	_ =	shalt  }
0x80: {  	_ =	shalt  }
0x81: {  	_ =	shalt  }
0x82: {  	_ =	shalt  }
0x83: {  	_ =	shalt  }
0x84: {  	_ =	shalt  }
0x85: {  	_ =	shalt  }
0x86: {  	_ =	shalt  }
0x87: {  	_ =	shalt  }
.Lfunc_end0:
.L_simem_size_0:
called_computation_lowered:
.L_overlay_start_0:
0x88: {  	s2 =	sld [smem:$0x3FD9]  }
0x89: {  	s3 =	sld [smem:$0x3FFE];
	_ =	sdelay $0x1  }
0x8a: {  	s1 =	srdreg.scid  }
0x8b: {  	s0 =	sand.u32 $0x1, s1  }
0x8c: {  	s17 =	sshll.u32 s0, $0xA;
	s2 =	sadd.s32 s3, s2  }
0x8d: {  	s2 =	sadd.s32 s2, s17  }
0x8e: {  	[smem:$0x3FC2] =	sst s2  }
0x8f: {  	_ = 	snop  }
0x90: {  	s2 =	sld [smem:$0x3FD0];
	(tm) =	ssettm $0x1  }
0x91: {  	s18 =	sld [smem:$0x3FFB];
	_ =	sdelay $0x3  }
0x92: {  	_ =	strace s18  }
0x93: {  	s3 =	sld [smem:$0x3FFC];
	_ =	sdelay $0x3  }
0x94: {  	_ =	strace s3  }
0x95: {  	s3 =	sld [smem:$0x3FFD];
	_ =	sdelay $0x3  }
0x96: {  	_ =	strace s3  }
0x97: {  	_ =	strace $0x8FFFFFFF  }
0x98: {  	s19 =	sld [smem:$0x3FDB];
	_ =	sdelay $0x1  }
0x99: {  	s4 =	simm.s32 $_scs_section_size  }
0x9a: {  	s5 =	simm.s32 $_size__tile_overlayer_lowered;
	s6 =	simm.s32 $_tile_overlayer_lowered  }
0x9b: {  	s22 =	simm.s32 $0x1BFF;
	s21 =	sshll.u32 s6, $0x1;
	s3 =	sadd.s32 s4, s19  }
0x9c: {  	s7 =	simm.s32 $0x0;
	s20 =	sshll.u32 s5, $0x1;
	s5 =	sadd.s32 s21, s3  }
0x9d: {  	[timem:s7], [sflag:s22] =	dma.local [hbm:s5], s20  }
0x9e: {  	_ =	swait.ge [sflag:s22], s20  }
0x9f: {  	s4 =	ssub.s32 $0x0, s20;
	[sflag:s22] =	ssyncset.done $0x0  }
0xa0: {  	[sflag:s22] =	ssyncadd.s32 s4;
	_ =	sdelay $0x1  }
0xa1: {  	s23 =	simm.s32 $0x1B8B  }
0xa2: {  	_ =	swait.ge [sflag:s23], $0x1  }
0xa3: {  	[sflag:s23] =	ssyncset.done $0x0  }
0xa4: {  	s25 =	simm.s32 $0x1B8E;
	s24 =	sld [smem:$0x3FFE];
	[sflag:s23] =	ssyncadd.s32 $0xFFFFFFFF  }
0xa5: {  	s26 =	simm.s32 $execute0_lowered;
	[smem:$0x3FD2] =	sst s25  }
0xa6: {  	s5 =	sshll.u32 s26, $0x1;
	_ =	strace $0x80000046;
	[dreg:$0x1] =	wrdreg $0xFFFFFFFF  }
0xa7: {  	s28 =	simm.s32 $_size_execute0_lowered;
	s3 =	sadd.s32 s3, s5;
	[dreg:$0x0] =	wrdreg $0x0  }
0xa8: {  	s5 =	sshll.u32 s28, $0x1;
	[dreg:$0x2] =	wrdreg s3  }
0xa9: {  	[dreg:$0x3] =	wrdreg s5  }
0xaa: {  	[dreg:$0x4] =	wrdreg $0xC0  }
0xab: {  	_ =	task [dreg:s7], $0x5FFFF  }
0xac: {  	[dreg:$0x1] =	wrdreg $0xFFFFFFFF  }
0xad: {  	[dreg:$0x0] =	wrdreg $0x60  }
0xae: {  	[dreg:$0x2] =	wrdreg s24  }
0xaf: {  	[dreg:$0x3] =	wrdreg s2  }
0xb0: {  	[dreg:$0x4] =	wrdreg $0xB2000  }
0xb1: {  	[dreg:$0x5] =	wrdreg $0x9  }
0xb2: {  	_ =	task.clear_ibuf [dreg:s7], $0x6FFFF;
	_ =	strace $0x90000046  }
0xb3: {  	s29 =	simm.s32 $0x9;
	_ =	strace $0x80000048  }
0xb4: {  	_ =	swait.ge [sflag:s29], $0x1  }
0xb5: {  	[sflag:s29] =	ssyncadd.s32 $0xFFFFFFFF  }
0xb6: {  	_ =	strace $0x90000048  }
0xb7: {  	_ =	sfence  }
0xb8: {  	s30 =	sld [smem:$0x0];
	_ =	sdelay $0x2  }
0xb9: {  	s31 =	sshll.u32 s1, $0xD;
	s1 =	sshrl.u32 s1, $0x2  }
0xba: {  	s3 =	sand.u32 $0x4000, s31;
	s1 =	sadd.s32 s1, s30  }
0xbb: {  	s0 =	sor.u32 s3, s0;
	s1 =	sshll.u32 s1, $0x11  }
0xbc: {  	s0 =	sor.u32 s1, s0  }
0xbd: {  	s0 =	sadd.s32 $0x8F2B, s0  }
0xbe: {  	[sflag:s0] =	ssyncadd.remote.s32 $0x1  }
0xbf: {  	_ =	sfence.sel $0xFFFF  }
0xc0: {  	[dreg:$0x0] =	wrdreg $0xFFFFFFFF;
	(pc) =	sbr.abs _section_cstart, $3  }
0xc1: {  	[dreg:$0x1] =	wrdreg $0xFFFFFFFF  }
0xc2: {  	_ =	task.clear_ibuf [dreg:s7], $0x2FFFF;
	_ =	strace $0x9FFFFFFF  }
0xc3: {  	(tm) =	ssettm $0x7FFFFFFF  }
tec
execute0_lowered:
.L_overlay_start_1:
0x0: {  	(tag) =	ssettag $0x1  }
0x1: {  	s0 =	rddreg [dreg:$0x0]  }
0x2: {  	s10 =	rddreg [dreg:$0x1]  }
0x3: {  	s1 =	srdreg.scid;
	s3 =	rddreg [dreg:$0x2]  }
0x4: {  	s2 =	stileid.u32;
	s4 =	simm.s32 $0x0;
	s11 =	simm.s32 $0xA600  }
0x5: {  	s12 =	simm.s32 $0x5;
	s16 =	simm.s32 $0x40;
	s20 =	simm.s32 $0x4600  }
0x6: {  	s21 =	simm.s32 $0x2;
	s29 =	simm.s32 $0x4;
	s6 =	smul.u32 $0x14400, s2  }
0x7: {  	s1 =	sand.u32 $0x1, s1;
	[smem:$0x7FF] =	sst s4;
	s25 =	smul.u32 $0x51000, s2  }
0x8: {  	s7 =	sshll.u32 s2, $0x1;
	s2 =	simm.s32 $0x0;
	s5 =	smul.u32 $0x144000, s1  }
0x9: {  	_ =	strace $0x80000047;
	s8 =	ssub.s32 $0x2, s1;
	s1 =	sor.u32 s1, s7  }
0xa: {  	s26 =	sshrl.u32 s8, $0x1;
	s9 =	smul.u32 $0x780, s1;
	s28 =	sshrl.u32 s25, $0x2  }
0xb: {  	s25 =	simm.s32 $0x8600;
	s6 =	sadd.s32 s6, s5;
	s5 =	sadd.s32 $0xC00, s0  }
0xc: {  	s8 =	ssub.s32 s8, s26;
	s26 =	simm.s32 $0x1;
	s6 =	sshrl.u32 s6, $0x3  }
0xd: {  	s30 =	sadd.s32 s10, s9;
	s31 =	smax.u32 s8, $0x1;
	s9 =	sadd.s32 s28, s3  }
0xe: {  	s0 =	sadd.s32 s6, s0;
	s6 =	smul.u32 $0x50, s1;
	[dreg:$0x4] =	wrdreg s30  }
0xf: {  	v0 =	vimm.f32 $0.0e+00;
	v1 =	vlaneseq.u32;
	[dreg:$0x5] =	wrdreg s31;
	s1 =	simm.s32 $0x3;
	s10 =	sadd.s32 $0x168C00, s0  }
.LBB2_1:
0x10: {  	s7 =	simm.s32 $0x0;
	s8 =	simm.s32 $0x200  }
.LBB2_2:
0x11: {  	p0 =	sne.s32 s8, $0x2E00;
	[tilespmem:s7+$0xA670] =	vst v0  }
0x12: {  	[tilespmem:s7+$0xA600] =	vst v0  }
0x13: {  	[tilespmem:s7+$0xA610] =	vst v0  }
.Ltmp0:
0x14: {  	[tilespmem:s7+$0xA620] =	vst v0;
	(pc) =	sbr.rel @p0 .LBB2_2-.Ltmp0, $4  }
0x15: {  	[tilespmem:s7+$0xA630] =	vst v0  }
0x16: {  	[tilespmem:s7+$0xA640] =	vst v0  }
0x17: {  	[tilespmem:s7+$0xA650] =	vst v0  }
0x18: {  	[tilespmem:s7+$0xA660] =	vst v0;
	s7 =	sshra.s32 s8, $0x2;
	s8 =	sadd.s32 $0x200, s8  }
0x19: {  	[tilespmem:s7+$0xA670] =	vst v0  }
0x1a: {  	[tilespmem:s7+$0xA600] =	vst v0  }
0x1b: {  	[tilespmem:s7+$0xA610] =	vst v0  }
0x1c: {  	[tilespmem:s7+$0xA620] =	vst v0  }
0x1d: {  	[tilespmem:s7+$0xA630] =	vst v0  }
0x1e: {  	[tilespmem:s7+$0xA640] =	vst v0  }
0x1f: {  	[tilespmem:s7+$0xA650] =	vst v0  }
0x20: {  	[tilespmem:s7+$0xA660] =	vst v0;
	s7 =	simm.s32 $0x0;
	s8 =	simm.s32 $0x200  }
.LBB2_4:
0x21: {  	p0 =	sne.s32 s8, $0x7E00;
	[tilespmem:s7+$0x8670] =	vst v0  }
0x22: {  	[tilespmem:s7+$0x8600] =	vst v0  }
0x23: {  	[tilespmem:s7+$0x8610] =	vst v0  }
.Ltmp1:
0x24: {  	[tilespmem:s7+$0x8620] =	vst v0;
	(pc) =	sbr.rel @p0 .LBB2_4-.Ltmp1, $4  }
0x25: {  	[tilespmem:s7+$0x8630] =	vst v0  }
0x26: {  	[tilespmem:s7+$0x8640] =	vst v0  }
0x27: {  	[tilespmem:s7+$0x8650] =	vst v0  }
0x28: {  	[tilespmem:s7+$0x8660] =	vst v0;
	s7 =	sshra.s32 s8, $0x2;
	s8 =	sadd.s32 $0x200, s8  }
0x29: {  	[tilespmem:s7+$0x8670] =	vst v0  }
0x2a: {  	[tilespmem:s7+$0x8600] =	vst v0  }
0x2b: {  	[tilespmem:s7+$0x8610] =	vst v0  }
0x2c: {  	[tilespmem:s7+$0x8620] =	vst v0  }
0x2d: {  	[tilespmem:s7+$0x8630] =	vst v0  }
0x2e: {  	[tilespmem:s7+$0x8640] =	vst v0  }
0x2f: {  	[tilespmem:s7+$0x8650] =	vst v0  }
0x30: {  	[dreg:$0x6] =	wrdreg s2;
	[tilespmem:s7+$0x8660] =	vst v0;
	s31 =	sadd.s32 $0x0, s9  }
0x31: {  	[spmem:s31] =	stream.linear.scatter [tilespmem:s11], [sflag:$0x5], $0xC00, $0x38;
	[tilespmem:$0x1F600] =	vst v63  }
0x32: {  	s7 =	simm.s32 $0x3000;
	_ =	swait.ge [sflag:s12], $0xC00  }
.LBB2_6:
0x33: {  	s8 =	sshra.s32 s7, $0x2;
	[sflag:s12] =	ssyncset.done $0x0;
	p0 =	sne.s32 s7, $0x4E000  }
.Ltmp2:
0x34: {  	s8 =	sadd.s32 s8, s9;
	[sflag:s12] =	ssyncadd.s32 $0xFFFFF400;
	(pc) =	sbr.rel @p0 .LBB2_6-.Ltmp2, $3  }
0x35: {  	[spmem:s8] =	stream.linear.scatter [tilespmem:s11], [sflag:$0x5], $0xC00, $0x38;
	[tilespmem:$0x1F600] =	vst v63  }
0x36: {  	s7 =	sadd.s32 $0x3000, s7;
	_ =	sdelay $0x1  }
0x37: {  	_ =	swait.ge [sflag:s12], $0xC00  }
0x38: {  	[sflag:s12] =	ssyncset.done $0x0  }
0x39: {  	[sflag:s12] =	ssyncadd.s32 $0xFFFFF400  }
0x3a: {  	[bflag:$0x0] =	sbarrier.arrive $0xFFFF  }
0x3b: {  	s8 =	simm.s32 $0x0;
	s0 =	rddreg [dreg:$0x4]  }
0x3c: {  	[tilespmem:s8], [sflag:$0x5] =	stream.linear.gather [hbm4b:s0+s8], $0xC0, $0x38;
	[tilespmem:$0x1F600] =	vst v63  }
0x3d: {  	_ =	swait.ge [sflag:s12], $0xC0  }
0x3e: {  	[sflag:s12] =	ssyncset.done $0x0  }
0x3f: {  	[sflag:s12] =	ssyncadd.s32 $0xFFFFFF40  }
0x40: {  	v2 =	vld [tilespmem:$0x80]  }
0x41: {  	v3 =	vld [tilespmem:$0x40]  }
0x42: {  	v4 =	vld [tilespmem:$0x0]  }
0x43: {  	v7 =	vld [tilespmem:$0x50]  }
0x44: {  	v5 =	vld [tilespmem:$0x90]  }
0x45: {  	v61 =	vld [tilespmem:$0x70];
	v2 =	vmul.u32 $0x2800, v2;
	_ =	sdelay $0x1  }
0x46: {  	v56 =	vld [tilespmem:$0x10];
	[tilespmem:$0x400] =	vst v3;
	v6 =	vadd.s32 v3, v2;
	v2 =	vadd.s32 v2, v4  }
0x47: {  	[tilespmem:$0x410] =	vst v7;
	v2 =	vadd.s32 $0xA000, v2  }
0x48: {  	v57 =	vld [tilespmem:$0xA0];
	v5 =	vmul.u32 $0x2800, v5;
	[tilespmem:$0x300] =	vst v2;
	v2 =	vshrl.u32 v3, $0x7  }
0x49: {  	[tilespmem:$0x430] =	vst v61;
	v2 =	vadd.s32 $0x2800, v2  }
0x4a: {  	v3 =	vld [tilespmem:$0x60];
	[tilespmem:$0x500] =	vst v2;
	v2 =	vadd.s32 v7, v5  }
0x4b: {  	v58 =	vld [tilespmem:$0x20];
	v55 =	vadd.s32 $0x14000, v4;
	v4 =	vadd.s32 v5, v56;
	[tilespmem:$0x210] =	vst v2;
	v2 =	vadd.s32 $0x14000, v56  }
0x4c: {  	[tilespmem:$0x250] =	vst v2;
	v2 =	vadd.s32 $0xA000, v4  }
0x4d: {  	v60 =	vld [tilespmem:$0xB0];
	v59 =	vmul.u32 $0x2800, v57;
	[tilespmem:$0x310] =	vst v2;
	v2 =	vshrl.u32 v7, $0x7  }
0x4e: {  	[tilespmem:$0x240] =	vst v55;
	v2 =	vadd.s32 $0x2800, v2  }
0x4f: {  	[tilespmem:$0x510] =	vst v2;
	v2 =	vadd.s32 v3, v59  }
0x50: {  	v62 =	vld [tilespmem:$0x30];
	v4 =	vadd.s32 v59, v58;
	[tilespmem:$0x220] =	vst v2;
	v2 =	vadd.s32 $0x14000, v58  }
0x51: {  	[tilespmem:$0x260] =	vst v2;
	v2 =	vadd.s32 $0xA000, v4  }
0x52: {  	v63 =	vmul.u32 $0x2800, v60;
	[tilespmem:$0x320] =	vst v2;
	v2 =	vshrl.u32 v3, $0x7  }
0x53: {  	[tilespmem:$0x420] =	vst v3;
	v2 =	vadd.s32 $0x2800, v2  }
0x54: {  	[tilespmem:$0x520] =	vst v2;
	v2 =	vadd.s32 v61, v63  }
0x55: {  	v3 =	vadd.s32 v63, v62;
	[tilespmem:$0x230] =	vst v2;
	v2 =	vadd.s32 $0x14000, v62  }
0x56: {  	[tilespmem:$0x270] =	vst v2;
	v2 =	vadd.s32 $0xA000, v3  }
0x57: {  	[tilespmem:$0x330] =	vst v2;
	v2 =	vshrl.u32 v61, $0x7  }
0x58: {  	[tilespmem:$0x200] =	vst v6;
	v2 =	vadd.s32 $0x2800, v2  }
0x59: {  	s31 =	simm.s32 $0x80;
	s2 =	simm.s32 $0x200;
	s7 =	simm.s32 $0x600;
	[tilespmem:$0x530] =	vst v2  }
0x5a: {  	[tilespmem:s7], [sflag:$0x1] =	stream.indirect.gather [hbm4b:s5+s31], $0x80, s2, s31, $0xb8;
	[tilespmem:$0x1F600] =	vst v63  }
.LBB2_8:
0x5b: {  	p0 =	seq.s32 s8, $0x0  }
.Ltmp3:
0x5c: {  	s7 =	simm.s32 $0x1;
	(pc) =	sbr.rel @p0 .LBB2_12-.Ltmp3, $4  }
0x5d: {  	_ =	swait.ge [sflag:s7], $0x4000  }
0x5e: {  	s0 =	simm.s32 $0x600;
	[sflag:s7] =	ssyncset.done $0x0  }
0x5f: {  	s2 =	simm.s32 $0x300;
	s14 =	smov.u32 s6;
	[sflag:s7] =	ssyncadd.s32 $0xFFFFC000  }
0x60: {  	[tilespmem:s0], [sflag:$0x2] =	stream.indirect.gather.add.f32 [hbm:s5], $0x80, s2, s16, $0xb8;
	[tilespmem:$0x1F600] =	vst v63  }
0x61: {  	_ =	swait.ge [sflag:s29], $0x2000  }
0x62: {  	[sflag:s29] =	ssyncset.done $0x0  }
0x63: {  	s7 =	simm.s32 $0x140;
	[sflag:s29] =	ssyncadd.s32 $0xFFFFE000  }
0x64: {  	v2 =	vld [tilespmem:s7+$0x0];
	_ =	sdelay $0x4  }
0x65: {  	(v2sf) =	vpush v2, $0x0  }
0x66: {  	(v2sf) =	vpush v2, $0x1  }
0x67: {  	(v2sf) =	vpush v2, $0x2  }
0x68: {  	(v2sf) =	vpush v2, $0x3  }
0x69: {  	(v2sf) =	vpush v2, $0x4  }
0x6a: {  	(v2sf) =	vpush v2, $0x5  }
0x6b: {  	(v2sf) =	vpush v2, $0x6  }
0x6c: {  	(v2sf) =	vpush v2, $0x7  }
0x6d: {  	(v2sf) =	vpush v2, $0x8  }
0x6e: {  	(v2sf) =	vpush v2, $0x9  }
0x6f: {  	(v2sf) =	vpush v2, $0xA  }
0x70: {  	(v2sf) =	vpush v2, $0xB  }
0x71: {  	(v2sf) =	vpush v2, $0xC  }
0x72: {  	(v2sf) =	vpush v2, $0xD  }
0x73: {  	(v2sf) =	vpush v2, $0xE  }
0x74: {  	s14 =	spop (v2sf);
	(v2sf) =	vpush v2, $0xF  }
0x75: {  	s14 =	sand.u32 $0x70, s14;
	s17 =	spop (v2sf)  }
0x76: {  	s14 =	sadd.s32 $0x0, s14;
	s17 =	sand.u32 $0x70, s17;
	s18 =	spop (v2sf)  }
0x77: {  	[tilespmem:s14+$0x8600] =	vst v0;
	s30 =	sadd.s32 $0x0, s17;
	s31 =	sand.u32 $0x70, s18;
	s0 =	spop (v2sf)  }
0x78: {  	[tilespmem:s30+$0x8680] =	vst v0;
	s2 =	sadd.s32 $0x0, s31;
	s13 =	sand.u32 $0x70, s0;
	s15 =	spop (v2sf)  }
0x79: {  	[tilespmem:s2+$0x8700] =	vst v0;
	s17 =	sadd.s32 $0x0, s13;
	s19 =	sand.u32 $0x70, s15;
	s22 =	spop (v2sf)  }
0x7a: {  	[tilespmem:s17+$0x8780] =	vst v0;
	s23 =	sadd.s32 $0x0, s19;
	s24 =	sand.u32 $0x70, s22;
	s28 =	spop (v2sf)  }
0x7b: {  	[tilespmem:s23+$0x8800] =	vst v0;
	s30 =	sadd.s32 $0x0, s24;
	s31 =	sand.u32 $0x70, s28;
	s0 =	spop (v2sf)  }
0x7c: {  	[tilespmem:s30+$0x8880] =	vst v0;
	s2 =	sadd.s32 $0x0, s31;
	s13 =	sand.u32 $0x70, s0;
	s15 =	spop (v2sf)  }
0x7d: {  	[tilespmem:s2+$0x8900] =	vst v0;
	s17 =	sadd.s32 $0x0, s13;
	s19 =	sand.u32 $0x70, s15;
	s22 =	spop (v2sf)  }
0x7e: {  	[tilespmem:s17+$0x8980] =	vst v0;
	s23 =	sadd.s32 $0x0, s19;
	s24 =	sand.u32 $0x70, s22;
	s28 =	spop (v2sf)  }
0x7f: {  	[tilespmem:s23+$0x8A00] =	vst v0;
	s30 =	sadd.s32 $0x0, s24;
	s31 =	sand.u32 $0x70, s28;
	s0 =	spop (v2sf)  }
0x80: {  	[tilespmem:s30+$0x8A80] =	vst v0;
	s2 =	sadd.s32 $0x0, s31;
	s13 =	sand.u32 $0x70, s0;
	s15 =	spop (v2sf)  }
0x81: {  	[tilespmem:s2+$0x8B00] =	vst v0;
	s17 =	sadd.s32 $0x0, s13;
	s18 =	sand.u32 $0x70, s15;
	s19 =	spop (v2sf)  }
0x82: {  	[tilespmem:s17+$0x8B80] =	vst v0;
	s22 =	sadd.s32 $0x0, s18;
	s23 =	sand.u32 $0x70, s19;
	s24 =	spop (v2sf)  }
0x83: {  	[tilespmem:s22+$0x8C00] =	vst v0;
	s28 =	sadd.s32 $0x0, s23;
	s30 =	sand.u32 $0x70, s24;
	s31 =	spop (v2sf)  }
0x84: {  	[tilespmem:s28+$0x8C80] =	vst v0;
	s19 =	sadd.s32 $0x0, s30;
	s18 =	sand.u32 $0x70, s31  }
0x85: {  	s14 =	sshll.u32 s8, $0x1;
	s17 =	simm.s32 $0x2000;
	[tilespmem:s19+$0x8D00] =	vst v0;
	s18 =	sadd.s32 $0x0, s18  }
.LBB2_10:
0x86: {  	p0 =	sne.s32 s17, $0x6000  }
0x87: {  	[tilespmem:s18+$0x8D80] =	vst v0;
	s7 =	sadd.s32 $0x10, s7;
	s18 =	smov.u32 s17;
	s17 =	sadd.s32 $0x2000, s17  }
0x88: {  	_ =	sdelay $0x1  }
0x89: {  	v2 =	vld [tilespmem:s7+$0x0];
	_ =	sdelay $0x4  }
0x8a: {  	(v2sf) =	vpush v2, $0x0  }
0x8b: {  	(v2sf) =	vpush v2, $0x1  }
0x8c: {  	(v2sf) =	vpush v2, $0x2  }
0x8d: {  	(v2sf) =	vpush v2, $0x3  }
0x8e: {  	(v2sf) =	vpush v2, $0x4  }
0x8f: {  	(v2sf) =	vpush v2, $0x5  }
0x90: {  	(v2sf) =	vpush v2, $0x6  }
0x91: {  	(v2sf) =	vpush v2, $0x7  }
0x92: {  	(v2sf) =	vpush v2, $0x8  }
0x93: {  	(v2sf) =	vpush v2, $0x9  }
0x94: {  	(v2sf) =	vpush v2, $0xA  }
0x95: {  	(v2sf) =	vpush v2, $0xB  }
0x96: {  	(v2sf) =	vpush v2, $0xC  }
0x97: {  	(v2sf) =	vpush v2, $0xD  }
0x98: {  	(v2sf) =	vpush v2, $0xE  }
0x99: {  	s19 =	spop (v2sf);
	(v2sf) =	vpush v2, $0xF  }
0x9a: {  	s18 =	sshra.s32 s18, $0x2;
	s19 =	sand.u32 $0x70, s19;
	s22 =	spop (v2sf)  }
0x9b: {  	s19 =	sadd.s32 s18, s19;
	s22 =	sand.u32 $0x70, s22;
	s23 =	spop (v2sf)  }
0x9c: {  	[tilespmem:s19+$0x8600] =	vst v0;
	s19 =	sadd.s32 s18, s22;
	s22 =	sand.u32 $0x70, s23;
	s23 =	spop (v2sf)  }
0x9d: {  	[tilespmem:s19+$0x8680] =	vst v0;
	s19 =	sadd.s32 s18, s22;
	s22 =	sand.u32 $0x70, s23;
	s23 =	spop (v2sf)  }
0x9e: {  	[tilespmem:s19+$0x8700] =	vst v0;
	s19 =	sadd.s32 s18, s22;
	s22 =	sand.u32 $0x70, s23;
	s23 =	spop (v2sf)  }
0x9f: {  	[tilespmem:s19+$0x8780] =	vst v0;
	s19 =	sadd.s32 s18, s22;
	s22 =	sand.u32 $0x70, s23;
	s23 =	spop (v2sf)  }
0xa0: {  	[tilespmem:s19+$0x8800] =	vst v0;
	s19 =	sadd.s32 s18, s22;
	s22 =	sand.u32 $0x70, s23;
	s23 =	spop (v2sf)  }
0xa1: {  	[tilespmem:s19+$0x8880] =	vst v0;
	s19 =	sadd.s32 s18, s22;
	s22 =	sand.u32 $0x70, s23;
	s23 =	spop (v2sf)  }
0xa2: {  	[tilespmem:s19+$0x8900] =	vst v0;
	s19 =	sadd.s32 s18, s22;
	s22 =	sand.u32 $0x70, s23;
	s23 =	spop (v2sf)  }
0xa3: {  	[tilespmem:s19+$0x8980] =	vst v0;
	s19 =	sadd.s32 s18, s22;
	s22 =	sand.u32 $0x70, s23;
	s23 =	spop (v2sf)  }
0xa4: {  	[tilespmem:s19+$0x8A00] =	vst v0;
	s19 =	sadd.s32 s18, s22;
	s22 =	sand.u32 $0x70, s23;
	s23 =	spop (v2sf)  }
0xa5: {  	[tilespmem:s19+$0x8A80] =	vst v0;
	s19 =	sadd.s32 s18, s22;
	s22 =	sand.u32 $0x70, s23;
	s23 =	spop (v2sf)  }
0xa6: {  	[tilespmem:s19+$0x8B00] =	vst v0;
	s19 =	sadd.s32 s18, s22  }
.Ltmp4:
0xa7: {  	s22 =	sand.u32 $0x70, s23;
	s23 =	spop (v2sf);
	(pc) =	sbr.rel @p0 .LBB2_10-.Ltmp4, $4  }
0xa8: {  	[tilespmem:s19+$0x8B80] =	vst v0;
	s19 =	sadd.s32 s18, s22;
	s22 =	sand.u32 $0x70, s23;
	s23 =	spop (v2sf)  }
0xa9: {  	[tilespmem:s19+$0x8C00] =	vst v0;
	s19 =	sadd.s32 s18, s22;
	s22 =	sand.u32 $0x70, s23;
	s23 =	spop (v2sf)  }
0xaa: {  	[tilespmem:s19+$0x8C80] =	vst v0;
	s19 =	sadd.s32 s18, s22;
	s22 =	sand.u32 $0x70, s23  }
0xab: {  	[tilespmem:s19+$0x8D00] =	vst v0;
	s18 =	sadd.s32 s18, s22  }
0xac: {  	[tilespmem:s18+$0x8D80] =	vst v0  }
0xad: {  	_ =	swait.ge [sflag:s1], $0x2000  }
0xae: {  	[sflag:s1] =	ssyncset.done $0x0  }
0xaf: {  	s7 =	sor.u32 $0x1, s14;
	s14 =	sadd.s32 s6, s14;
	[sflag:s1] =	ssyncadd.s32 $0xFFFFE000  }
.LBB2_12:
0xb0: {  	s14 =	smul.u32 $0xC0, s14;
	_ =	sdelay $0x1  }
0xb1: {  	s0 =	rddreg [dreg:$0x1];
	s14 =	sshrl.u32 s14, $0x3  }
0xb2: {  	s14 =	sadd.s32 s0, s14  }
0xb3: {  	s18 =	simm.s32 $0x0;
	s30 =	simm.s32 $0x100;
	s14 =	sadd.s32 $0x18, s14  }
0xb4: {  	[tilespmem:s30], [sflag:$0x5] =	stream.linear.gather [hbm4b:s14+s18], $0xC0, $0x38;
	[tilespmem:$0x1F600] =	vst v63  }
0xb5: {  	_ =	swait.ge [sflag:s12], $0xC0  }
0xb6: {  	[sflag:s12] =	ssyncset.done $0x0  }
0xb7: {  	[sflag:s12] =	ssyncadd.s32 $0xFFFFFF40  }
0xb8: {  	v2 =	vld [tilespmem:$0x180]  }
0xb9: {  	v3 =	vld [tilespmem:$0x140]  }
0xba: {  	v4 =	vld [tilespmem:$0x100]  }
0xbb: {  	v7 =	vld [tilespmem:$0x150]  }
0xbc: {  	v5 =	vld [tilespmem:$0x190]  }
0xbd: {  	v61 =	vld [tilespmem:$0x170];
	v2 =	vmul.u32 $0x2800, v2;
	_ =	sdelay $0x1  }
0xbe: {  	v56 =	vld [tilespmem:$0x110];
	[tilespmem:$0x480] =	vst v3;
	v6 =	vadd.s32 v3, v2;
	v2 =	vadd.s32 v2, v4  }
0xbf: {  	[tilespmem:$0x490] =	vst v7;
	v2 =	vadd.s32 $0xA000, v2  }
0xc0: {  	v57 =	vld [tilespmem:$0x1A0];
	v5 =	vmul.u32 $0x2800, v5;
	[tilespmem:$0x380] =	vst v2;
	v2 =	vshrl.u32 v3, $0x7  }
0xc1: {  	[tilespmem:$0x4B0] =	vst v61;
	v2 =	vadd.s32 $0x2800, v2  }
0xc2: {  	v3 =	vld [tilespmem:$0x160];
	[tilespmem:$0x580] =	vst v2;
	v2 =	vadd.s32 v7, v5  }
0xc3: {  	v58 =	vld [tilespmem:$0x120];
	v55 =	vadd.s32 $0x14000, v4;
	v4 =	vadd.s32 v5, v56;
	[tilespmem:$0x290] =	vst v2;
	v2 =	vadd.s32 $0x14000, v56  }
0xc4: {  	[tilespmem:$0x2D0] =	vst v2;
	v2 =	vadd.s32 $0xA000, v4  }
0xc5: {  	v60 =	vld [tilespmem:$0x1B0];
	v59 =	vmul.u32 $0x2800, v57;
	[tilespmem:$0x390] =	vst v2;
	v2 =	vshrl.u32 v7, $0x7  }
0xc6: {  	[tilespmem:$0x2C0] =	vst v55;
	v2 =	vadd.s32 $0x2800, v2  }
0xc7: {  	[tilespmem:$0x590] =	vst v2;
	v2 =	vadd.s32 v3, v59  }
0xc8: {  	v62 =	vld [tilespmem:$0x130];
	v4 =	vadd.s32 v59, v58;
	[tilespmem:$0x2A0] =	vst v2;
	v2 =	vadd.s32 $0x14000, v58  }
0xc9: {  	[tilespmem:$0x2E0] =	vst v2;
	v2 =	vadd.s32 $0xA000, v4  }
0xca: {  	v63 =	vmul.u32 $0x2800, v60;
	[tilespmem:$0x3A0] =	vst v2;
	v2 =	vshrl.u32 v3, $0x7  }
0xcb: {  	[tilespmem:$0x4A0] =	vst v3;
	v2 =	vadd.s32 $0x2800, v2  }
0xcc: {  	[tilespmem:$0x5A0] =	vst v2;
	v2 =	vadd.s32 v61, v63  }
0xcd: {  	v3 =	vadd.s32 v63, v62;
	[tilespmem:$0x2B0] =	vst v2;
	v2 =	vadd.s32 $0x14000, v62  }
0xce: {  	[tilespmem:$0x2F0] =	vst v2;
	v2 =	vadd.s32 $0xA000, v3  }
0xcf: {  	[tilespmem:$0x3B0] =	vst v2;
	v2 =	vshrl.u32 v61, $0x7  }
0xd0: {  	[tilespmem:$0x280] =	vst v6;
	v2 =	vadd.s32 $0x2800, v2  }
0xd1: {  	s31 =	simm.s32 $0x80;
	s2 =	simm.s32 $0x280;
	s14 =	simm.s32 $0x40;
	[tilespmem:$0x5B0] =	vst v2  }
0xd2: {  	[tilespmem:s20], [sflag:$0x1] =	stream.indirect.gather [hbm4b:s5+s31], $0x80, s2, s31, $0xb8;
	[tilespmem:$0x1F600] =	vst v63  }
0xd3: {  	s17 =	simm.s32 $0x2000;
	v2 =	vld [tilespmem:s14+$0x0]  }
.LBB2_13:
0xd4: {  	_ =	sdelay $0x2  }
0xd5: {  	p0 =	sne.s32 s17, $0x6000  }
0xd6: {  	s14 =	sadd.s32 $0x10, s14;
	s19 =	smov.u32 s17;
	s17 =	sadd.s32 $0x2000, s17;
	(v2sf) =	vpush v2, $0x4  }
0xd7: {  	(v2sf) =	vpush v2, $0x6  }
0xd8: {  	(v2sf) =	vpush v2, $0x3  }
0xd9: {  	(v2sf) =	vpush v2, $0x1  }
0xda: {  	(v2sf) =	vpush v2, $0x0  }
0xdb: {  	(v2sf) =	vpush v2, $0x5  }
0xdc: {  	(v2sf) =	vpush v2, $0x2  }
0xdd: {  	(v2sf) =	vpush v2, $0xF  }
0xde: {  	(v2sf) =	vpush v2, $0xC  }
0xdf: {  	(v2sf) =	vpush v2, $0xA  }
0xe0: {  	(v2sf) =	vpush v2, $0x8  }
0xe1: {  	(v2sf) =	vpush v2, $0x7;
	_ =	sdelay $0x1  }
0xe2: {  	(v2sf) =	vpush v2, $0x9;
	_ =	sdelay $0x1  }
0xe3: {  	s22 =	spop (v2sf);
	(v2sf) =	vpush v2, $0xB  }
0xe4: {  	s23 =	sand.u32 $0xF, s22;
	s28 =	sand.u32 $0x70, s22;
	s22 =	spop (v2sf)  }
0xe5: {  	v3 =	vmov s23;
	s24 =	sand.u32 $0xF, s22;
	s23 =	sand.u32 $0x70, s22;
	s22 =	spop (v2sf);
	(v2sf) =	vpush v2, $0xD  }
0xe6: {  	s30 =	sand.u32 $0xF, s22;
	s31 =	sand.u32 $0x70, s22;
	vm2 =	veq.s32 v3, v1;
	v3 =	vmov s24;
	s22 =	spop (v2sf);
	(v2sf) =	vpush v2, $0xE  }
0xe7: {  	s24 =	sand.u32 $0xF, s22;
	s0 =	sand.u32 $0x70, s22;
	v2 =	vmov s30;
	vm1 =	veq.s32 v3, v1;
	s22 =	spop (v2sf)  }
0xe8: {  	s30 =	sand.u32 $0xF, s22;
	s2 =	sand.u32 $0x70, s22;
	v3 =	vmov s24;
	vm3 =	veq.s32 v2, v1;
	s22 =	spop (v2sf)  }
0xe9: {  	v2 =	vmov s30;
	vm0 =	veq.s32 v3, v1;
	s24 =	sand.u32 $0xF, s22;
	s30 =	sand.u32 $0x70, s22;
	s13 =	spop (v2sf)  }
0xea: {  	s22 =	sshra.s32 s18, $0x2;
	vm4 =	veq.s32 v2, v1;
	s15 =	sand.u32 $0xF, s13;
	v2 =	vmov s24;
	s18 =	spop (v2sf)  }
0xeb: {  	s2 =	sadd.s32 s22, s2;
	v3 =	vsel vm4, $0x3F800000, v0;
	v4 =	vmov s15;
	vm4 =	veq.s32 v2, v1;
	s15 =	sand.u32 $0xF, s18;
	s24 =	spop (v2sf)  }
0xec: {  	s0 =	sadd.s32 s22, s0;
	v2 =	vsel vm0, $0x3F800000, v0;
	[tilespmem:s2+$0x8600] =	vst v3;
	vm0 =	veq.s32 v4, v1;
	s2 =	sand.u32 $0x70, s13;
	v3 =	vmov s15;
	s13 =	spop (v2sf)  }
0xed: {  	[tilespmem:s0+$0x8680] =	vst v2;
	v2 =	vsel vm0, $0x3F800000, v0;
	s0 =	sadd.s32 s22, s2;
	s2 =	sand.u32 $0xF, s13;
	vm0 =	veq.s32 v3, v1;
	s15 =	spop (v2sf)  }
0xee: {  	[tilespmem:s0+$0x8700] =	vst v2;
	v2 =	vsel vm3, $0x3F800000, v0;
	s0 =	sadd.s32 s22, s31;
	s31 =	sand.u32 $0xF, s15;
	v3 =	vmov s2;
	s2 =	spop (v2sf)  }
0xef: {  	[tilespmem:s0+$0x8780] =	vst v2;
	v2 =	vsel vm2, $0x3F800000, v0;
	s0 =	sadd.s32 s22, s28;
	s28 =	sand.u32 $0xF, s2;
	s2 =	sand.u32 $0x70, s2;
	v4 =	vmov s31;
	vm2 =	veq.s32 v3, v1  }
0xf0: {  	s15 =	sand.u32 $0x70, s15;
	[tilespmem:s0+$0x8800] =	vst v2;
	v2 =	vsel vm4, $0x3F800000, v0;
	s0 =	sadd.s32 s22, s30;
	v3 =	vmov s28;
	vm3 =	veq.s32 v4, v1;
	s28 =	spop (v2sf)  }
0xf1: {  	[tilespmem:s0+$0x8880] =	vst v2;
	v2 =	vsel vm1, $0x3F800000, v0;
	s0 =	sadd.s32 s22, s23;
	vm1 =	veq.s32 v3, v1;
	s23 =	sand.u32 $0xF, s28;
	s28 =	sand.u32 $0x70, s28  }
0xf2: {  	[tilespmem:s0+$0x8900] =	vst v2;
	v2 =	vsel vm1, $0x3F800000, v0;
	s0 =	sadd.s32 s22, s2;
	v3 =	vmov s23;
	s2 =	sand.u32 $0x70, s13;
	s13 =	spop (v2sf)  }
0xf3: {  	[tilespmem:s0+$0x8980] =	vst v2;
	v2 =	vsel vm3, $0x3F800000, v0;
	s0 =	sadd.s32 s22, s15;
	vm1 =	veq.s32 v3, v1;
	s15 =	sand.u32 $0xF, s13;
	s13 =	sand.u32 $0x70, s13  }
0xf4: {  	[tilespmem:s0+$0x8A00] =	vst v2;
	v2 =	vsel vm1, $0x3F800000, v0;
	s0 =	sadd.s32 s22, s28;
	v3 =	vmov s15;
	s15 =	sand.u32 $0xF, s24;
	s23 =	spop (v2sf)  }
0xf5: {  	[tilespmem:s0+$0x8A80] =	vst v2;
	v2 =	vsel vm2, $0x3F800000, v0;
	s0 =	sadd.s32 s22, s2;
	vm1 =	veq.s32 v3, v1;
	v3 =	vmov s15;
	s2 =	sand.u32 $0xF, s23;
	s15 =	spop (v2sf)  }
0xf6: {  	[tilespmem:s0+$0x8B00] =	vst v2;
	v2 =	vsel vm1, $0x3F800000, v0;
	s0 =	sadd.s32 s22, s13;
	vm1 =	veq.s32 v3, v1;
	s13 =	sand.u32 $0x70, s24;
	v3 =	vmov s2;
	s2 =	sand.u32 $0xF, s15  }
0xf7: {  	[tilespmem:s0+$0x8B80] =	vst v2;
	v2 =	vsel vm1, $0x3F800000, v0;
	s0 =	sadd.s32 s22, s13;
	vm1 =	veq.s32 v3, v1;
	s13 =	sand.u32 $0x70, s23;
	v3 =	vmov s2;
	s2 =	sand.u32 $0x70, s15  }
0xf8: {  	[tilespmem:s0+$0x8C00] =	vst v2;
	s0 =	sadd.s32 s22, s13  }
.Ltmp5:
0xf9: {  	v2 =	vsel vm1, $0x3F800000, v0;
	vm1 =	veq.s32 v3, v1;
	s13 =	sand.u32 $0x70, s18;
	s18 =	smov.u32 s19;
	(pc) =	sbr.rel @p0 .LBB2_13-.Ltmp5, $4  }
0xfa: {  	[tilespmem:s0+$0x8C80] =	vst v2;
	v2 =	vsel vm1, $0x3F800000, v0;
	s0 =	sadd.s32 s22, s2  }
0xfb: {  	[tilespmem:s0+$0x8D00] =	vst v2;
	v2 =	vsel vm0, $0x3F800000, v0;
	s0 =	sadd.s32 s22, s13  }
0xfc: {  	[tilespmem:s0+$0x8D80] =	vst v2  }
0xfd: {  	v2 =	vld [tilespmem:s14+$0x0]  }
0xfe: {  	_ =	sdelay $0x3  }
0xff: {  	(v2sf) =	vpush v2, $0x4  }
0x100: {  	(v2sf) =	vpush v2, $0x6  }
0x101: {  	(v2sf) =	vpush v2, $0x3  }
0x102: {  	(v2sf) =	vpush v2, $0x1  }
0x103: {  	(v2sf) =	vpush v2, $0x0  }
0x104: {  	(v2sf) =	vpush v2, $0x5  }
0x105: {  	(v2sf) =	vpush v2, $0x2  }
0x106: {  	(v2sf) =	vpush v2, $0xF  }
0x107: {  	(v2sf) =	vpush v2, $0xC  }
0x108: {  	(v2sf) =	vpush v2, $0xA  }
0x109: {  	(v2sf) =	vpush v2, $0x8  }
0x10a: {  	(v2sf) =	vpush v2, $0x7;
	_ =	sdelay $0x1  }
0x10b: {  	(v2sf) =	vpush v2, $0x9;
	_ =	sdelay $0x1  }
0x10c: {  	(v2sf) =	vpush v2, $0xB;
	s0 =	spop (v2sf)  }
0x10d: {  	s2 =	sand.u32 $0xF, s0;
	s13 =	spop (v2sf)  }
0x10e: {  	s0 =	sand.u32 $0x70, s0;
	(v2sf) =	vpush v2, $0xD;
	s15 =	sand.u32 $0xF, s13;
	s14 =	spop (v2sf)  }
0x10f: {  	s19 =	sand.u32 $0x70, s13;
	(v2sf) =	vpush v2, $0xE;
	s13 =	sand.u32 $0xF, s14;
	s17 =	spop (v2sf)  }
0x110: {  	s22 =	sand.u32 $0x70, s14;
	s14 =	sand.u32 $0xF, s17;
	s23 =	spop (v2sf)  }
0x111: {  	s24 =	sand.u32 $0x70, s17;
	s31 =	sand.u32 $0xF, s23;
	s28 =	spop (v2sf)  }
0x112: {  	s23 =	sand.u32 $0x70, s23;
	v3 =	vmov s14;
	s14 =	sshra.s32 s18, $0x2;
	v2 =	vmov s31;
	s31 =	spop (v2sf)  }
0x113: {  	s30 =	sand.u32 $0xF, s28;
	vm0 =	veq.s32 v2, v1;
	s18 =	sand.u32 $0xF, s31;
	s17 =	spop (v2sf)  }
0x114: {  	vm1 =	veq.s32 v3, v1;
	s28 =	sand.u32 $0x70, s28;
	s23 =	sadd.s32 s14, s23;
	v2 =	vsel vm0, $0x3F800000, v0;
	v3 =	vmov s18;
	s18 =	spop (v2sf)  }
0x115: {  	v4 =	vmov s13;
	s31 =	sand.u32 $0x70, s31;
	[tilespmem:s23+$0x8600] =	vst v2;
	v2 =	vsel vm1, $0x3F800000, v0;
	s23 =	sadd.s32 s14, s24;
	vm14 =	veq.s32 v3, v1;
	s24 =	spop (v2sf)  }
0x116: {  	vm15 =	veq.s32 v4, v1;
	s0 =	sadd.s32 s14, s0;
	s31 =	sadd.s32 s14, s31;
	v3 =	vmov s2;
	[tilespmem:s23+$0x8680] =	vst v2;
	v2 =	vsel vm14, $0x3F800000, v0;
	s23 =	spop (v2sf)  }
0x117: {  	s19 =	sadd.s32 s14, s19;
	vm4 =	veq.s32 v3, v1;
	v3 =	vmov s30;
	[tilespmem:s31+$0x8700] =	vst v2;
	v2 =	vsel vm15, $0x3F800000, v0;
	s31 =	sadd.s32 s14, s22;
	s30 =	spop (v2sf)  }
0x118: {  	v4 =	vmov s15;
	s22 =	sand.u32 $0xF, s23;
	vm5 =	veq.s32 v3, v1;
	s2 =	sand.u32 $0x70, s23;
	[tilespmem:s31+$0x8780] =	vst v2;
	v2 =	vsel vm4, $0x3F800000, v0;
	s31 =	sand.u32 $0xF, s30  }
0x119: {  	vm6 =	veq.s32 v4, v1;
	s15 =	sand.u32 $0x70, s30;
	s30 =	sadd.s32 s14, s28;
	[tilespmem:s0+$0x8800] =	vst v2;
	v2 =	vsel vm5, $0x3F800000, v0;
	v3 =	vmov s31;
	s31 =	spop (v2sf)  }
0x11a: {  	s13 =	sand.u32 $0xF, s24;
	v4 =	vmov s22;
	s23 =	sadd.s32 s14, s2;
	[tilespmem:s30+$0x8880] =	vst v2;
	v2 =	vsel vm6, $0x3F800000, v0;
	vm7 =	veq.s32 v3, v1;
	s28 =	sand.u32 $0xF, s31  }
0x11b: {  	vm8 =	veq.s32 v4, v1;
	s22 =	sand.u32 $0x70, s31;
	s30 =	sadd.s32 s14, s15;
	s31 =	spop (v2sf);
	[tilespmem:s19+$0x8900] =	vst v2;
	v2 =	vsel vm7, $0x3F800000, v0;
	v3 =	vmov s28  }
0x11c: {  	v4 =	vmov s13;
	s15 =	sand.u32 $0x70, s24;
	s24 =	sand.u32 $0xF, s31;
	s28 =	sand.u32 $0x70, s31;
	[tilespmem:s30+$0x8980] =	vst v2;
	v2 =	vsel vm8, $0x3F800000, v0;
	vm9 =	veq.s32 v3, v1  }
0x11d: {  	vm10 =	veq.s32 v4, v1;
	s31 =	sand.u32 $0xF, s18;
	s30 =	sadd.s32 s14, s22;
	v3 =	vmov s24;
	s19 =	spop (v2sf);
	[tilespmem:s23+$0x8A00] =	vst v2;
	v2 =	vsel vm9, $0x3F800000, v0  }
0x11e: {  	s15 =	sadd.s32 s14, s15;
	vm11 =	veq.s32 v3, v1;
	v3 =	vmov s31;
	s22 =	sand.u32 $0xF, s19;
	s23 =	spop (v2sf);
	[tilespmem:s30+$0x8A80] =	vst v2;
	v2 =	vsel vm10, $0x3F800000, v0  }
0x11f: {  	s24 =	sadd.s32 s14, s28;
	s28 =	sand.u32 $0x70, s18;
	vm12 =	veq.s32 v3, v1;
	v3 =	vmov s22;
	s30 =	sand.u32 $0xF, s23;
	[tilespmem:s15+$0x8B00] =	vst v2;
	v2 =	vsel vm11, $0x3F800000, v0  }
0x120: {  	s31 =	sand.u32 $0xF, s17;
	s13 =	sadd.s32 s14, s28;
	s22 =	sand.u32 $0x70, s19;
	vm13 =	veq.s32 v3, v1;
	v3 =	vmov s30;
	[tilespmem:s24+$0x8B80] =	vst v2;
	v2 =	vsel vm12, $0x3F800000, v0  }
0x121: {  	v4 =	vmov s31;
	s23 =	sand.u32 $0x70, s23;
	s24 =	sadd.s32 s14, s22;
	vm14 =	veq.s32 v3, v1;
	[tilespmem:s13+$0x8C00] =	vst v2;
	v2 =	vsel vm13, $0x3F800000, v0  }
0x122: {  	s28 =	sand.u32 $0x70, s17;
	vm15 =	veq.s32 v4, v1;
	s30 =	sadd.s32 s14, s23;
	[tilespmem:s24+$0x8C80] =	vst v2;
	v2 =	vsel vm14, $0x3F800000, v0  }
0x123: {  	s31 =	sadd.s32 s14, s28;
	[tilespmem:s30+$0x8D00] =	vst v2;
	v2 =	vsel vm15, $0x3F800000, v0  }
0x124: {  	[tilespmem:s31+$0x8D80] =	vst v2  }
0x125: {  	_ =	swait.ge [sflag:s21], $0x2000  }
0x126: {  	[sflag:s21] =	ssyncset.done $0x0  }
0x127: {  	s18 =	simm.s32 $0x40;
	[sflag:s21] =	ssyncadd.s32 $0xFFFFE000  }
0x128: {  	v2 =	vld [tilespmem:s18+$0x5D0]  }
0x129: {  	v3 =	vld [tilespmem:s18+$0x5E0]  }
0x12a: {  	v4 =	vld [tilespmem:s18+$0x5F0];
	_ =	sdelay $0x2  }
0x12b: {  	v2 =	vsub.f32 $0.0e+00, v2  }
0x12c: {  	v3 =	vsub.f32 $0.0e+00, v3  }
0x12d: {  	v5 =	vld [tilespmem:s18+$0x600];
	v4 =	vsub.f32 $0.0e+00, v4;
	v2 =	vmul.f32 $1.442695020e+00, v2  }
0x12e: {  	v3 =	vmul.f32 $1.442695020e+00, v3  }
0x12f: {  	v4 =	vmul.f32 $1.442695020e+00, v4;
	(erf) = vpow2.f32 v2  }
0x130: {  	v6 =	vld [tilespmem:s18+$0x630];
	(erf) = vpow2.f32 v3  }
0x131: {  	v2 =	vld [tilespmem:s18+$0x620];
	(erf) = vpow2.f32 v4  }
0x132: {  	v3 =	vld [tilespmem:s18+$0x610];
	v4 =	vsub.f32 $0.0e+00, v5;
	_ =	sdelay $0x1  }
0x133: {  	s14 =	simm.s32 $0xC0;
	v4 =	vmul.f32 $1.442695020e+00, v4  }
0x134: {  	v5 =	vsub.f32 $0.0e+00, v6;
	v6 =	vld [tilespmem:s14+$0x5D0]  }
0x135: {  	v7 =	vld [tilespmem:s14+$0x5E0];
	v2 =	vsub.f32 $0.0e+00, v2  }
0x136: {  	v5 =	vmul.f32 $1.442695020e+00, v5;
	v3 =	vsub.f32 $0.0e+00, v3  }
0x137: {  	v8 =	vld [tilespmem:s18+$0x5C0];
	(erf) = vpow2.f32 v4;
	v2 =	vmul.f32 $1.442695020e+00, v2;
	v4 =	vpop (erf)  }
0x138: {  	(erf) = vpow2.f32 v5;
	v5 =	vld [tilespmem:s14+$0x5F0];
	v3 =	vmul.f32 $1.442695020e+00, v3;
	v9 =	vpop (erf)  }
0x139: {  	v6 =	vsub.f32 $0.0e+00, v6;
	(erf) = vpow2.f32 v2;
	v9 =	vadd.f32 $1.000000000e+00, v9;
	v10 =	vpop (erf)  }
0x13a: {  	v2 =	vld [tilespmem:s14+$0x600];
	(erf) = vpow2.f32 v3;
	v3 =	vsub.f32 $0.0e+00, v7;
	v7 =	vadd.f32 $1.000000000e+00, v10  }
0x13b: {  	v6 =	vmul.f32 $1.442695020e+00, v6;
	(erf) = vrcp.f32 v9;
	v9 =	vld [tilespmem:s14+$0x630]  }
0x13c: {  	v3 =	vmul.f32 $1.442695020e+00, v3;
	(erf) = vrcp.f32 v7;
	v7 =	vsub.f32 $0.0e+00, v8  }
0x13d: {  	v5 =	vsub.f32 $0.0e+00, v5  }
0x13e: {  	v8 =	vld [tilespmem:s14+$0x620];
	(erf) = vpow2.f32 v6;
	v7 =	vmul.f32 $1.442695020e+00, v7  }
0x13f: {  	v5 =	vmul.f32 $1.442695020e+00, v5;
	v6 =	vld [tilespmem:s14+$0x610];
	v2 =	vsub.f32 $0.0e+00, v2;
	(erf) = vpow2.f32 v3  }
0x140: {  	v3 =	vpop (erf);
	v9 =	vsub.f32 $0.0e+00, v9  }
0x141: {  	v2 =	vmul.f32 $1.442695020e+00, v2;
	(erf) = vpow2.f32 v5;
	v11 =	vpop (erf)  }
0x142: {  	v5 =	vld [tilespmem:s18+$0x25E0];
	(erf) = vpow2.f32 v7;
	v3 =	vadd.f32 $1.000000000e+00, v3;
	v7 =	vpop (erf);
	v9 =	vmul.f32 $1.442695020e+00, v9  }
0x143: {  	s17 =	simm.s32 $0x140;
	v12 =	vld [tilespmem:s18+$0x25F0];
	v8 =	vsub.f32 $0.0e+00, v8;
	(erf) = vpow2.f32 v2;
	v2 =	vadd.f32 $1.000000000e+00, v7  }
0x144: {  	v4 =	vadd.f32 $1.000000000e+00, v4;
	v6 =	vsub.f32 $0.0e+00, v6;
	(erf) = vrcp.f32 v3;
	v3 =	vld [tilespmem:s17+$0x5D0];
	v13 =	vpop (erf)  }
0x145: {  	v7 =	vld [tilespmem:s17+$0x5E0];
	v8 =	vmul.f32 $1.442695020e+00, v8;
	v14 =	vpop (erf);
	(erf) = vrcp.f32 v2  }
0x146: {  	v10 =	vld [tilespmem:s14+$0x5C0];
	v13 =	vadd.f32 $1.000000000e+00, v13;
	v6 =	vmul.f32 $1.442695020e+00, v6;
	(erf) = vpow2.f32 v9;
	v9 =	vpop (erf)  }
0x147: {  	v5 =	vmul.f32 v14, v5;
	v14 =	vld [tilespmem:s17+$0x5F0];
	v2 =	vpop (erf);
	(erf) = vrcp.f32 v4  }
0x148: {  	v9 =	vmul.f32 v9, v12;
	v4 =	vpop (erf);
	(erf) = vrcp.f32 v13  }
0x149: {  	v15 =	vld [tilespmem:s17+$0x600];
	v3 =	vsub.f32 $0.0e+00, v3;
	v4 =	vadd.f32 $1.000000000e+00, v4;
	(erf) = vpow2.f32 v8  }
0x14a: {  	v20 =	vld [tilespmem:s18+$0x2600];
	[tilespmem:s18+$0x25E0] =	vst v5;
	v8 =	vadd.f32 $1.000000000e+00, v11;
	v11 =	vpop (erf);
	(erf) = vpow2.f32 v6;
	v6 =	vsub.f32 $0.0e+00, v7  }
0x14b: {  	v5 =	vld [tilespmem:s17+$0x610];
	[tilespmem:s18+$0x25F0] =	vst v9;
	v9 =	vsub.f32 $0.0e+00, v10;
	v10 =	vpop (erf);
	v7 =	vadd.f32 $1.000000000e+00, v11;
	(erf) = vrcp.f32 v4  }
0x14c: {  	v12 =	vld [tilespmem:s17+$0x620];
	v11 =	vsub.f32 $0.0e+00, v14;
	v17 =	vpop (erf);
	(erf) = vrcp.f32 v8;
	v14 =	vmul.f32 $1.442695020e+00, v6  }
0x14d: {  	v16 =	vld [tilespmem:s17+$0x630];
	v8 =	vmul.f32 $1.442695020e+00, v3;
	v22 =	vpop (erf)  }
0x14e: {  	v15 =	vsub.f32 $0.0e+00, v15;
	v4 =	vld [tilespmem:s18+$0x2610];
	v19 =	vmul.f32 $1.442695020e+00, v9;
	(erf) = vrcp.f32 v7;
	v3 =	vpop (erf)  }
0x14f: {  	v23 =	vadd.f32 $1.000000000e+00, v10;
	v10 =	vld [tilespmem:s18+$0x2620];
	v18 =	vmul.f32 $1.442695020e+00, v11;
	(erf) = vpow2.f32 v8;
	v7 =	vpop (erf)  }
0x150: {  	v15 =	vmul.f32 $1.442695020e+00, v15;
	v11 =	vld [tilespmem:s18+$0x25D0];
	(erf) = vpow2.f32 v14;
	v14 =	vpop (erf)  }
0x151: {  	v6 =	vld [tilespmem:s17+$0x5C0];
	v13 =	vsub.f32 $0.0e+00, v5;
	v12 =	vsub.f32 $0.0e+00, v12;
	(erf) = vpow2.f32 v18;
	v8 =	vpop (erf)  }
0x152: {  	v5 =	vld [tilespmem:s18+$0x25C0];
	v20 =	vmul.f32 v22, v20;
	v16 =	vsub.f32 $0.0e+00, v16;
	(erf) = vpow2.f32 v19;
	v19 =	vpop (erf)  }
0x153: {  	v21 =	vadd.f32 $1.000000000e+00, v17;
	v9 =	vmul.f32 $1.442695020e+00, v12;
	(erf) = vpow2.f32 v15;
	v15 =	vld [tilespmem:s14+$0x25E0];
	v18 =	vpop (erf)  }
0x154: {  	s19 =	simm.s32 $0x700;
	v12 =	vld [tilespmem:s14+$0x25F0];
	v16 =	vmul.f32 $1.442695020e+00, v16;
	v19 =	vadd.f32 $1.000000000e+00, v19;
	(erf) = vrcp.f32 v23;
	v17 =	vpop (erf)  }
.LBB2_15:
0x155: {  	s22 =	sshra.s32 s19, $0x2;
	p0 =	sne.s32 s19, $0x7F00;
	s19 =	sadd.s32 $0x200, s19;
	v13 =	vmul.f32 $1.442695020e+00, v13;
	v18 =	vadd.f32 $1.000000000e+00, v18;
	(erf) = vrcp.f32 v21;
	v21 =	vld [tilespmem:s18+$0x2630];
	v22 =	vpop (erf)  }
0x156: {  	v24 =	vadd.f32 $1.000000000e+00, v2;
	v11 =	vmul.f32 v14, v11;
	v23 =	vld [tilespmem:s22+$0x5E0];
	(erf) = vrcp.f32 v19;
	[tilespmem:s18+$0x2600] =	vst v20  }
0x157: {  	v14 =	vld [tilespmem:s22+$0x5D0];
	(erf) = vpow2.f32 v16;
	v16 =	vpop (erf)  }
0x158: {  	v7 =	vadd.f32 $1.000000000e+00, v7;
	v2 =	vpop (erf);
	v19 =	vmul.f32 v17, v15;
	v20 =	vld [tilespmem:s14+$0x2600];
	(erf) = vrcp.f32 v24;
	[tilespmem:s18+$0x25D0] =	vst v11  }
0x159: {  	v12 =	vmul.f32 v16, v12;
	v11 =	vld [tilespmem:s22+$0x5F0];
	v17 =	vpop (erf);
	(erf) = vrcp.f32 v18  }
0x15a: {  	v4 =	vmul.f32 v8, v4;
	v16 =	vld [tilespmem:s22+$0x600];
	v24 =	vadd.f32 $1.000000000e+00, v17;
	v18 =	vpop (erf);
	(erf) = vpow2.f32 v9;
	[tilespmem:s14+$0x25E0] =	vst v19  }
0x15b: {  	v9 =	vsub.f32 $0.0e+00, v6;
	v21 =	vmul.f32 v22, v21;
	v8 =	vld [tilespmem:s22+$0x610];
	(erf) = vpow2.f32 v13;
	[tilespmem:s14+$0x25F0] =	vst v12;
	v15 =	vpop (erf)  }
0x15c: {  	v12 =	vsub.f32 $0.0e+00, v14;
	v14 =	vld [tilespmem:s22+$0x620];
	(erf) = vrcp.f32 v24;
	v17 =	vpop (erf);
	[tilespmem:s18+$0x2610] =	vst v4;
	v24 =	vmul.f32 v3, v10  }
0x15d: {  	v13 =	vadd.f32 $1.000000000e+00, v18;
	v10 =	vsub.f32 $0.0e+00, v23;
	v19 =	vld [tilespmem:s22+$0x630];
	(erf) = vrcp.f32 v7;
	[tilespmem:s18+$0x2630] =	vst v21;
	v6 =	vpop (erf)  }
0x15e: {  	v18 =	vmul.f32 $1.442695020e+00, v12;
	v11 =	vsub.f32 $0.0e+00, v11;
	v4 =	vld [tilespmem:s14+$0x2610];
	v22 =	vpop (erf);
	v5 =	vmul.f32 v6, v5;
	[tilespmem:s18+$0x2620] =	vst v24  }
0x15f: {  	v10 =	vmul.f32 $1.442695020e+00, v10;
	v12 =	vsub.f32 $0.0e+00, v16;
	(erf) = vrcp.f32 v13;
	v3 =	vpop (erf)  }
0x160: {  	v16 =	vmul.f32 $1.442695020e+00, v11;
	v13 =	vsub.f32 $0.0e+00, v8;
	(erf) = vpow2.f32 v18;
	v7 =	vpop (erf);
	v11 =	vld [tilespmem:s14+$0x25D0];
	[tilespmem:s18+$0x25C0] =	vst v5;
	s18 =	smov.u32 s14;
	s14 =	smov.u32 s17;
	s17 =	smov.u32 s22  }
.Ltmp6:
0x161: {  	v23 =	vmul.f32 $1.442695020e+00, v9;
	v6 =	vld [tilespmem:s17+$0x5C0];
	v24 =	vsub.f32 $0.0e+00, v14;
	(erf) = vpow2.f32 v10;
	v14 =	vpop (erf);
	(pc) =	sbr.rel @p0 .LBB2_15-.Ltmp6, $4  }
0x162: {  	v21 =	vmul.f32 $1.442695020e+00, v12;
	v19 =	vsub.f32 $0.0e+00, v19;
	(erf) = vpow2.f32 v16;
	v5 =	vld [tilespmem:s18+$0x25C0];
	v8 =	vpop (erf)  }
0x163: {  	v9 =	vmul.f32 $1.442695020e+00, v24;
	v12 =	vld [tilespmem:s14+$0x25F0];
	(erf) = vpow2.f32 v23;
	v10 =	vpop (erf);
	v23 =	vadd.f32 $1.000000000e+00, v15  }
0x164: {  	v16 =	vmul.f32 $1.442695020e+00, v19;
	(erf) = vpow2.f32 v21;
	v15 =	vld [tilespmem:s14+$0x25E0];
	v21 =	vadd.f32 $1.000000000e+00, v17;
	v18 =	vpop (erf)  }
0x165: {  	v20 =	vmul.f32 v22, v20;
	v19 =	vadd.f32 $1.000000000e+00, v10;
	v17 =	vpop (erf);
	v10 =	vld [tilespmem:s18+$0x2620];
	(erf) = vrcp.f32 v23  }
0x166: {  	(erf) = vrcp.f32 v21;
	v62 =	vld [tilespmem:s18+$0x2630]  }
0x167: {  	v22 =	vpop (erf);
	v2 =	vadd.f32 $1.000000000e+00, v2;
	(erf) = vrcp.f32 v19  }
0x168: {  	v11 =	vmul.f32 v14, v11;
	(erf) = vpow2.f32 v16;
	v23 =	vpop (erf)  }
0x169: {  	[tilespmem:s18+$0x2600] =	vst v20;
	(erf) = vrcp.f32 v2;
	v2 =	vmul.f32 v23, v12  }
0x16a: {  	v63 =	vadd.f32 $1.000000000e+00, v18;
	v24 =	vld [tilespmem:s14+$0x2600];
	[tilespmem:s18+$0x25D0] =	vst v11;
	v25 =	vpop (erf)  }
0x16b: {  	v13 =	vmul.f32 $1.442695020e+00, v13;
	v26 =	vpop (erf);
	[tilespmem:s14+$0x25F0] =	vst v2;
	v2 =	vmul.f32 v22, v62  }
0x16c: {  	v15 =	vmul.f32 v17, v15;
	(erf) = vrcp.f32 v63;
	v28 =	vpop (erf)  }
0x16d: {  	v4 =	vmul.f32 v8, v4;
	v27 =	vadd.f32 $1.000000000e+00, v26;
	(erf) = vpow2.f32 v9;
	v29 =	vpop (erf)  }
0x16e: {  	v7 =	vadd.f32 $1.000000000e+00, v7;
	v3 =	vmul.f32 v3, v10;
	[tilespmem:s14+$0x25E0] =	vst v15;
	(erf) = vpow2.f32 v13;
	v30 =	vpop (erf)  }
0x16f: {  	v31 =	vadd.f32 $1.000000000e+00, v28;
	(erf) = vrcp.f32 v27;
	[tilespmem:s18+$0x2630] =	vst v2;
	v2 =	vpop (erf)  }
0x170: {  	v6 =	vsub.f32 $0.0e+00, v6;
	[tilespmem:s18+$0x2610] =	vst v4;
	(erf) = vrcp.f32 v7;
	v2 =	vmul.f32 v2, v5  }
0x171: {  	v32 =	vld [tilespmem:s14+$0x2610];
	[tilespmem:s18+$0x2620] =	vst v3;
	(erf) = vrcp.f32 v31;
	v33 =	vpop (erf)  }
0x172: {  	v34 =	vld [tilespmem:s14+$0x25D0];
	v3 =	vpop (erf);
	[tilespmem:s18+$0x25C0] =	vst v2;
	v2 =	vmul.f32 $1.442695020e+00, v6  }
0x173: {  	v35 =	vpop (erf)  }
0x174: {  	v36 =	vpop (erf);
	(erf) = vpow2.f32 v2;
	v2 =	vadd.f32 $1.000000000e+00, v29  }
0x175: {  	v39 =	vld [tilespmem:s17+$0x25E0];
	v38 =	vpop (erf)  }
0x176: {  	v40 =	vld [tilespmem:s17+$0x25F0];
	v41 =	vpop (erf);
	(erf) = vrcp.f32 v2  }
0x177: {  	v42 =	vpop (erf)  }
0x178: {  	v4 =	vadd.f32 $1.000000000e+00, v30;
	v10 =	vmul.f32 v33, v24;
	v44 =	vld [tilespmem:s14+$0x2630];
	v2 =	vpop (erf)  }
0x179: {  	v43 =	vld [tilespmem:s14+$0x2620];
	v5 =	vmul.f32 v36, v34;
	v46 =	vadd.f32 $1.000000000e+00, v41;
	v45 =	vpop (erf)  }
0x17a: {  	v49 =	vadd.f32 $1.000000000e+00, v25;
	v37 =	vld [tilespmem:s14+$0x25C0];
	[tilespmem:s14+$0x2600] =	vst v10;
	(erf) = vrcp.f32 v4;
	v2 =	vmul.f32 v2, v39;
	v47 =	vpop (erf)  }
0x17b: {  	v48 =	vld [tilespmem:s17+$0x2600];
	[tilespmem:s14+$0x25D0] =	vst v5;
	v51 =	vadd.f32 $1.000000000e+00, v42;
	(erf) = vrcp.f32 v46;
	v50 =	vmul.f32 v47, v40  }
0x17c: {  	v52 =	vadd.f32 $1.000000000e+00, v35;
	(erf) = vrcp.f32 v49;
	[tilespmem:s17+$0x25E0] =	vst v2;
	v2 =	vmul.f32 v38, v32  }
0x17d: {  	v53 =	vmul.f32 v45, v44;
	(erf) = vrcp.f32 v51;
	[tilespmem:s17+$0x25F0] =	vst v50;
	v54 =	vpop (erf)  }
0x17e: {  	(erf) = vrcp.f32 v52;
	[tilespmem:s14+$0x2610] =	vst v2;
	v2 =	vmul.f32 v3, v43;
	v3 =	vadd.f32 $1.000000000e+00, v54  }
0x17f: {  	[tilespmem:s14+$0x2630] =	vst v53;
	v55 =	vpop (erf)  }
0x180: {  	v56 =	vld [tilespmem:s17+$0x2610];
	v4 =	vmul.f32 v55, v37;
	[tilespmem:s14+$0x2620] =	vst v2;
	(erf) = vrcp.f32 v3  }
0x181: {  	v2 =	vld [tilespmem:s17+$0x25D0]  }
0x182: {  	[tilespmem:s14+$0x25C0] =	vst v4  }
0x183: {  	v3 =	vpop (erf);
	v4 =	vld [tilespmem:s17+$0x2630]  }
0x184: {  	v57 =	vpop (erf);
	v58 =	vld [tilespmem:s17+$0x2620]  }
0x185: {  	v60 =	vld [tilespmem:s17+$0x25C0];
	v3 =	vmul.f32 v3, v48;
	v59 =	vpop (erf)  }
0x186: {  	v61 =	vpop (erf);
	v2 =	vmul.f32 v59, v2  }
0x187: {  	[tilespmem:s17+$0x2600] =	vst v3;
	v62 =	vpop (erf);
	v3 =	vmul.f32 v61, v56  }
0x188: {  	[tilespmem:s17+$0x25D0] =	vst v2;
	v2 =	vmul.f32 v62, v4  }
0x189: {  	[tilespmem:s17+$0x2610] =	vst v3;
	v3 =	vmul.f32 v57, v58;
	v63 =	vpop (erf)  }
0x18a: {  	[tilespmem:s17+$0x2630] =	vst v2;
	v2 =	vmul.f32 v63, v60  }
0x18b: {  	[tilespmem:s17+$0x2620] =	vst v3  }
0x18c: {  	s0 =	simm.s32 $0x400;
	s2 =	simm.s32 $0x2600;
	s14 =	simm.s32 $0x40;
	[tilespmem:s17+$0x25C0] =	vst v2  }
0x18d: {  	[spmem:s3] =	stream.indirect.scatter.add.f32 [tilespmem:s2], [sflag:$0x3], $0x80, s0, s14, $0xb8;
	[tilespmem:$0x1F600] =	vst v63  }
0x18e: {  	s15 =	simm.s32 $0x500  }
0x18f: {  	[spmem:s3] =	stream.indirect.scatter.add.f32 [tilespmem:s25], [sflag:$0x4], $0x80, s15, s14, $0xb8;
	[tilespmem:$0x1F600] =	vst v63  }
0x190: {  	_ =	swait.ge [sflag:s26], $0x4000  }
0x191: {  	[sflag:s26] =	ssyncset.done $0x0  }
0x192: {  	s17 =	simm.s32 $0x380;
	[sflag:s26] =	ssyncadd.s32 $0xFFFFC000  }
0x193: {  	[tilespmem:s20], [sflag:$0x2] =	stream.indirect.gather.add.f32 [hbm:s5], $0x80, s17, s14, $0xb8;
	[tilespmem:$0x1F600] =	vst v63  }
0x194: {  	_ =	swait.ge [sflag:s29], $0x2000  }
0x195: {  	[sflag:s29] =	ssyncset.done $0x0  }
0x196: {  	[sflag:s29] =	ssyncadd.s32 $0xFFFFE000  }
0x197: {  	v2 =	vld [tilespmem:s14+$0x0];
	_ =	sdelay $0x4  }
0x198: {  	(v2sf) =	vpush v2, $0x0  }
0x199: {  	(v2sf) =	vpush v2, $0x1  }
0x19a: {  	(v2sf) =	vpush v2, $0x2  }
0x19b: {  	(v2sf) =	vpush v2, $0x3  }
0x19c: {  	(v2sf) =	vpush v2, $0x4  }
0x19d: {  	(v2sf) =	vpush v2, $0x5  }
0x19e: {  	(v2sf) =	vpush v2, $0x6  }
0x19f: {  	(v2sf) =	vpush v2, $0x7  }
0x1a0: {  	(v2sf) =	vpush v2, $0x8  }
0x1a1: {  	(v2sf) =	vpush v2, $0x9  }
0x1a2: {  	(v2sf) =	vpush v2, $0xA  }
0x1a3: {  	(v2sf) =	vpush v2, $0xB  }
0x1a4: {  	(v2sf) =	vpush v2, $0xC  }
0x1a5: {  	(v2sf) =	vpush v2, $0xD  }
0x1a6: {  	(v2sf) =	vpush v2, $0xE  }
0x1a7: {  	s18 =	spop (v2sf);
	(v2sf) =	vpush v2, $0xF  }
0x1a8: {  	s0 =	sand.u32 $0x70, s18;
	s19 =	spop (v2sf)  }
0x1a9: {  	s0 =	sadd.s32 $0x0, s0;
	s2 =	sand.u32 $0x70, s19;
	s13 =	spop (v2sf)  }
0x1aa: {  	[tilespmem:s0+$0x8600] =	vst v0;
	s22 =	sadd.s32 $0x0, s2;
	s23 =	sand.u32 $0x70, s13;
	s24 =	spop (v2sf)  }
0x1ab: {  	[tilespmem:s22+$0x8680] =	vst v0;
	s28 =	sadd.s32 $0x0, s23;
	s30 =	sand.u32 $0x70, s24;
	s31 =	spop (v2sf)  }
0x1ac: {  	[tilespmem:s28+$0x8700] =	vst v0;
	s2 =	sadd.s32 $0x0, s30;
	s13 =	sand.u32 $0x70, s31;
	s15 =	spop (v2sf)  }
0x1ad: {  	[tilespmem:s2+$0x8780] =	vst v0;
	s17 =	sadd.s32 $0x0, s13;
	s18 =	sand.u32 $0x70, s15;
	s19 =	spop (v2sf)  }
0x1ae: {  	[tilespmem:s17+$0x8800] =	vst v0;
	s22 =	sadd.s32 $0x0, s18;
	s23 =	sand.u32 $0x70, s19;
	s24 =	spop (v2sf)  }
0x1af: {  	[tilespmem:s22+$0x8880] =	vst v0;
	s28 =	sadd.s32 $0x0, s23;
	s30 =	sand.u32 $0x70, s24;
	s31 =	spop (v2sf)  }
0x1b0: {  	[tilespmem:s28+$0x8900] =	vst v0;
	s2 =	sadd.s32 $0x0, s30;
	s13 =	sand.u32 $0x70, s31;
	s15 =	spop (v2sf)  }
0x1b1: {  	[tilespmem:s2+$0x8980] =	vst v0;
	s17 =	sadd.s32 $0x0, s13;
	s18 =	sand.u32 $0x70, s15;
	s19 =	spop (v2sf)  }
0x1b2: {  	[tilespmem:s17+$0x8A00] =	vst v0;
	s22 =	sadd.s32 $0x0, s18;
	s23 =	sand.u32 $0x70, s19;
	s24 =	spop (v2sf)  }
0x1b3: {  	[tilespmem:s22+$0x8A80] =	vst v0;
	s28 =	sadd.s32 $0x0, s23;
	s30 =	sand.u32 $0x70, s24;
	s31 =	spop (v2sf)  }
0x1b4: {  	[tilespmem:s28+$0x8B00] =	vst v0;
	s2 =	sadd.s32 $0x0, s30;
	s15 =	sand.u32 $0x70, s31;
	s17 =	spop (v2sf)  }
0x1b5: {  	[tilespmem:s2+$0x8B80] =	vst v0;
	s18 =	sadd.s32 $0x0, s15;
	s19 =	sand.u32 $0x70, s17;
	s22 =	spop (v2sf)  }
0x1b6: {  	[tilespmem:s18+$0x8C00] =	vst v0;
	s23 =	sadd.s32 $0x0, s19;
	s24 =	sand.u32 $0x70, s22;
	s28 =	spop (v2sf)  }
0x1b7: {  	[tilespmem:s23+$0x8C80] =	vst v0;
	s30 =	sadd.s32 $0x0, s24;
	s31 =	sand.u32 $0x70, s28  }
0x1b8: {  	s17 =	simm.s32 $0x2000;
	[tilespmem:s30+$0x8D00] =	vst v0;
	s18 =	sadd.s32 $0x0, s31  }
.LBB2_17:
0x1b9: {  	p0 =	sne.s32 s17, $0x6000  }
0x1ba: {  	[tilespmem:s18+$0x8D80] =	vst v0;
	s14 =	sadd.s32 $0x10, s14;
	s0 =	smov.u32 s17;
	s17 =	sadd.s32 $0x2000, s17  }
0x1bb: {  	_ =	sdelay $0x1  }
0x1bc: {  	v2 =	vld [tilespmem:s14+$0x0];
	_ =	sdelay $0x4  }
0x1bd: {  	(v2sf) =	vpush v2, $0x0  }
0x1be: {  	(v2sf) =	vpush v2, $0x1  }
0x1bf: {  	(v2sf) =	vpush v2, $0x2  }
0x1c0: {  	(v2sf) =	vpush v2, $0x3  }
0x1c1: {  	(v2sf) =	vpush v2, $0x4  }
0x1c2: {  	(v2sf) =	vpush v2, $0x5  }
0x1c3: {  	(v2sf) =	vpush v2, $0x6  }
0x1c4: {  	(v2sf) =	vpush v2, $0x7  }
0x1c5: {  	(v2sf) =	vpush v2, $0x8  }
0x1c6: {  	(v2sf) =	vpush v2, $0x9  }
0x1c7: {  	(v2sf) =	vpush v2, $0xA  }
0x1c8: {  	(v2sf) =	vpush v2, $0xB  }
0x1c9: {  	(v2sf) =	vpush v2, $0xC  }
0x1ca: {  	(v2sf) =	vpush v2, $0xD  }
0x1cb: {  	(v2sf) =	vpush v2, $0xE  }
0x1cc: {  	s2 =	spop (v2sf);
	(v2sf) =	vpush v2, $0xF  }
0x1cd: {  	s18 =	sshra.s32 s0, $0x2;
	s2 =	sand.u32 $0x70, s2;
	s0 =	spop (v2sf)  }
0x1ce: {  	s2 =	sadd.s32 s18, s2;
	s0 =	sand.u32 $0x70, s0;
	s13 =	spop (v2sf)  }
0x1cf: {  	[tilespmem:s2+$0x8600] =	vst v0;
	s0 =	sadd.s32 s18, s0;
	s2 =	sand.u32 $0x70, s13;
	s13 =	spop (v2sf)  }
0x1d0: {  	[tilespmem:s0+$0x8680] =	vst v0;
	s0 =	sadd.s32 s18, s2;
	s2 =	sand.u32 $0x70, s13;
	s13 =	spop (v2sf)  }
0x1d1: {  	[tilespmem:s0+$0x8700] =	vst v0;
	s0 =	sadd.s32 s18, s2;
	s2 =	sand.u32 $0x70, s13;
	s13 =	spop (v2sf)  }
0x1d2: {  	[tilespmem:s0+$0x8780] =	vst v0;
	s0 =	sadd.s32 s18, s2;
	s2 =	sand.u32 $0x70, s13;
	s13 =	spop (v2sf)  }
0x1d3: {  	[tilespmem:s0+$0x8800] =	vst v0;
	s0 =	sadd.s32 s18, s2;
	s2 =	sand.u32 $0x70, s13;
	s13 =	spop (v2sf)  }
0x1d4: {  	[tilespmem:s0+$0x8880] =	vst v0;
	s0 =	sadd.s32 s18, s2;
	s2 =	sand.u32 $0x70, s13;
	s13 =	spop (v2sf)  }
0x1d5: {  	[tilespmem:s0+$0x8900] =	vst v0;
	s0 =	sadd.s32 s18, s2;
	s2 =	sand.u32 $0x70, s13;
	s13 =	spop (v2sf)  }
0x1d6: {  	[tilespmem:s0+$0x8980] =	vst v0;
	s0 =	sadd.s32 s18, s2;
	s2 =	sand.u32 $0x70, s13;
	s13 =	spop (v2sf)  }
0x1d7: {  	[tilespmem:s0+$0x8A00] =	vst v0;
	s0 =	sadd.s32 s18, s2;
	s2 =	sand.u32 $0x70, s13;
	s13 =	spop (v2sf)  }
0x1d8: {  	[tilespmem:s0+$0x8A80] =	vst v0;
	s0 =	sadd.s32 s18, s2;
	s2 =	sand.u32 $0x70, s13;
	s13 =	spop (v2sf)  }
0x1d9: {  	[tilespmem:s0+$0x8B00] =	vst v0;
	s0 =	sadd.s32 s18, s2  }
.Ltmp7:
0x1da: {  	s2 =	sand.u32 $0x70, s13;
	s13 =	spop (v2sf);
	(pc) =	sbr.rel @p0 .LBB2_17-.Ltmp7, $4  }
0x1db: {  	[tilespmem:s0+$0x8B80] =	vst v0;
	s0 =	sadd.s32 s18, s2;
	s2 =	sand.u32 $0x70, s13;
	s13 =	spop (v2sf)  }
0x1dc: {  	[tilespmem:s0+$0x8C00] =	vst v0;
	s0 =	sadd.s32 s18, s2;
	s2 =	sand.u32 $0x70, s13;
	s13 =	spop (v2sf)  }
0x1dd: {  	[tilespmem:s0+$0x8C80] =	vst v0;
	s0 =	sadd.s32 s18, s2;
	s2 =	sand.u32 $0x70, s13  }
0x1de: {  	[tilespmem:s0+$0x8D00] =	vst v0;
	s18 =	sadd.s32 s18, s2  }
0x1df: {  	p0 =	seq.s32 s8, $0x27  }
.Ltmp8:
0x1e0: {  	_ = 	snop;
	(pc) =	sbr.rel @p0 .LBB2_20-.Ltmp8, $2  }
0x1e1: {  	_ =	sdelay $0x2  }
0x1e2: {  	[tilespmem:s18+$0x8D80] =	vst v0  }
0x1e3: {  	s0 =	sadd.s32 s6, s7  }
0x1e4: {  	_ =	swait.ge [sflag:s1], $0x2000;
	s0 =	smul.u32 $0xC0, s0  }
0x1e5: {  	[sflag:s1] =	ssyncset.done $0x0  }
0x1e6: {  	s2 =	rddreg [dreg:$0x1];
	s0 =	sshrl.u32 s0, $0x3  }
0x1e7: {  	s0 =	sadd.s32 s2, s0  }
0x1e8: {  	[sflag:s1] =	ssyncadd.s32 $0xFFFFE000;
	s0 =	sadd.s32 $0x18, s0  }
0x1e9: {  	[tilespmem:s4], [sflag:$0x5] =	stream.linear.gather [hbm4b:s0+s4], $0xC0, $0x38;
	[tilespmem:$0x1F600] =	vst v63  }
0x1ea: {  	_ =	swait.ge [sflag:s12], $0xC0  }
0x1eb: {  	[sflag:s12] =	ssyncset.done $0x0  }
0x1ec: {  	[sflag:s12] =	ssyncadd.s32 $0xFFFFFF40  }
0x1ed: {  	v2 =	vld [tilespmem:$0x80]  }
0x1ee: {  	v3 =	vld [tilespmem:$0x40]  }
0x1ef: {  	v4 =	vld [tilespmem:$0x0]  }
0x1f0: {  	v7 =	vld [tilespmem:$0x50]  }
0x1f1: {  	v5 =	vld [tilespmem:$0x90]  }
0x1f2: {  	v61 =	vld [tilespmem:$0x70];
	v2 =	vmul.u32 $0x2800, v2;
	_ =	sdelay $0x1  }
0x1f3: {  	v56 =	vld [tilespmem:$0x10];
	[tilespmem:$0x400] =	vst v3;
	v6 =	vadd.s32 v3, v2;
	v2 =	vadd.s32 v2, v4  }
0x1f4: {  	[tilespmem:$0x410] =	vst v7;
	v2 =	vadd.s32 $0xA000, v2  }
0x1f5: {  	v57 =	vld [tilespmem:$0xA0];
	v5 =	vmul.u32 $0x2800, v5;
	[tilespmem:$0x300] =	vst v2;
	v2 =	vshrl.u32 v3, $0x7  }
0x1f6: {  	[tilespmem:$0x430] =	vst v61;
	v2 =	vadd.s32 $0x2800, v2  }
0x1f7: {  	v3 =	vld [tilespmem:$0x60];
	[tilespmem:$0x500] =	vst v2;
	v2 =	vadd.s32 v7, v5  }
0x1f8: {  	v58 =	vld [tilespmem:$0x20];
	v55 =	vadd.s32 $0x14000, v4;
	v4 =	vadd.s32 v5, v56;
	[tilespmem:$0x210] =	vst v2;
	v2 =	vadd.s32 $0x14000, v56  }
0x1f9: {  	[tilespmem:$0x250] =	vst v2;
	v2 =	vadd.s32 $0xA000, v4  }
0x1fa: {  	v60 =	vld [tilespmem:$0xB0];
	v59 =	vmul.u32 $0x2800, v57;
	[tilespmem:$0x310] =	vst v2;
	v2 =	vshrl.u32 v7, $0x7  }
0x1fb: {  	[tilespmem:$0x240] =	vst v55;
	v2 =	vadd.s32 $0x2800, v2  }
0x1fc: {  	[tilespmem:$0x510] =	vst v2;
	v2 =	vadd.s32 v3, v59  }
0x1fd: {  	v62 =	vld [tilespmem:$0x30];
	v4 =	vadd.s32 v59, v58;
	[tilespmem:$0x220] =	vst v2;
	v2 =	vadd.s32 $0x14000, v58  }
0x1fe: {  	[tilespmem:$0x260] =	vst v2;
	v2 =	vadd.s32 $0xA000, v4  }
0x1ff: {  	v63 =	vmul.u32 $0x2800, v60;
	[tilespmem:$0x320] =	vst v2;
	v2 =	vshrl.u32 v3, $0x7  }
0x200: {  	[tilespmem:$0x420] =	vst v3;
	v2 =	vadd.s32 $0x2800, v2  }
0x201: {  	[tilespmem:$0x520] =	vst v2;
	v2 =	vadd.s32 v61, v63  }
0x202: {  	v3 =	vadd.s32 v63, v62;
	[tilespmem:$0x230] =	vst v2;
	v2 =	vadd.s32 $0x14000, v62  }
0x203: {  	[tilespmem:$0x270] =	vst v2;
	v2 =	vadd.s32 $0xA000, v3  }
0x204: {  	[tilespmem:$0x330] =	vst v2;
	v2 =	vshrl.u32 v61, $0x7  }
0x205: {  	[tilespmem:$0x200] =	vst v6;
	v2 =	vadd.s32 $0x2800, v2  }
0x206: {  	s28 =	simm.s32 $0x80;
	s30 =	simm.s32 $0x200;
	s31 =	simm.s32 $0x600;
	[tilespmem:$0x530] =	vst v2  }
0x207: {  	[tilespmem:s31], [sflag:$0x1] =	stream.indirect.gather [hbm4b:s5+s28], $0x80, s30, s28, $0xb8;
	[tilespmem:$0x1F600] =	vst v63  }
.LBB2_20:
0x208: {  	s7 =	simm.s32 $0x140  }
0x209: {  	s18 =	simm.s32 $0x0;
	s14 =	simm.s32 $0x2000;
	v2 =	vld [tilespmem:s7+$0x0]  }
.LBB2_21:
0x20a: {  	_ =	sdelay $0x2  }
0x20b: {  	p0 =	sne.s32 s14, $0x6000  }
0x20c: {  	s7 =	sadd.s32 $0x10, s7;
	s17 =	smov.u32 s14;
	s14 =	sadd.s32 $0x2000, s14;
	(v2sf) =	vpush v2, $0x4  }
0x20d: {  	(v2sf) =	vpush v2, $0x6  }
0x20e: {  	(v2sf) =	vpush v2, $0x3  }
0x20f: {  	(v2sf) =	vpush v2, $0x1  }
0x210: {  	(v2sf) =	vpush v2, $0x0  }
0x211: {  	(v2sf) =	vpush v2, $0x5  }
0x212: {  	(v2sf) =	vpush v2, $0x2  }
0x213: {  	(v2sf) =	vpush v2, $0xF  }
0x214: {  	(v2sf) =	vpush v2, $0xC  }
0x215: {  	(v2sf) =	vpush v2, $0xA  }
0x216: {  	(v2sf) =	vpush v2, $0x8  }
0x217: {  	(v2sf) =	vpush v2, $0x7;
	_ =	sdelay $0x1  }
0x218: {  	(v2sf) =	vpush v2, $0x9;
	_ =	sdelay $0x1  }
0x219: {  	s0 =	spop (v2sf);
	(v2sf) =	vpush v2, $0xB  }
0x21a: {  	s2 =	sand.u32 $0xF, s0;
	s24 =	sand.u32 $0x70, s0;
	s0 =	spop (v2sf)  }
0x21b: {  	v3 =	vmov s2;
	s2 =	sand.u32 $0xF, s0;
	s22 =	sand.u32 $0x70, s0;
	s0 =	spop (v2sf);
	(v2sf) =	vpush v2, $0xD  }
0x21c: {  	s13 =	sand.u32 $0xF, s0;
	s0 =	sand.u32 $0x70, s0;
	vm2 =	veq.s32 v3, v1;
	v3 =	vmov s2;
	s2 =	spop (v2sf);
	(v2sf) =	vpush v2, $0xE  }
0x21d: {  	s15 =	sand.u32 $0xF, s2;
	s2 =	sand.u32 $0x70, s2;
	v2 =	vmov s13;
	vm1 =	veq.s32 v3, v1;
	s13 =	spop (v2sf)  }
0x21e: {  	s19 =	sand.u32 $0xF, s13;
	s13 =	sand.u32 $0x70, s13;
	v3 =	vmov s15;
	vm3 =	veq.s32 v2, v1;
	s15 =	spop (v2sf)  }
0x21f: {  	v2 =	vmov s19;
	vm0 =	veq.s32 v3, v1;
	s23 =	sand.u32 $0xF, s15;
	s15 =	sand.u32 $0x70, s15;
	s28 =	spop (v2sf)  }
0x220: {  	s19 =	sshra.s32 s18, $0x2;
	vm4 =	veq.s32 v2, v1;
	s30 =	sand.u32 $0xF, s28;
	v2 =	vmov s23;
	s18 =	spop (v2sf)  }
0x221: {  	s13 =	sadd.s32 s19, s13;
	v3 =	vsel vm4, $0x3F800000, v0;
	v4 =	vmov s30;
	vm4 =	veq.s32 v2, v1;
	s30 =	sand.u32 $0xF, s18;
	s23 =	spop (v2sf)  }
0x222: {  	s2 =	sadd.s32 s19, s2;
	v2 =	vsel vm0, $0x3F800000, v0;
	[tilespmem:s13+$0x8600] =	vst v3;
	vm0 =	veq.s32 v4, v1;
	s13 =	sand.u32 $0x70, s28;
	v3 =	vmov s30;
	s28 =	spop (v2sf)  }
0x223: {  	[tilespmem:s2+$0x8680] =	vst v2;
	v2 =	vsel vm0, $0x3F800000, v0;
	s2 =	sadd.s32 s19, s13;
	s13 =	sand.u32 $0xF, s28;
	vm0 =	veq.s32 v3, v1;
	s30 =	spop (v2sf)  }
0x224: {  	s0 =	sadd.s32 s19, s0;
	[tilespmem:s2+$0x8700] =	vst v2;
	v2 =	vsel vm3, $0x3F800000, v0;
	s2 =	sand.u32 $0xF, s30;
	v3 =	vmov s13;
	s13 =	spop (v2sf)  }
0x225: {  	[tilespmem:s0+$0x8780] =	vst v2;
	v2 =	vsel vm2, $0x3F800000, v0;
	s0 =	sadd.s32 s19, s24;
	s24 =	sand.u32 $0xF, s13;
	s13 =	sand.u32 $0x70, s13;
	v4 =	vmov s2;
	vm2 =	veq.s32 v3, v1  }
0x226: {  	s2 =	sand.u32 $0x70, s30;
	[tilespmem:s0+$0x8800] =	vst v2;
	v2 =	vsel vm4, $0x3F800000, v0;
	s0 =	sadd.s32 s19, s15;
	v3 =	vmov s24;
	vm3 =	veq.s32 v4, v1;
	s15 =	spop (v2sf)  }
0x227: {  	[tilespmem:s0+$0x8880] =	vst v2;
	v2 =	vsel vm1, $0x3F800000, v0;
	s0 =	sadd.s32 s19, s22;
	vm1 =	veq.s32 v3, v1;
	s22 =	sand.u32 $0xF, s15;
	s15 =	sand.u32 $0x70, s15  }
0x228: {  	[tilespmem:s0+$0x8900] =	vst v2;
	v2 =	vsel vm1, $0x3F800000, v0;
	s0 =	sadd.s32 s19, s13;
	v3 =	vmov s22;
	s13 =	sand.u32 $0x70, s28;
	s22 =	spop (v2sf)  }
0x229: {  	[tilespmem:s0+$0x8980] =	vst v2;
	v2 =	vsel vm3, $0x3F800000, v0;
	s0 =	sadd.s32 s19, s2;
	vm1 =	veq.s32 v3, v1;
	s2 =	sand.u32 $0xF, s22;
	s22 =	sand.u32 $0x70, s22  }
0x22a: {  	[tilespmem:s0+$0x8A00] =	vst v2;
	v2 =	vsel vm1, $0x3F800000, v0;
	s0 =	sadd.s32 s19, s15;
	v3 =	vmov s2;
	s2 =	sand.u32 $0xF, s23;
	s15 =	spop (v2sf)  }
0x22b: {  	[tilespmem:s0+$0x8A80] =	vst v2;
	s0 =	sadd.s32 s19, s13  }
0x22c: {  	v2 =	vsel vm2, $0x3F800000, v0;
	vm1 =	veq.s32 v3, v1;
	v3 =	vmov s2;
	s2 =	sand.u32 $0xF, s15;
	s13 =	spop (v2sf);
	s15 =	sand.u32 $0x70, s15  }
0x22d: {  	[tilespmem:s0+$0x8B00] =	vst v2;
	v2 =	vsel vm1, $0x3F800000, v0;
	s0 =	sadd.s32 s19, s22;
	vm1 =	veq.s32 v3, v1;
	s22 =	sand.u32 $0x70, s23;
	v3 =	vmov s2;
	s2 =	sand.u32 $0xF, s13  }
0x22e: {  	[tilespmem:s0+$0x8B80] =	vst v2;
	v2 =	vsel vm1, $0x3F800000, v0;
	s0 =	sadd.s32 s19, s22;
	vm1 =	veq.s32 v3, v1;
	v3 =	vmov s2;
	s2 =	sand.u32 $0x70, s13;
	s13 =	sand.u32 $0x70, s18  }
.Ltmp9:
0x22f: {  	s18 =	smov.u32 s17;
	[tilespmem:s0+$0x8C00] =	vst v2;
	v2 =	vsel vm1, $0x3F800000, v0;
	s0 =	sadd.s32 s19, s15;
	vm1 =	veq.s32 v3, v1;
	(pc) =	sbr.rel @p0 .LBB2_21-.Ltmp9, $4  }
0x230: {  	[tilespmem:s0+$0x8C80] =	vst v2;
	v2 =	vsel vm1, $0x3F800000, v0;
	s0 =	sadd.s32 s19, s2  }
0x231: {  	[tilespmem:s0+$0x8D00] =	vst v2;
	v2 =	vsel vm0, $0x3F800000, v0;
	s0 =	sadd.s32 s19, s13  }
0x232: {  	[tilespmem:s0+$0x8D80] =	vst v2  }
0x233: {  	v2 =	vld [tilespmem:s7+$0x0]  }
0x234: {  	_ =	sdelay $0x3  }
0x235: {  	(v2sf) =	vpush v2, $0x4  }
0x236: {  	(v2sf) =	vpush v2, $0x6  }
0x237: {  	(v2sf) =	vpush v2, $0x3  }
0x238: {  	(v2sf) =	vpush v2, $0x1  }
0x239: {  	(v2sf) =	vpush v2, $0x0  }
0x23a: {  	(v2sf) =	vpush v2, $0x5  }
0x23b: {  	(v2sf) =	vpush v2, $0x2  }
0x23c: {  	(v2sf) =	vpush v2, $0xF  }
0x23d: {  	(v2sf) =	vpush v2, $0xC  }
0x23e: {  	(v2sf) =	vpush v2, $0xA  }
0x23f: {  	(v2sf) =	vpush v2, $0x8  }
0x240: {  	(v2sf) =	vpush v2, $0x7;
	_ =	sdelay $0x1  }
0x241: {  	(v2sf) =	vpush v2, $0x9;
	_ =	sdelay $0x1  }
0x242: {  	(v2sf) =	vpush v2, $0xB;
	s0 =	spop (v2sf)  }
0x243: {  	s2 =	sand.u32 $0xF, s0;
	s7 =	spop (v2sf)  }
0x244: {  	s0 =	sand.u32 $0x70, s0;
	(v2sf) =	vpush v2, $0xD;
	s13 =	sand.u32 $0xF, s7;
	s14 =	spop (v2sf)  }
0x245: {  	s19 =	sand.u32 $0x70, s7;
	(v2sf) =	vpush v2, $0xE;
	s7 =	sshra.s32 s18, $0x2;
	s30 =	spop (v2sf)  }
0x246: {  	s15 =	sand.u32 $0xF, s14;
	s22 =	sand.u32 $0x70, s14;
	s17 =	spop (v2sf)  }
0x247: {  	s0 =	sadd.s32 s7, s0;
	s31 =	sand.u32 $0xF, s17;
	s24 =	spop (v2sf)  }
0x248: {  	s14 =	sand.u32 $0xF, s30;
	s23 =	sand.u32 $0x70, s30;
	v2 =	vmov s31;
	s30 =	spop (v2sf)  }
0x249: {  	s17 =	sand.u32 $0x70, s17;
	v3 =	vmov s14;
	vm0 =	veq.s32 v2, v1;
	s18 =	sand.u32 $0xF, s30;
	s14 =	spop (v2sf)  }
0x24a: {  	s28 =	sand.u32 $0xF, s24;
	vm1 =	veq.s32 v3, v1;
	s31 =	sadd.s32 s7, s17;
	v2 =	vsel vm0, $0x3F800000, v0;
	v3 =	vmov s18;
	s17 =	spop (v2sf)  }
0x24b: {  	v4 =	vmov s15;
	s30 =	sand.u32 $0x70, s30;
	s18 =	sadd.s32 s7, s23;
	[tilespmem:s31+$0x8600] =	vst v2;
	v2 =	vsel vm1, $0x3F800000, v0;
	vm14 =	veq.s32 v3, v1;
	s23 =	spop (v2sf)  }
0x24c: {  	vm15 =	veq.s32 v4, v1;
	s24 =	sand.u32 $0x70, s24;
	v3 =	vmov s2;
	s31 =	sadd.s32 s7, s30;
	[tilespmem:s18+$0x8680] =	vst v2;
	v2 =	vsel vm14, $0x3F800000, v0;
	s18 =	spop (v2sf)  }
0x24d: {  	s30 =	sadd.s32 s7, s22;
	s15 =	sand.u32 $0xF, s23;
	vm4 =	veq.s32 v3, v1;
	v3 =	vmov s28;
	[tilespmem:s31+$0x8700] =	vst v2;
	v2 =	vsel vm15, $0x3F800000, v0;
	s31 =	spop (v2sf)  }
0x24e: {  	v4 =	vmov s13;
	s28 =	sadd.s32 s7, s19;
	s22 =	sand.u32 $0xF, s18;
	vm5 =	veq.s32 v3, v1;
	[tilespmem:s30+$0x8780] =	vst v2;
	v2 =	vsel vm4, $0x3F800000, v0;
	s30 =	sand.u32 $0xF, s31  }
0x24f: {  	vm6 =	veq.s32 v4, v1;
	s13 =	sand.u32 $0x70, s31;
	s31 =	sadd.s32 s7, s24;
	s24 =	spop (v2sf);
	[tilespmem:s0+$0x8800] =	vst v2;
	v2 =	vsel vm5, $0x3F800000, v0;
	v3 =	vmov s30  }
0x250: {  	s2 =	sand.u32 $0x70, s18;
	v4 =	vmov s22;
	s30 =	sand.u32 $0xF, s24;
	s18 =	sand.u32 $0x70, s24;
	[tilespmem:s31+$0x8880] =	vst v2;
	v2 =	vsel vm6, $0x3F800000, v0;
	vm7 =	veq.s32 v3, v1  }
0x251: {  	vm8 =	veq.s32 v4, v1;
	s22 =	spop (v2sf);
	s31 =	sadd.s32 s7, s13;
	v3 =	vmov s30;
	s13 =	sand.u32 $0x70, s23;
	[tilespmem:s28+$0x8900] =	vst v2;
	v2 =	vsel vm7, $0x3F800000, v0  }
0x252: {  	v4 =	vmov s15;
	s23 =	sadd.s32 s7, s2;
	s24 =	sand.u32 $0xF, s22;
	s30 =	sadd.s32 s7, s18;
	vm9 =	veq.s32 v3, v1;
	[tilespmem:s31+$0x8980] =	vst v2;
	v2 =	vsel vm8, $0x3F800000, v0  }
0x253: {  	vm10 =	veq.s32 v4, v1;
	s28 =	sand.u32 $0x70, s22;
	v3 =	vmov s24;
	s31 =	sand.u32 $0xF, s17;
	s18 =	spop (v2sf);
	[tilespmem:s23+$0x8A00] =	vst v2;
	v2 =	vsel vm9, $0x3F800000, v0  }
0x254: {  	s19 =	sadd.s32 s7, s13;
	vm11 =	veq.s32 v3, v1;
	v3 =	vmov s31;
	s22 =	sand.u32 $0xF, s18;
	s23 =	spop (v2sf);
	[tilespmem:s30+$0x8A80] =	vst v2;
	v2 =	vsel vm10, $0x3F800000, v0  }
0x255: {  	s24 =	sadd.s32 s7, s28;
	s28 =	sand.u32 $0x70, s17;
	vm12 =	veq.s32 v3, v1;
	v3 =	vmov s22;
	s30 =	sand.u32 $0xF, s23;
	[tilespmem:s19+$0x8B00] =	vst v2;
	v2 =	vsel vm11, $0x3F800000, v0  }
0x256: {  	s31 =	sand.u32 $0xF, s14;
	s22 =	sand.u32 $0x70, s18;
	s19 =	sadd.s32 s7, s28;
	vm13 =	veq.s32 v3, v1;
	v3 =	vmov s30;
	[tilespmem:s24+$0x8B80] =	vst v2;
	v2 =	vsel vm12, $0x3F800000, v0  }
0x257: {  	v4 =	vmov s31;
	s23 =	sand.u32 $0x70, s23;
	s24 =	sadd.s32 s7, s22;
	vm14 =	veq.s32 v3, v1;
	[tilespmem:s19+$0x8C00] =	vst v2;
	v2 =	vsel vm13, $0x3F800000, v0  }
0x258: {  	vm15 =	veq.s32 v4, v1;
	s28 =	sand.u32 $0x70, s14;
	s30 =	sadd.s32 s7, s23;
	[tilespmem:s24+$0x8C80] =	vst v2;
	v2 =	vsel vm14, $0x3F800000, v0  }
0x259: {  	s31 =	sadd.s32 s7, s28;
	[tilespmem:s30+$0x8D00] =	vst v2;
	v2 =	vsel vm15, $0x3F800000, v0  }
0x25a: {  	[tilespmem:s31+$0x8D80] =	vst v2  }
0x25b: {  	_ =	swait.ge [sflag:s21], $0x2000  }
0x25c: {  	[sflag:s21] =	ssyncset.done $0x0  }
0x25d: {  	s17 =	simm.s32 $0x40;
	[sflag:s21] =	ssyncadd.s32 $0xFFFFE000  }
0x25e: {  	v2 =	vld [tilespmem:s17+$0x45D0]  }
0x25f: {  	v3 =	vld [tilespmem:s17+$0x45E0]  }
0x260: {  	v4 =	vld [tilespmem:s17+$0x45F0];
	_ =	sdelay $0x2  }
0x261: {  	v2 =	vsub.f32 $0.0e+00, v2  }
0x262: {  	v3 =	vsub.f32 $0.0e+00, v3  }
0x263: {  	v5 =	vld [tilespmem:s17+$0x4600];
	v4 =	vsub.f32 $0.0e+00, v4;
	v2 =	vmul.f32 $1.442695020e+00, v2  }
0x264: {  	v3 =	vmul.f32 $1.442695020e+00, v3  }
0x265: {  	v4 =	vmul.f32 $1.442695020e+00, v4;
	(erf) = vpow2.f32 v2  }
0x266: {  	v6 =	vld [tilespmem:s17+$0x4630];
	(erf) = vpow2.f32 v3  }
0x267: {  	v2 =	vld [tilespmem:s17+$0x4620];
	(erf) = vpow2.f32 v4  }
0x268: {  	v3 =	vld [tilespmem:s17+$0x4610];
	v4 =	vsub.f32 $0.0e+00, v5;
	_ =	sdelay $0x1  }
0x269: {  	s7 =	simm.s32 $0xC0;
	v4 =	vmul.f32 $1.442695020e+00, v4  }
0x26a: {  	v5 =	vsub.f32 $0.0e+00, v6;
	v6 =	vld [tilespmem:s7+$0x45D0]  }
0x26b: {  	v7 =	vld [tilespmem:s7+$0x45E0];
	v2 =	vsub.f32 $0.0e+00, v2  }
0x26c: {  	v5 =	vmul.f32 $1.442695020e+00, v5;
	v3 =	vsub.f32 $0.0e+00, v3  }
0x26d: {  	v8 =	vld [tilespmem:s17+$0x45C0];
	(erf) = vpow2.f32 v4;
	v2 =	vmul.f32 $1.442695020e+00, v2;
	v4 =	vpop (erf)  }
0x26e: {  	(erf) = vpow2.f32 v5;
	v5 =	vld [tilespmem:s7+$0x45F0];
	v3 =	vmul.f32 $1.442695020e+00, v3;
	v9 =	vpop (erf)  }
0x26f: {  	v6 =	vsub.f32 $0.0e+00, v6;
	(erf) = vpow2.f32 v2;
	v9 =	vadd.f32 $1.000000000e+00, v9;
	v10 =	vpop (erf)  }
0x270: {  	v2 =	vld [tilespmem:s7+$0x4600];
	(erf) = vpow2.f32 v3;
	v3 =	vsub.f32 $0.0e+00, v7;
	v7 =	vadd.f32 $1.000000000e+00, v10  }
0x271: {  	v6 =	vmul.f32 $1.442695020e+00, v6;
	(erf) = vrcp.f32 v9;
	v9 =	vld [tilespmem:s7+$0x4630]  }
0x272: {  	v3 =	vmul.f32 $1.442695020e+00, v3;
	(erf) = vrcp.f32 v7;
	v7 =	vsub.f32 $0.0e+00, v8  }
0x273: {  	v5 =	vsub.f32 $0.0e+00, v5  }
0x274: {  	v8 =	vld [tilespmem:s7+$0x4620];
	(erf) = vpow2.f32 v6;
	v7 =	vmul.f32 $1.442695020e+00, v7  }
0x275: {  	v5 =	vmul.f32 $1.442695020e+00, v5;
	v6 =	vld [tilespmem:s7+$0x4610];
	v2 =	vsub.f32 $0.0e+00, v2;
	(erf) = vpow2.f32 v3  }
0x276: {  	v3 =	vpop (erf);
	v9 =	vsub.f32 $0.0e+00, v9  }
0x277: {  	v2 =	vmul.f32 $1.442695020e+00, v2;
	(erf) = vpow2.f32 v5;
	v11 =	vpop (erf)  }
0x278: {  	v5 =	vld [tilespmem:s17+$0x65E0];
	(erf) = vpow2.f32 v7;
	v3 =	vadd.f32 $1.000000000e+00, v3;
	v7 =	vpop (erf);
	v9 =	vmul.f32 $1.442695020e+00, v9  }
0x279: {  	s14 =	simm.s32 $0x140;
	v12 =	vld [tilespmem:s17+$0x65F0];
	v8 =	vsub.f32 $0.0e+00, v8;
	(erf) = vpow2.f32 v2;
	v2 =	vadd.f32 $1.000000000e+00, v7  }
0x27a: {  	v4 =	vadd.f32 $1.000000000e+00, v4;
	v6 =	vsub.f32 $0.0e+00, v6;
	(erf) = vrcp.f32 v3;
	v3 =	vld [tilespmem:s14+$0x45D0];
	v13 =	vpop (erf)  }
0x27b: {  	v7 =	vld [tilespmem:s14+$0x45E0];
	v8 =	vmul.f32 $1.442695020e+00, v8;
	v14 =	vpop (erf);
	(erf) = vrcp.f32 v2  }
0x27c: {  	v10 =	vld [tilespmem:s7+$0x45C0];
	v13 =	vadd.f32 $1.000000000e+00, v13;
	v6 =	vmul.f32 $1.442695020e+00, v6;
	(erf) = vpow2.f32 v9;
	v9 =	vpop (erf)  }
0x27d: {  	v5 =	vmul.f32 v14, v5;
	v14 =	vld [tilespmem:s14+$0x45F0];
	v2 =	vpop (erf);
	(erf) = vrcp.f32 v4  }
0x27e: {  	v9 =	vmul.f32 v9, v12;
	v4 =	vpop (erf);
	(erf) = vrcp.f32 v13  }
0x27f: {  	v15 =	vld [tilespmem:s14+$0x4600];
	v3 =	vsub.f32 $0.0e+00, v3;
	v4 =	vadd.f32 $1.000000000e+00, v4;
	(erf) = vpow2.f32 v8  }
0x280: {  	v20 =	vld [tilespmem:s17+$0x6600];
	[tilespmem:s17+$0x65E0] =	vst v5;
	v8 =	vadd.f32 $1.000000000e+00, v11;
	v11 =	vpop (erf);
	(erf) = vpow2.f32 v6;
	v6 =	vsub.f32 $0.0e+00, v7  }
0x281: {  	v5 =	vld [tilespmem:s14+$0x4610];
	[tilespmem:s17+$0x65F0] =	vst v9;
	v9 =	vsub.f32 $0.0e+00, v10;
	v10 =	vpop (erf);
	v7 =	vadd.f32 $1.000000000e+00, v11;
	(erf) = vrcp.f32 v4  }
0x282: {  	v12 =	vld [tilespmem:s14+$0x4620];
	v11 =	vsub.f32 $0.0e+00, v14;
	v17 =	vpop (erf);
	(erf) = vrcp.f32 v8;
	v14 =	vmul.f32 $1.442695020e+00, v6  }
0x283: {  	v16 =	vld [tilespmem:s14+$0x4630];
	v8 =	vmul.f32 $1.442695020e+00, v3;
	v22 =	vpop (erf)  }
0x284: {  	v15 =	vsub.f32 $0.0e+00, v15;
	v4 =	vld [tilespmem:s17+$0x6610];
	v19 =	vmul.f32 $1.442695020e+00, v9;
	(erf) = vrcp.f32 v7;
	v3 =	vpop (erf)  }
0x285: {  	v23 =	vadd.f32 $1.000000000e+00, v10;
	v10 =	vld [tilespmem:s17+$0x6620];
	v18 =	vmul.f32 $1.442695020e+00, v11;
	(erf) = vpow2.f32 v8;
	v7 =	vpop (erf)  }
0x286: {  	v15 =	vmul.f32 $1.442695020e+00, v15;
	v11 =	vld [tilespmem:s17+$0x65D0];
	(erf) = vpow2.f32 v14;
	v14 =	vpop (erf)  }
0x287: {  	v6 =	vld [tilespmem:s14+$0x45C0];
	v13 =	vsub.f32 $0.0e+00, v5;
	v12 =	vsub.f32 $0.0e+00, v12;
	(erf) = vpow2.f32 v18;
	v8 =	vpop (erf)  }
0x288: {  	v5 =	vld [tilespmem:s17+$0x65C0];
	v20 =	vmul.f32 v22, v20;
	v16 =	vsub.f32 $0.0e+00, v16;
	(erf) = vpow2.f32 v19;
	v19 =	vpop (erf)  }
0x289: {  	v21 =	vadd.f32 $1.000000000e+00, v17;
	v9 =	vmul.f32 $1.442695020e+00, v12;
	(erf) = vpow2.f32 v15;
	v15 =	vld [tilespmem:s7+$0x65E0];
	v18 =	vpop (erf)  }
0x28a: {  	s18 =	simm.s32 $0x700;
	v12 =	vld [tilespmem:s7+$0x65F0];
	v16 =	vmul.f32 $1.442695020e+00, v16;
	v19 =	vadd.f32 $1.000000000e+00, v19;
	(erf) = vrcp.f32 v23;
	v17 =	vpop (erf)  }
.LBB2_23:
0x28b: {  	s19 =	sshra.s32 s18, $0x2;
	p0 =	sne.s32 s18, $0x7F00;
	s18 =	sadd.s32 $0x200, s18;
	v13 =	vmul.f32 $1.442695020e+00, v13;
	v18 =	vadd.f32 $1.000000000e+00, v18;
	(erf) = vrcp.f32 v21;
	v21 =	vld [tilespmem:s17+$0x6630];
	v22 =	vpop (erf)  }
0x28c: {  	v24 =	vadd.f32 $1.000000000e+00, v2;
	v11 =	vmul.f32 v14, v11;
	v23 =	vld [tilespmem:s19+$0x45E0];
	(erf) = vrcp.f32 v19;
	[tilespmem:s17+$0x6600] =	vst v20  }
0x28d: {  	v14 =	vld [tilespmem:s19+$0x45D0];
	(erf) = vpow2.f32 v16;
	v16 =	vpop (erf)  }
0x28e: {  	v7 =	vadd.f32 $1.000000000e+00, v7;
	v2 =	vpop (erf);
	v19 =	vmul.f32 v17, v15;
	v20 =	vld [tilespmem:s7+$0x6600];
	(erf) = vrcp.f32 v24;
	[tilespmem:s17+$0x65D0] =	vst v11  }
0x28f: {  	v12 =	vmul.f32 v16, v12;
	v11 =	vld [tilespmem:s19+$0x45F0];
	v17 =	vpop (erf);
	(erf) = vrcp.f32 v18  }
0x290: {  	v4 =	vmul.f32 v8, v4;
	v16 =	vld [tilespmem:s19+$0x4600];
	v24 =	vadd.f32 $1.000000000e+00, v17;
	v18 =	vpop (erf);
	(erf) = vpow2.f32 v9;
	[tilespmem:s7+$0x65E0] =	vst v19  }
0x291: {  	v9 =	vsub.f32 $0.0e+00, v6;
	v21 =	vmul.f32 v22, v21;
	v8 =	vld [tilespmem:s19+$0x4610];
	(erf) = vpow2.f32 v13;
	[tilespmem:s7+$0x65F0] =	vst v12;
	v15 =	vpop (erf)  }
0x292: {  	v12 =	vsub.f32 $0.0e+00, v14;
	v14 =	vld [tilespmem:s19+$0x4620];
	(erf) = vrcp.f32 v24;
	v17 =	vpop (erf);
	[tilespmem:s17+$0x6610] =	vst v4;
	v24 =	vmul.f32 v3, v10  }
0x293: {  	v13 =	vadd.f32 $1.000000000e+00, v18;
	v10 =	vsub.f32 $0.0e+00, v23;
	v19 =	vld [tilespmem:s19+$0x4630];
	(erf) = vrcp.f32 v7;
	[tilespmem:s17+$0x6630] =	vst v21;
	v6 =	vpop (erf)  }
0x294: {  	v18 =	vmul.f32 $1.442695020e+00, v12;
	v11 =	vsub.f32 $0.0e+00, v11;
	v4 =	vld [tilespmem:s7+$0x6610];
	v22 =	vpop (erf);
	v5 =	vmul.f32 v6, v5;
	[tilespmem:s17+$0x6620] =	vst v24  }
0x295: {  	v10 =	vmul.f32 $1.442695020e+00, v10;
	v12 =	vsub.f32 $0.0e+00, v16;
	(erf) = vrcp.f32 v13;
	v3 =	vpop (erf)  }
0x296: {  	v16 =	vmul.f32 $1.442695020e+00, v11;
	v13 =	vsub.f32 $0.0e+00, v8;
	(erf) = vpow2.f32 v18;
	v7 =	vpop (erf);
	v11 =	vld [tilespmem:s7+$0x65D0];
	[tilespmem:s17+$0x65C0] =	vst v5;
	s17 =	smov.u32 s7;
	s7 =	smov.u32 s14;
	s14 =	smov.u32 s19  }
.Ltmp10:
0x297: {  	v23 =	vmul.f32 $1.442695020e+00, v9;
	v6 =	vld [tilespmem:s14+$0x45C0];
	v24 =	vsub.f32 $0.0e+00, v14;
	(erf) = vpow2.f32 v10;
	v14 =	vpop (erf);
	(pc) =	sbr.rel @p0 .LBB2_23-.Ltmp10, $4  }
0x298: {  	v21 =	vmul.f32 $1.442695020e+00, v12;
	v19 =	vsub.f32 $0.0e+00, v19;
	(erf) = vpow2.f32 v16;
	v5 =	vld [tilespmem:s17+$0x65C0];
	v8 =	vpop (erf)  }
0x299: {  	v9 =	vmul.f32 $1.442695020e+00, v24;
	v12 =	vld [tilespmem:s7+$0x65F0];
	(erf) = vpow2.f32 v23;
	v10 =	vpop (erf);
	v23 =	vadd.f32 $1.000000000e+00, v15  }
0x29a: {  	v16 =	vmul.f32 $1.442695020e+00, v19;
	(erf) = vpow2.f32 v21;
	v15 =	vld [tilespmem:s7+$0x65E0];
	v21 =	vadd.f32 $1.000000000e+00, v17;
	v18 =	vpop (erf)  }
0x29b: {  	v20 =	vmul.f32 v22, v20;
	v19 =	vadd.f32 $1.000000000e+00, v10;
	v17 =	vpop (erf);
	v10 =	vld [tilespmem:s17+$0x6620];
	(erf) = vrcp.f32 v23  }
0x29c: {  	(erf) = vrcp.f32 v21;
	v62 =	vld [tilespmem:s17+$0x6630]  }
0x29d: {  	v22 =	vpop (erf);
	v2 =	vadd.f32 $1.000000000e+00, v2;
	(erf) = vrcp.f32 v19  }
0x29e: {  	v11 =	vmul.f32 v14, v11;
	(erf) = vpow2.f32 v16;
	v23 =	vpop (erf)  }
0x29f: {  	[tilespmem:s17+$0x6600] =	vst v20;
	(erf) = vrcp.f32 v2;
	v2 =	vmul.f32 v23, v12  }
0x2a0: {  	v63 =	vadd.f32 $1.000000000e+00, v18;
	v24 =	vld [tilespmem:s7+$0x6600];
	[tilespmem:s17+$0x65D0] =	vst v11;
	v25 =	vpop (erf)  }
0x2a1: {  	v13 =	vmul.f32 $1.442695020e+00, v13;
	v26 =	vpop (erf);
	[tilespmem:s7+$0x65F0] =	vst v2;
	v2 =	vmul.f32 v22, v62  }
0x2a2: {  	v15 =	vmul.f32 v17, v15;
	(erf) = vrcp.f32 v63;
	v28 =	vpop (erf)  }
0x2a3: {  	v4 =	vmul.f32 v8, v4;
	v27 =	vadd.f32 $1.000000000e+00, v26;
	(erf) = vpow2.f32 v9;
	v29 =	vpop (erf)  }
0x2a4: {  	v7 =	vadd.f32 $1.000000000e+00, v7;
	v3 =	vmul.f32 v3, v10;
	[tilespmem:s7+$0x65E0] =	vst v15;
	(erf) = vpow2.f32 v13;
	v30 =	vpop (erf)  }
0x2a5: {  	v31 =	vadd.f32 $1.000000000e+00, v28;
	(erf) = vrcp.f32 v27;
	[tilespmem:s17+$0x6630] =	vst v2;
	v2 =	vpop (erf)  }
0x2a6: {  	v6 =	vsub.f32 $0.0e+00, v6;
	[tilespmem:s17+$0x6610] =	vst v4;
	(erf) = vrcp.f32 v7;
	v2 =	vmul.f32 v2, v5  }
0x2a7: {  	v32 =	vld [tilespmem:s7+$0x6610];
	[tilespmem:s17+$0x6620] =	vst v3;
	(erf) = vrcp.f32 v31;
	v33 =	vpop (erf)  }
0x2a8: {  	v34 =	vld [tilespmem:s7+$0x65D0];
	v3 =	vpop (erf);
	[tilespmem:s17+$0x65C0] =	vst v2;
	v2 =	vmul.f32 $1.442695020e+00, v6  }
0x2a9: {  	v35 =	vpop (erf)  }
0x2aa: {  	v36 =	vpop (erf);
	(erf) = vpow2.f32 v2;
	v2 =	vadd.f32 $1.000000000e+00, v29  }
0x2ab: {  	v39 =	vld [tilespmem:s14+$0x65E0];
	v38 =	vpop (erf)  }
0x2ac: {  	v40 =	vld [tilespmem:s14+$0x65F0];
	v41 =	vpop (erf);
	(erf) = vrcp.f32 v2  }
0x2ad: {  	v42 =	vpop (erf)  }
0x2ae: {  	v4 =	vadd.f32 $1.000000000e+00, v30;
	v10 =	vmul.f32 v33, v24;
	v44 =	vld [tilespmem:s7+$0x6630];
	v2 =	vpop (erf)  }
0x2af: {  	v43 =	vld [tilespmem:s7+$0x6620];
	v5 =	vmul.f32 v36, v34;
	v46 =	vadd.f32 $1.000000000e+00, v41;
	v45 =	vpop (erf)  }
0x2b0: {  	v49 =	vadd.f32 $1.000000000e+00, v25;
	v37 =	vld [tilespmem:s7+$0x65C0];
	[tilespmem:s7+$0x6600] =	vst v10;
	(erf) = vrcp.f32 v4;
	v2 =	vmul.f32 v2, v39;
	v47 =	vpop (erf)  }
0x2b1: {  	v48 =	vld [tilespmem:s14+$0x6600];
	[tilespmem:s7+$0x65D0] =	vst v5;
	v51 =	vadd.f32 $1.000000000e+00, v42;
	(erf) = vrcp.f32 v46;
	v50 =	vmul.f32 v47, v40  }
0x2b2: {  	v52 =	vadd.f32 $1.000000000e+00, v35;
	(erf) = vrcp.f32 v49;
	[tilespmem:s14+$0x65E0] =	vst v2;
	v2 =	vmul.f32 v38, v32  }
0x2b3: {  	v53 =	vmul.f32 v45, v44;
	(erf) = vrcp.f32 v51;
	[tilespmem:s14+$0x65F0] =	vst v50;
	v54 =	vpop (erf)  }
0x2b4: {  	(erf) = vrcp.f32 v52;
	[tilespmem:s7+$0x6610] =	vst v2;
	v2 =	vmul.f32 v3, v43;
	v3 =	vadd.f32 $1.000000000e+00, v54  }
0x2b5: {  	[tilespmem:s7+$0x6630] =	vst v53;
	v55 =	vpop (erf)  }
0x2b6: {  	v56 =	vld [tilespmem:s14+$0x6610];
	v4 =	vmul.f32 v55, v37;
	[tilespmem:s7+$0x6620] =	vst v2;
	(erf) = vrcp.f32 v3  }
0x2b7: {  	v2 =	vld [tilespmem:s14+$0x65D0]  }
0x2b8: {  	[tilespmem:s7+$0x65C0] =	vst v4  }
0x2b9: {  	v3 =	vpop (erf);
	v4 =	vld [tilespmem:s14+$0x6630]  }
0x2ba: {  	v57 =	vpop (erf);
	v58 =	vld [tilespmem:s14+$0x6620]  }
0x2bb: {  	v60 =	vld [tilespmem:s14+$0x65C0];
	v3 =	vmul.f32 v3, v48;
	v59 =	vpop (erf)  }
0x2bc: {  	v61 =	vpop (erf);
	v2 =	vmul.f32 v59, v2  }
0x2bd: {  	[tilespmem:s14+$0x6600] =	vst v3;
	v62 =	vpop (erf);
	v3 =	vmul.f32 v61, v56  }
0x2be: {  	[tilespmem:s14+$0x65D0] =	vst v2;
	v2 =	vmul.f32 v62, v4  }
0x2bf: {  	s8 =	sadd.s32 $0x1, s8;
	[tilespmem:s14+$0x6610] =	vst v3;
	v3 =	vmul.f32 v57, v58;
	v63 =	vpop (erf)  }
0x2c0: {  	p0 =	sne.s32 s8, $0x28;
	[tilespmem:s14+$0x6630] =	vst v2;
	v2 =	vmul.f32 v63, v60  }
.Ltmp11:
0x2c1: {  	[tilespmem:s14+$0x6620] =	vst v3;
	(pc) =	sbr.rel @p0 .LBB2_8-.Ltmp11, $4  }
0x2c2: {  	s0 =	simm.s32 $0x480;
	s2 =	simm.s32 $0x6600;
	[tilespmem:s14+$0x65C0] =	vst v2  }
0x2c3: {  	[spmem:s3] =	stream.indirect.scatter.add.f32 [tilespmem:s2], [sflag:$0x3], $0x80, s0, s16, $0xb8;
	[tilespmem:$0x1F600] =	vst v63  }
0x2c4: {  	s31 =	simm.s32 $0x580  }
0x2c5: {  	[spmem:s3] =	stream.indirect.scatter.add.f32 [tilespmem:s25], [sflag:$0x4], $0x80, s31, s16, $0xb8;
	[tilespmem:$0x1F600] =	vst v63  }
0x2c6: {  	_ =	swait.ge [sflag:s1], $0x2000  }
0x2c7: {  	[sflag:s1] =	ssyncset.done $0x0  }
0x2c8: {  	[sflag:s1] =	ssyncadd.s32 $0xFFFFE000  }
0x2c9: {  	_ =	swait.ge [sflag:s1], $0x2000  }
0x2ca: {  	[sflag:s1] =	ssyncset.done $0x0  }
0x2cb: {  	[sflag:s1] =	ssyncadd.s32 $0xFFFFE000  }
0x2cc: {  	_ =	swait.ge [sflag:s29], $0x2000  }
0x2cd: {  	[sflag:s29] =	ssyncset.done $0x0  }
0x2ce: {  	[sflag:s29] =	ssyncadd.s32 $0xFFFFE000  }
0x2cf: {  	[bflag:$0x0] =	sbarrier.arrive $0xFFFF  }
0x2d0: {  	[tilespmem:s11], [sflag:$0x5] =	stream.linear.gather [spmem:s9], $0xC00, $0x38;
	[tilespmem:$0x1F600] =	vst v63  }
0x2d1: {  	_ =	swait.ge [sflag:s12], $0xC00  }
0x2d2: {  	[sflag:s12] =	ssyncset.done $0x0  }
0x2d3: {  	s0 =	sadd.s32 $0x0, s10;
	[sflag:s12] =	ssyncadd.s32 $0xFFFFF400  }
0x2d4: {  	[hbm4b:s0+s4] =	stream.linear.scatter [tilespmem:s11], [sflag:$0x5], $0xC00, $0x38;
	[tilespmem:$0x1F600] =	vst v63  }
0x2d5: {  	_ =	swait.ge [sflag:s12], $0xC00  }
0x2d6: {  	s7 =	simm.s32 $0x180;
	s8 =	smov.u32 s9;
	[sflag:s12] =	ssyncset.done $0x0  }
.LBB2_26:
0x2d7: {  	p0 =	sne.s32 s7, $0x2700;
	[sflag:s12] =	ssyncadd.s32 $0xFFFFF400;
	s8 =	sadd.s32 $0xC00, s8  }
0x2d8: {  	[tilespmem:s11], [sflag:$0x5] =	stream.linear.gather [spmem:s8], $0xC00, $0x38;
	[tilespmem:$0x1F600] =	vst v63  }
0x2d9: {  	s0 =	smov.u32 s7;
	s7 =	sadd.s32 $0x180, s7;
	_ =	swait.ge [sflag:s12], $0xC00  }
.Ltmp12:
0x2da: {  	[sflag:s12] =	ssyncset.done $0x0;
	(pc) =	sbr.rel @p0 .LBB2_26-.Ltmp12, $4  }
0x2db: {  	s0 =	sadd.s32 s0, s10;
	[sflag:s12] =	ssyncadd.s32 $0xFFFFF400  }
0x2dc: {  	[hbm4b:s0+s4] =	stream.linear.scatter [tilespmem:s11], [sflag:$0x5], $0xC00, $0x38;
	[tilespmem:$0x1F600] =	vst v63  }
0x2dd: {  	_ =	swait.ge [sflag:s12], $0xC00  }
0x2de: {  	[sflag:s12] =	ssyncset.done $0x0  }
0x2df: {  	s2 =	rddreg [dreg:$0x6]  }
0x2e0: {  	s0 =	rddreg [dreg:$0x5];
	s2 =	sadd.s32 $0x1, s2  }
0x2e1: {  	p0 =	sne.s32 s2, s0  }
.Ltmp13:
0x2e2: {  	_ = 	snop;
	(pc) =	sbr.rel @p0 .LBB2_1-.Ltmp13, $2  }
0x2e3: {  	_ =	sdelay $0x2  }
0x2e4: {  	[sflag:s12] =	ssyncadd.s32 $0xFFFFF400  }
0x2e5: {  	_ =	sfence.sel $0x180000  }
0x2e6: {  	[bflag:$0x0] =	sbarrier.arrive $0xFFFF  }
0x2e7: {  	_ =	strace $0x90000047  }
0x2e8: {  	s0 =	stileid.u32;
	[bflag:$0x2] =	sbarrier.arrive $0xFFFF  }
0x2e9: {  	p0 =	sne.s32 s0, $0x0;
	s0 =	rddreg [dreg:$0x3]  }
0x2ea: {  	s0 =	sadd.s32 @!p0 $0x100000, s0  }
0x2eb: {  	[sflag:s0] =	ssyncadd.tile.s32 @!p0 $0x1;
	_ =	shalt  }
.Lfunc_end2:
_tile_overlayer_lowered:
.L_overlay_start_2:
0x2ec: {  	(tag) =	ssettag $0x2  }
0x2ed: {  	s0 =	rddreg [dreg:$0x0];
	s2 =	stileid.u32  }
0x2ee: {  	s1 =	rddreg [dreg:$0x1];
	p0 =	sne.s32 s2, $0x0  }
0x2ef: {  	s3 =	rddreg [dreg:$0x2];
	[bflag:$0x3] =	sbarrier.arrive $0xFFFF;
	s2 =	simm.s32 @!p0 $0x1C05  }
0x2f0: {  	[timem:s3], [sflag:s2] =	dma.local @!p0 [hbm:s0], s1  }
0x2f1: {  	s0 =	simm.s32 @!p0 $0x5  }
0x2f2: {  	_ =	swait.ge @!p0 [sflag:s0], s1  }
0x2f3: {  	s1 =	ssub.s32 @!p0 $0x0, s1;
	[sflag:s0] =	ssyncset.done @!p0 $0x0  }
0x2f4: {  	[sflag:s0] =	ssyncadd.s32 @!p0 s1  }
0x2f5: {  	[bflag:$0x3] =	sbarrier.arrive $0xFFFF  }
0x2f6: {  	_ =	shalt  }

</sc_bundles>
